<compile_context>
chip_gen: v7x
topology: tpu7x:2x2x1
jax: 0.10.2.dev20260603
libtpu: 0.0.44.dev20260713+nightly
codegen_flags: <defaults>
</compile_context>

<pallas_src>
import functools

import jax
import jax.numpy as jnp
from jax import lax
from jax.experimental import pallas as pl
from jax.experimental.pallas import tpu as pltpu
from jax.experimental.pallas import tpu_sc as plsc

_N = 10000
_E = 160000
_D = 256
_DH = _D // 2

_NT = 16
_CH = 80
_NCH = 125
_EPT = _NCH * _CH

_ACC_ROWS = 10112
_ZROWS = _ACC_ROWS // _NT

_mesh = plsc.VectorSubcoreMesh(core_axis_name="c", subcore_axis_name="s")


@functools.partial(
    pl.kernel,
    out_type=jax.ShapeDtypeStruct((2, _ACC_ROWS, _DH), jnp.float32),
    mesh=_mesh,
    scratch_types=[
        pltpu.VMEM((_CH,), jnp.int32),
        pltpu.VMEM((_CH,), jnp.int32),
        pltpu.VMEM((_CH,), jnp.int32),
        pltpu.VMEM((_CH,), jnp.int32),
        pltpu.VMEM((_CH,), jnp.int32),
        pltpu.VMEM((_CH,), jnp.int32),
        pltpu.VMEM((_CH, _DH), jnp.float32),
        pltpu.VMEM((_CH, _DH), jnp.float32),
        pltpu.VMEM((_CH, _DH), jnp.float32),
        pltpu.VMEM_SHARED((_ACC_ROWS, _DH), jnp.float32),
        pltpu.SemaphoreType.DMA,
        pltpu.SemaphoreType.DMA,
        pltpu.SemaphoreType.DMA,
        pltpu.SemaphoreType.DMA,
        pltpu.SemaphoreType.DMA,
        pltpu.SemaphoreType.DMA,
        pltpu.SemaphoreType.DMA,
        pltpu.SemaphoreType.DMA,
        pltpu.SemaphoreType.DMA,
        pltpu.SemaphoreType.DMA,
        pltpu.SemaphoreType.DMA,
        pltpu.SemaphoreType.DMA,
    ],
)
def _sc_neigh(src_hbm, dst_hbm, h0_hbm, h1_hbm, zeros_hbm, out_hbm,
              srcA, srcB, srcC, dstA, dstB, dstC, rows0, rows1, rows2, acc,
              semSrcA, semSrcB, semSrcC, semDstA, semDstB, semDstC,
              semG0, semG1, semG2, semS0, semS1, semS2):
    c = lax.axis_index("c")
    s = lax.axis_index("s")
    srcI = (srcA, srcB, srcC)
    dstI = (dstA, dstB, dstC)
    semSrc = (semSrcA, semSrcB, semSrcC)
    semDst = (semDstA, semDstB, semDstC)
    rowsR = (rows0, rows1, rows2)
    semG = (semG0, semG1, semG2)
    semS = (semS0, semS1, semS2)

    def src_load(j, k):
        pltpu.async_copy(src_hbm.at[pl.ds(s * _EPT + j * _CH, _CH)],
                         srcI[k], semSrc[k])

    def src_wait(j, k):
        pltpu.make_async_copy(src_hbm.at[pl.ds(s * _EPT + j * _CH, _CH)],
                              srcI[k], semSrc[k]).wait()

    def dst_load(j, k):
        pltpu.async_copy(dst_hbm.at[pl.ds(s * _EPT + j * _CH, _CH)],
                         dstI[k], semDst[k])

    def dst_wait(j, k):
        pltpu.make_async_copy(dst_hbm.at[pl.ds(s * _EPT + j * _CH, _CH)],
                              dstI[k], semDst[k]).wait()

    def run(h_ref):
        def gather(k):
            pltpu.async_copy(h_ref.at[srcI[k]], rowsR[k], semG[k])

        def gather_wait(k):
            pltpu.make_async_copy(h_ref.at[srcI[k]], rowsR[k], semG[k]).wait()

        def scatter(k):
            pltpu.async_copy(rowsR[k], acc.at[dstI[k]], semS[k], add=True)

        def scatter_wait(k):
            pltpu.make_async_copy(rowsR[k], acc.at[dstI[k]], semS[k]).wait()

        def step(jj, k, do_scatter_wait=True, do_dst_load=True,
                 do_gather_next=True, do_src_load=True):
            kn = (k + 1) % 3
            if do_scatter_wait:
                scatter_wait(kn)
            if do_dst_load:
                dst_load(jj + 1, kn)
            if do_gather_next:
                src_wait(jj + 1, kn)
                gather(kn)
            gather_wait(k)
            if do_src_load:
                src_load(jj + 3, k)
            dst_wait(jj, k)
            scatter(k)

        src_load(0, 0)
        dst_load(0, 0)
        src_load(1, 1)
        dst_load(1, 1)
        src_load(2, 2)
        dst_load(2, 2)
        src_wait(0, 0)
        gather(0)
        pltpu.sync_copy(zeros_hbm, acc.at[pl.ds(s * _ZROWS, _ZROWS)])
        plsc.subcore_barrier()
        step(0, 0, do_scatter_wait=False, do_dst_load=False)
        step(1, 1, do_scatter_wait=False, do_dst_load=False)

        def body6(g, carry):
            j0 = 6 * g + 2
            for b in range(6):
                step(j0 + b, (2 + b) % 3)
            return carry

        lax.fori_loop(0, (_NCH - 6) // 6, body6, 0)

        for jj in range(2 + 6 * ((_NCH - 6) // 6), _NCH):
            step(jj, jj % 3,
                 do_dst_load=jj + 1 < _NCH,
                 do_gather_next=jj + 1 < _NCH,
                 do_src_load=jj + 3 < _NCH)
        scatter_wait((_NCH - 2) % 3)
        scatter_wait((_NCH - 1) % 3)

    @pl.when(c == 0)
    def _():
        run(h0_hbm)

    @pl.when(c == 1)
    def _():
        run(h1_hbm)

    plsc.subcore_barrier()
    pltpu.sync_copy(acc.at[pl.ds(s * _ZROWS, _ZROWS)],
                    out_hbm.at[c, pl.ds(s * _ZROWS, _ZROWS)])


_RB = 2000


def _mlp_body(eps_ref, h_ref, n0_ref, n1_ref, w1_ref, b1_ref, w2_ref,
              b2_ref, o_ref):
    neigh = jnp.concatenate([n0_ref[0], n1_ref[0]], axis=1)
    z = (1.0 + eps_ref[0, 0]) * h_ref[...] + neigh
    hid = jnp.maximum(
        jnp.dot(z, w1_ref[...], preferred_element_type=jnp.float32)
        + b1_ref[...], 0.0)
    o_ref[...] = jnp.maximum(
        jnp.dot(hid, w2_ref[...], preferred_element_type=jnp.float32)
        + b2_ref[...], 0.0)


_mlp = pl.pallas_call(
    _mlp_body,
    grid=(_N // _RB,),
    in_specs=[
        pl.BlockSpec(memory_space=pltpu.SMEM),
        pl.BlockSpec((_RB, _D), lambda i: (i, 0)),
        pl.BlockSpec((1, _RB, _DH), lambda i: (0, i, 0)),
        pl.BlockSpec((1, _RB, _DH), lambda i: (1, i, 0)),
        pl.BlockSpec((_D, _D), lambda i: (0, 0)),
        pl.BlockSpec((1, _D), lambda i: (0, 0)),
        pl.BlockSpec((_D, _D), lambda i: (0, 0)),
        pl.BlockSpec((1, _D), lambda i: (0, 0)),
    ],
    out_specs=pl.BlockSpec((_RB, _D), lambda i: (i, 0)),
    out_shape=jax.ShapeDtypeStruct((_N, _D), jnp.float32),
)


def kernel(h, edge_index, eps, W1, b1, W2, b2):
    ei = edge_index
    if ei.dtype != jnp.int32:
        ei = ei.astype(jnp.int32)
    src = ei[1]
    dst = ei[0]
    h0 = h[:, :_DH]
    h1 = h[:, _DH:]
    zeros = jnp.zeros((_ZROWS, _DH), jnp.float32)

    neigh = _sc_neigh(src, dst, h0, h1, zeros)

    eps2d = eps.astype(jnp.float32).reshape(1, 1)
    return _mlp(eps2d, h, neigh, neigh, W1,
                b1.reshape(1, _D), W2, b2.reshape(1, _D))

# --- scband reference (transcript-rebuilt; emitter-appended) ---
"""Pipeline reference for scband-ginlayer-71743133712860 (READ-ONLY COPY).

The authoritative reference and input builder live on the scoring server;
editing this copy changes nothing except your own understanding.
"""

import jax, jax.numpy as jnp
import numpy as np

N_NODES = 10000
N_EDGES = 160000
D_IN = 256
D_OUT = 256

def setup_inputs(seed: int = 0) -> dict:
    key = jax.random.key(seed)
    k1, k2, k3, k4, k5 = jax.random.split(key, 5)
    h = jax.random.normal(k1, (N_NODES, D_IN), dtype=jnp.float32)
    edge_index = jax.random.randint(k2, (2, N_EDGES), 0, N_NODES, dtype=jnp.int64)
    # mlp params: Linear(in,out) -> ReLU -> Linear(out,out)
    s1 = 1.0 / np.sqrt(D_IN)
    s2 = 1.0 / np.sqrt(D_OUT)
    W1 = jax.random.uniform(k3, (D_IN, D_OUT), dtype=jnp.float32, minval=-s1, maxval=s1)
    b1 = jnp.zeros((D_OUT,), dtype=jnp.float32)
    W2 = jax.random.uniform(k4, (D_OUT, D_OUT), dtype=jnp.float32, minval=-s2, maxval=s2)
    b2 = jnp.zeros((D_OUT,), dtype=jnp.float32)
    eps = jnp.asarray(0.0, dtype=jnp.float32)
    return {"h": h, "edge_index": edge_index, "eps": eps, "W1": W1, "b1": b1, "W2": W2, "b2": b2}

def reference(h, edge_index, eps, W1, b1, W2, b2):
    # neigh = A @ h  where A is the (unweighted) sparse adjacency given by edge_index
    # row = dst node, col = src node -> neigh[dst] += h[src]
    src = edge_index[1]
    dst = edge_index[0]
    gathered = jnp.take(h, src, axis=0)  # gather [E, D_IN]
    neigh = jax.ops.segment_sum(gathered, dst, num_segments=N_NODES)  # scatter-add
    z = (1.0 + eps) * h + neigh
    hid = jax.nn.relu(z @ W1 + b1)
    out = hid @ W2 + b2
    out = jax.nn.relu(out)
    # dropout p=0.0 -> identity
    return out

if __name__ == "__main__":
    import jax
    _d = setup_inputs()
    print(jax.jit(kernel)(*tuple(_d.values())))

</pallas_src>

<mosaic_0001>
#map = affine_map<(d0, d1) -> (0)>
#map1 = affine_map<(d0, d1) -> (0, 0)>
#map2 = affine_map<(d0, d1) -> (0, 0, 0)>
module attributes {stable_mosaic.version = 14 : i64} {
  func.func @_sc_neigh(%arg0: i32, %arg1: i32, %arg2: memref<160000xi32, #tpu.memory_space<hbm>>, %arg3: memref<160000xi32, #tpu.memory_space<hbm>>, %arg4: memref<10000x128xf32, #tpu.memory_space<hbm>>, %arg5: memref<10000x128xf32, #tpu.memory_space<hbm>>, %arg6: memref<632x128xf32, #tpu.memory_space<hbm>>, %arg7: memref<2x10112x128xf32, #tpu.memory_space<hbm>>, %arg8: memref<80xi32, #tpu.memory_space<vmem>>, %arg9: memref<80xi32, #tpu.memory_space<vmem>>, %arg10: memref<80xi32, #tpu.memory_space<vmem>>, %arg11: memref<80xi32, #tpu.memory_space<vmem>>, %arg12: memref<80xi32, #tpu.memory_space<vmem>>, %arg13: memref<80xi32, #tpu.memory_space<vmem>>, %arg14: memref<80x128xf32, #tpu.memory_space<vmem>>, %arg15: memref<80x128xf32, #tpu.memory_space<vmem>>, %arg16: memref<80x128xf32, #tpu.memory_space<vmem>>, %arg17: memref<10112x128xf32, #tpu.memory_space<vmem_shared>>, %arg18: memref<!tpu.dma_semaphore, #tpu.memory_space<semaphore_mem>>, %arg19: memref<!tpu.dma_semaphore, #tpu.memory_space<semaphore_mem>>, %arg20: memref<!tpu.dma_semaphore, #tpu.memory_space<semaphore_mem>>, %arg21: memref<!tpu.dma_semaphore, #tpu.memory_space<semaphore_mem>>, %arg22: memref<!tpu.dma_semaphore, #tpu.memory_space<semaphore_mem>>, %arg23: memref<!tpu.dma_semaphore, #tpu.memory_space<semaphore_mem>>, %arg24: memref<!tpu.dma_semaphore, #tpu.memory_space<semaphore_mem>>, %arg25: memref<!tpu.dma_semaphore, #tpu.memory_space<semaphore_mem>>, %arg26: memref<!tpu.dma_semaphore, #tpu.memory_space<semaphore_mem>>, %arg27: memref<!tpu.dma_semaphore, #tpu.memory_space<semaphore_mem>>, %arg28: memref<!tpu.dma_semaphore, #tpu.memory_space<semaphore_mem>>, %arg29: memref<!tpu.dma_semaphore, #tpu.memory_space<semaphore_mem>>) attributes {dimension_semantics = [#tpu.dimension_semantics<core_parallel>, #tpu.dimension_semantics<subcore_parallel>], iteration_bounds = array<i64: 2, 16>, scalar_prefetch = 0 : i64, scratch_operands = 22 : i64, tpu.core_type = #tpu.core_type<sc_vector_subcore>, window_params = [{transform_indices = #map}, {transform_indices = #map}, {transform_indices = #map1}, {transform_indices = #map1}, {transform_indices = #map1}, {transform_indices = #map2}]} {
    %eq3A = arith.constant 0 : i32
    %eq3A_0 = arith.cmpi eq, %arg0, %eq3A : i32
    %convert_element_type3A = arith.extui %eq3A_0 : i1 to i32
    %cond3A = arith.constant 0 : i32
    %cond3A_1 = arith.cmpi ne, %convert_element_type3A, %cond3A : i32
    scf.if %cond3A_1 {
      %mul3A_10 = arith.constant 10000 : i32
      %mul3A_11 = arith.muli %arg1, %mul3A_10 : i32
      %add3A = arith.constant 0 : i32
      %add3A_12 = arith.addi %mul3A_11, %add3A : i32
      %dma_start3A = tpu.memref_slice %arg2[%add3A_12] : memref<160000xi32, #tpu.memory_space<hbm>> -> memref<80xi32, #tpu.memory_space<hbm>>
      %dma_start3A_13 = tpu.memref_slice %arg2[%add3A_12] : memref<160000xi32, #tpu.memory_space<hbm>> -> memref<80xi32, #tpu.memory_space<hbm>>
      tpu.enqueue_dma source(%dma_start3A_13 : memref<80xi32, #tpu.memory_space<hbm>>) target(%arg8 : memref<80xi32, #tpu.memory_space<vmem>>) target_semaphore(%arg18 : memref<!tpu.dma_semaphore, #tpu.memory_space<semaphore_mem>>)
      %mul3A_14 = arith.constant 10000 : i32
      %mul3A_15 = arith.muli %arg1, %mul3A_14 : i32
      %add3A_16 = arith.constant 0 : i32
      %add3A_17 = arith.addi %mul3A_15, %add3A_16 : i32
      %dma_start3A_18 = tpu.memref_slice %arg3[%add3A_17] : memref<160000xi32, #tpu.memory_space<hbm>> -> memref<80xi32, #tpu.memory_space<hbm>>
      %dma_start3A_19 = tpu.memref_slice %arg3[%add3A_17] : memref<160000xi32, #tpu.memory_space<hbm>> -> memref<80xi32, #tpu.memory_space<hbm>>
      tpu.enqueue_dma source(%dma_start3A_19 : memref<80xi32, #tpu.memory_space<hbm>>) target(%arg11 : memref<80xi32, #tpu.memory_space<vmem>>) target_semaphore(%arg21 : memref<!tpu.dma_semaphore, #tpu.memory_space<semaphore_mem>>)
      %mul3A_20 = arith.constant 10000 : i32
      %mul3A_21 = arith.muli %arg1, %mul3A_20 : i32
      %add3A_22 = arith.constant 80 : i32
      %add3A_23 = arith.addi %mul3A_21, %add3A_22 : i32
      %dma_start3A_24 = tpu.memref_slice %arg2[%add3A_23] : memref<160000xi32, #tpu.memory_space<hbm>> -> memref<80xi32, #tpu.memory_space<hbm>>
      %dma_start3A_25 = tpu.memref_slice %arg2[%add3A_23] : memref<160000xi32, #tpu.memory_space<hbm>> -> memref<80xi32, #tpu.memory_space<hbm>>
      tpu.enqueue_dma source(%dma_start3A_25 : memref<80xi32, #tpu.memory_space<hbm>>) target(%arg9 : memref<80xi32, #tpu.memory_space<vmem>>) target_semaphore(%arg19 : memref<!tpu.dma_semaphore, #tpu.memory_space<semaphore_mem>>)
      %mul3A_26 = arith.constant 10000 : i32
      %mul3A_27 = arith.muli %arg1, %mul3A_26 : i32
      %add3A_28 = arith.constant 80 : i32
      %add3A_29 = arith.addi %mul3A_27, %add3A_28 : i32
      %dma_start3A_30 = tpu.memref_slice %arg3[%add3A_29] : memref<160000xi32, #tpu.memory_space<hbm>> -> memref<80xi32, #tpu.memory_space<hbm>>
      %dma_start3A_31 = tpu.memref_slice %arg3[%add3A_29] : memref<160000xi32, #tpu.memory_space<hbm>> -> memref<80xi32, #tpu.memory_space<hbm>>
      tpu.enqueue_dma source(%dma_start3A_31 : memref<80xi32, #tpu.memory_space<hbm>>) target(%arg12 : memref<80xi32, #tpu.memory_space<vmem>>) target_semaphore(%arg22 : memref<!tpu.dma_semaphore, #tpu.memory_space<semaphore_mem>>)
      %mul3A_32 = arith.constant 10000 : i32
      %mul3A_33 = arith.muli %arg1, %mul3A_32 : i32
      %add3A_34 = arith.constant 160 : i32
      %add3A_35 = arith.addi %mul3A_33, %add3A_34 : i32
      %dma_start3A_36 = tpu.memref_slice %arg2[%add3A_35] : memref<160000xi32, #tpu.memory_space<hbm>> -> memref<80xi32, #tpu.memory_space<hbm>>
      %dma_start3A_37 = tpu.memref_slice %arg2[%add3A_35] : memref<160000xi32, #tpu.memory_space<hbm>> -> memref<80xi32, #tpu.memory_space<hbm>>
      tpu.enqueue_dma source(%dma_start3A_37 : memref<80xi32, #tpu.memory_space<hbm>>) target(%arg10 : memref<80xi32, #tpu.memory_space<vmem>>) target_semaphore(%arg20 : memref<!tpu.dma_semaphore, #tpu.memory_space<semaphore_mem>>)
      %mul3A_38 = arith.constant 10000 : i32
      %mul3A_39 = arith.muli %arg1, %mul3A_38 : i32
      %add3A_40 = arith.constant 160 : i32
      %add3A_41 = arith.addi %mul3A_39, %add3A_40 : i32
      %dma_start3A_42 = tpu.memref_slice %arg3[%add3A_41] : memref<160000xi32, #tpu.memory_space<hbm>> -> memref<80xi32, #tpu.memory_space<hbm>>
      %dma_start3A_43 = tpu.memref_slice %arg3[%add3A_41] : memref<160000xi32, #tpu.memory_space<hbm>> -> memref<80xi32, #tpu.memory_space<hbm>>
      tpu.enqueue_dma source(%dma_start3A_43 : memref<80xi32, #tpu.memory_space<hbm>>) target(%arg13 : memref<80xi32, #tpu.memory_space<vmem>>) target_semaphore(%arg23 : memref<!tpu.dma_semaphore, #tpu.memory_space<semaphore_mem>>)
      %mul3A_44 = arith.constant 10000 : i32
      %mul3A_45 = arith.muli %arg1, %mul3A_44 : i32
      %add3A_46 = arith.constant 0 : i32
      %add3A_47 = arith.addi %mul3A_45, %add3A_46 : i32
      %dma_wait3A = tpu.memref_slice %arg2[%add3A_47] : memref<160000xi32, #tpu.memory_space<hbm>> -> memref<80xi32, #tpu.memory_space<hbm>>
      %dma_wait3A_48 = tpu.memref_slice %arg2[%add3A_47] : memref<160000xi32, #tpu.memory_space<hbm>> -> memref<80xi32, #tpu.memory_space<hbm>>
      tpu.wait_dma2 semaphore(%arg18 : memref<!tpu.dma_semaphore, #tpu.memory_space<semaphore_mem>>) src(%dma_wait3A_48 : memref<80xi32, #tpu.memory_space<hbm>>) dst(%arg8 : memref<80xi32, #tpu.memory_space<vmem>>)
      %dma_start3A_49 = arith.constant 0 : i32
      %dma_start3A_50 = arith.constant 0 : i32
      %dma_start3A_51 = tpu.memref_slice %arg4[%dma_start3A_49, %dma_start3A_50] : memref<10000x128xf32, #tpu.memory_space<hbm>> -> memref<10000x128xf32, #tpu.memory_space<hbm>>
      tpu.enqueue_indirect_dma source(%dma_start3A_51 : memref<10000x128xf32, #tpu.memory_space<hbm>>) target(%arg14 : memref<80x128xf32, #tpu.memory_space<vmem>>) offsets(%arg8 : memref<80xi32, #tpu.memory_space<vmem>>) semaphore(%arg24 : memref<!tpu.dma_semaphore, #tpu.memory_space<semaphore_mem>>)
      %mul3A_52 = arith.constant 632 : i32
      %mul3A_53 = arith.muli %arg1, %mul3A_52 : i32
      "tpu.region"() ({
        %run_scoped3A = tpu.sem_alloc : memref<!tpu.dma_semaphore, #tpu.memory_space<semaphore_mem>>
        %dma_start3A_411 = arith.constant 0 : i32
        %dma_start3A_412 = tpu.memref_slice %arg17[%mul3A_53, %dma_start3A_411] : memref<10112x128xf32, #tpu.memory_space<vmem_shared>> -> memref<632x128xf32, #tpu.memory_space<vmem_shared>>
        tpu.enqueue_dma source(%arg6 : memref<632x128xf32, #tpu.memory_space<hbm>>) target(%dma_start3A_412 : memref<632x128xf32, #tpu.memory_space<vmem_shared>>) target_semaphore(%run_scoped3A : memref<!tpu.dma_semaphore, #tpu.memory_space<semaphore_mem>>)
        %dma_wait3A_413 = arith.constant 0 : i32
        %dma_wait3A_414 = tpu.memref_slice %arg17[%mul3A_53, %dma_wait3A_413] : memref<10112x128xf32, #tpu.memory_space<vmem_shared>> -> memref<632x128xf32, #tpu.memory_space<vmem_shared>>
        tpu.wait_dma2 semaphore(%run_scoped3A : memref<!tpu.dma_semaphore, #tpu.memory_space<semaphore_mem>>) src(%arg6 : memref<632x128xf32, #tpu.memory_space<hbm>>) dst(%dma_wait3A_414 : memref<632x128xf32, #tpu.memory_space<vmem_shared>>)
        tpu.yield
      }) : () -> ()
      %barrier3A_54 = arith.constant 0 : index
      tpu.barrier barrier_id(%barrier3A_54)
      %mul3A_55 = arith.constant 10000 : i32
      %mul3A_56 = arith.muli %arg1, %mul3A_55 : i32
      %add3A_57 = arith.constant 80 : i32
      %add3A_58 = arith.addi %mul3A_56, %add3A_57 : i32
      %dma_wait3A_59 = tpu.memref_slice %arg2[%add3A_58] : memref<160000xi32, #tpu.memory_space<hbm>> -> memref<80xi32, #tpu.memory_space<hbm>>
      %dma_wait3A_60 = tpu.memref_slice %arg2[%add3A_58] : memref<160000xi32, #tpu.memory_space<hbm>> -> memref<80xi32, #tpu.memory_space<hbm>>
      tpu.wait_dma2 semaphore(%arg19 : memref<!tpu.dma_semaphore, #tpu.memory_space<semaphore_mem>>) src(%dma_wait3A_60 : memref<80xi32, #tpu.memory_space<hbm>>) dst(%arg9 : memref<80xi32, #tpu.memory_space<vmem>>)
      %dma_start3A_61 = arith.constant 0 : i32
      %dma_start3A_62 = arith.constant 0 : i32
      %dma_start3A_63 = tpu.memref_slice %arg4[%dma_start3A_61, %dma_start3A_62] : memref<10000x128xf32, #tpu.memory_space<hbm>> -> memref<10000x128xf32, #tpu.memory_space<hbm>>
      tpu.enqueue_indirect_dma source(%dma_start3A_63 : memref<10000x128xf32, #tpu.memory_space<hbm>>) target(%arg15 : memref<80x128xf32, #tpu.memory_space<vmem>>) offsets(%arg9 : memref<80xi32, #tpu.memory_space<vmem>>) semaphore(%arg25 : memref<!tpu.dma_semaphore, #tpu.memory_space<semaphore_mem>>)
      %dma_wait3A_64 = arith.constant 0 : i32
      %dma_wait3A_65 = arith.constant 0 : i32
      %dma_wait3A_66 = tpu.memref_slice %arg4[%dma_wait3A_64, %dma_wait3A_65] : memref<10000x128xf32, #tpu.memory_space<hbm>> -> memref<10000x128xf32, #tpu.memory_space<hbm>>
      tpu.wait_indirect_dma semaphore(%arg24 : memref<!tpu.dma_semaphore, #tpu.memory_space<semaphore_mem>>) src(%dma_wait3A_66 : memref<10000x128xf32, #tpu.memory_space<hbm>>) dst(%arg14 : memref<80x128xf32, #tpu.memory_space<vmem>>)
      %mul3A_67 = arith.constant 10000 : i32
      %mul3A_68 = arith.muli %arg1, %mul3A_67 : i32
      %add3A_69 = arith.constant 240 : i32
      %add3A_70 = arith.addi %mul3A_68, %add3A_69 : i32
      %dma_start3A_71 = tpu.memref_slice %arg2[%add3A_70] : memref<160000xi32, #tpu.memory_space<hbm>> -> memref<80xi32, #tpu.memory_space<hbm>>
      %dma_start3A_72 = tpu.memref_slice %arg2[%add3A_70] : memref<160000xi32, #tpu.memory_space<hbm>> -> memref<80xi32, #tpu.memory_space<hbm>>
      tpu.enqueue_dma source(%dma_start3A_72 : memref<80xi32, #tpu.memory_space<hbm>>) target(%arg8 : memref<80xi32, #tpu.memory_space<vmem>>) target_semaphore(%arg18 : memref<!tpu.dma_semaphore, #tpu.memory_space<semaphore_mem>>)
      %mul3A_73 = arith.constant 10000 : i32
      %mul3A_74 = arith.muli %arg1, %mul3A_73 : i32
      %add3A_75 = arith.constant 0 : i32
      %add3A_76 = arith.addi %mul3A_74, %add3A_75 : i32
      %dma_wait3A_77 = tpu.memref_slice %arg3[%add3A_76] : memref<160000xi32, #tpu.memory_space<hbm>> -> memref<80xi32, #tpu.memory_space<hbm>>
      %dma_wait3A_78 = tpu.memref_slice %arg3[%add3A_76] : memref<160000xi32, #tpu.memory_space<hbm>> -> memref<80xi32, #tpu.memory_space<hbm>>
      tpu.wait_dma2 semaphore(%arg21 : memref<!tpu.dma_semaphore, #tpu.memory_space<semaphore_mem>>) src(%dma_wait3A_78 : memref<80xi32, #tpu.memory_space<hbm>>) dst(%arg11 : memref<80xi32, #tpu.memory_space<vmem>>)
      %dma_start3A_79 = arith.constant 0 : i32
      %dma_start3A_80 = arith.constant 0 : i32
      %dma_start3A_81 = tpu.memref_slice %arg17[%dma_start3A_79, %dma_start3A_80] : memref<10112x128xf32, #tpu.memory_space<vmem_shared>> -> memref<10112x128xf32, #tpu.memory_space<vmem_shared>>
      tpu.enqueue_indirect_dma source(%arg14 : memref<80x128xf32, #tpu.memory_space<vmem>>) target(%dma_start3A_81 : memref<10112x128xf32, #tpu.memory_space<vmem_shared>>) offsets(%arg11 : memref<80xi32, #tpu.memory_space<vmem>>) semaphore(%arg27 : memref<!tpu.dma_semaphore, #tpu.memory_space<semaphore_mem>>) {add = true}
      %mul3A_82 = arith.constant 10000 : i32
      %mul3A_83 = arith.muli %arg1, %mul3A_82 : i32
      %add3A_84 = arith.constant 160 : i32
      %add3A_85 = arith.addi %mul3A_83, %add3A_84 : i32
      %dma_wait3A_86 = tpu.memref_slice %arg2[%add3A_85] : memref<160000xi32, #tpu.memory_space<hbm>> -> memref<80xi32, #tpu.memory_space<hbm>>
      %dma_wait3A_87 = tpu.memref_slice %arg2[%add3A_85] : memref<160000xi32, #tpu.memory_space<hbm>> -> memref<80xi32, #tpu.memory_space<hbm>>
      tpu.wait_dma2 semaphore(%arg20 : memref<!tpu.dma_semaphore, #tpu.memory_space<semaphore_mem>>) src(%dma_wait3A_87 : memref<80xi32, #tpu.memory_space<hbm>>) dst(%arg10 : memref<80xi32, #tpu.memory_space<vmem>>)
      %dma_start3A_88 = arith.constant 0 : i32
      %dma_start3A_89 = arith.constant 0 : i32
      %dma_start3A_90 = tpu.memref_slice %arg4[%dma_start3A_88, %dma_start3A_89] : memref<10000x128xf32, #tpu.memory_space<hbm>> -> memref<10000x128xf32, #tpu.memory_space<hbm>>
      tpu.enqueue_indirect_dma source(%dma_start3A_90 : memref<10000x128xf32, #tpu.memory_space<hbm>>) target(%arg16 : memref<80x128xf32, #tpu.memory_space<vmem>>) offsets(%arg10 : memref<80xi32, #tpu.memory_space<vmem>>) semaphore(%arg26 : memref<!tpu.dma_semaphore, #tpu.memory_space<semaphore_mem>>)
      %dma_wait3A_91 = arith.constant 0 : i32
      %dma_wait3A_92 = arith.constant 0 : i32
      %dma_wait3A_93 = tpu.memref_slice %arg4[%dma_wait3A_91, %dma_wait3A_92] : memref<10000x128xf32, #tpu.memory_space<hbm>> -> memref<10000x128xf32, #tpu.memory_space<hbm>>
      tpu.wait_indirect_dma semaphore(%arg25 : memref<!tpu.dma_semaphore, #tpu.memory_space<semaphore_mem>>) src(%dma_wait3A_93 : memref<10000x128xf32, #tpu.memory_space<hbm>>) dst(%arg15 : memref<80x128xf32, #tpu.memory_space<vmem>>)
      %mul3A_94 = arith.constant 10000 : i32
      %mul3A_95 = arith.muli %arg1, %mul3A_94 : i32
      %add3A_96 = arith.constant 320 : i32
      %add3A_97 = arith.addi %mul3A_95, %add3A_96 : i32
      %dma_start3A_98 = tpu.memref_slice %arg2[%add3A_97] : memref<160000xi32, #tpu.memory_space<hbm>> -> memref<80xi32, #tpu.memory_space<hbm>>
      %dma_start3A_99 = tpu.memref_slice %arg2[%add3A_97] : memref<160000xi32, #tpu.memory_space<hbm>> -> memref<80xi32, #tpu.memory_space<hbm>>
      tpu.enqueue_dma source(%dma_start3A_99 : memref<80xi32, #tpu.memory_space<hbm>>) target(%arg9 : memref<80xi32, #tpu.memory_space<vmem>>) target_semaphore(%arg19 : memref<!tpu.dma_semaphore, #tpu.memory_space<semaphore_mem>>)
      %mul3A_100 = arith.constant 10000 : i32
      %mul3A_101 = arith.muli %arg1, %mul3A_100 : i32
      %add3A_102 = arith.constant 80 : i32
      %add3A_103 = arith.addi %mul3A_101, %add3A_102 : i32
      %dma_wait3A_104 = tpu.memref_slice %arg3[%add3A_103] : memref<160000xi32, #tpu.memory_space<hbm>> -> memref<80xi32, #tpu.memory_space<hbm>>
      %dma_wait3A_105 = tpu.memref_slice %arg3[%add3A_103] : memref<160000xi32, #tpu.memory_space<hbm>> -> memref<80xi32, #tpu.memory_space<hbm>>
      tpu.wait_dma2 semaphore(%arg22 : memref<!tpu.dma_semaphore, #tpu.memory_space<semaphore_mem>>) src(%dma_wait3A_105 : memref<80xi32, #tpu.memory_space<hbm>>) dst(%arg12 : memref<80xi32, #tpu.memory_space<vmem>>)
      %dma_start3A_106 = arith.constant 0 : i32
      %dma_start3A_107 = arith.constant 0 : i32
      %dma_start3A_108 = tpu.memref_slice %arg17[%dma_start3A_106, %dma_start3A_107] : memref<10112x128xf32, #tpu.memory_space<vmem_shared>> -> memref<10112x128xf32, #tpu.memory_space<vmem_shared>>
      tpu.enqueue_indirect_dma source(%arg15 : memref<80x128xf32, #tpu.memory_space<vmem>>) target(%dma_start3A_108 : memref<10112x128xf32, #tpu.memory_space<vmem_shared>>) offsets(%arg12 : memref<80xi32, #tpu.memory_space<vmem>>) semaphore(%arg28 : memref<!tpu.dma_semaphore, #tpu.memory_space<semaphore_mem>>) {add = true}
      %scan3A = arith.constant 0 : i32
      %scan3A_109 = arith.constant 0 : i32
      %scan3A_110 = arith.constant 19 : i32
      %scan3A_111 = arith.addi %scan3A_109, %scan3A_110 : i32
      %scan3A_112 = arith.constant 1 : i32
      scf.for %scan3A_411 = %scan3A_109 to %scan3A_111 step %scan3A_112  : i32 {
        %mul3A_412 = arith.constant 6 : i32
        %mul3A_413 = arith.muli %mul3A_412, %scan3A_411 : i32
        %add3A_414 = arith.constant 2 : i32
        %add3A_415 = arith.addi %mul3A_413, %add3A_414 : i32
        %add3A_416 = arith.constant 0 : i32
        %add3A_417 = arith.addi %add3A_415, %add3A_416 : i32
        %dma_wait3A_418 = arith.constant 0 : i32
        %dma_wait3A_419 = arith.constant 0 : i32
        %dma_wait3A_420 = tpu.memref_slice %arg17[%dma_wait3A_418, %dma_wait3A_419] : memref<10112x128xf32, #tpu.memory_space<vmem_shared>> -> memref<10112x128xf32, #tpu.memory_space<vmem_shared>>
        tpu.wait_indirect_dma semaphore(%arg27 : memref<!tpu.dma_semaphore, #tpu.memory_space<semaphore_mem>>) src(%arg14 : memref<80x128xf32, #tpu.memory_space<vmem>>) dst(%dma_wait3A_420 : memref<10112x128xf32, #tpu.memory_space<vmem_shared>>)
        %add3A_421 = arith.constant 1 : i32
        %add3A_422 = arith.addi %add3A_417, %add3A_421 : i32
        %mul3A_423 = arith.constant 10000 : i32
        %mul3A_424 = arith.muli %arg1, %mul3A_423 : i32
        %mul3A_425 = arith.constant 80 : i32
        %mul3A_426 = arith.muli %add3A_422, %mul3A_425 : i32
        %add3A_427 = arith.addi %mul3A_424, %mul3A_426 : i32
        %dma_start3A_428 = tpu.memref_slice %arg3[%add3A_427] : memref<160000xi32, #tpu.memory_space<hbm>> -> memref<80xi32, #tpu.memory_space<hbm>>
        %dma_start3A_429 = tpu.memref_slice %arg3[%add3A_427] : memref<160000xi32, #tpu.memory_space<hbm>> -> memref<80xi32, #tpu.memory_space<hbm>>
        tpu.enqueue_dma source(%dma_start3A_429 : memref<80xi32, #tpu.memory_space<hbm>>) target(%arg11 : memref<80xi32, #tpu.memory_space<vmem>>) target_semaphore(%arg21 : memref<!tpu.dma_semaphore, #tpu.memory_space<semaphore_mem>>)
        %add3A_430 = arith.constant 1 : i32
        %add3A_431 = arith.addi %add3A_417, %add3A_430 : i32
        %mul3A_432 = arith.constant 10000 : i32
        %mul3A_433 = arith.muli %arg1, %mul3A_432 : i32
        %mul3A_434 = arith.constant 80 : i32
        %mul3A_435 = arith.muli %add3A_431, %mul3A_434 : i32
        %add3A_436 = arith.addi %mul3A_433, %mul3A_435 : i32
        %dma_wait3A_437 = tpu.memref_slice %arg2[%add3A_436] : memref<160000xi32, #tpu.memory_space<hbm>> -> memref<80xi32, #tpu.memory_space<hbm>>
        %dma_wait3A_438 = tpu.memref_slice %arg2[%add3A_436] : memref<160000xi32, #tpu.memory_space<hbm>> -> memref<80xi32, #tpu.memory_space<hbm>>
        tpu.wait_dma2 semaphore(%arg18 : memref<!tpu.dma_semaphore, #tpu.memory_space<semaphore_mem>>) src(%dma_wait3A_438 : memref<80xi32, #tpu.memory_space<hbm>>) dst(%arg8 : memref<80xi32, #tpu.memory_space<vmem>>)
        %dma_start3A_439 = arith.constant 0 : i32
        %dma_start3A_440 = arith.constant 0 : i32
        %dma_start3A_441 = tpu.memref_slice %arg4[%dma_start3A_439, %dma_start3A_440] : memref<10000x128xf32, #tpu.memory_space<hbm>> -> memref<10000x128xf32, #tpu.memory_space<hbm>>
        tpu.enqueue_indirect_dma source(%dma_start3A_441 : memref<10000x128xf32, #tpu.memory_space<hbm>>) target(%arg14 : memref<80x128xf32, #tpu.memory_space<vmem>>) offsets(%arg8 : memref<80xi32, #tpu.memory_space<vmem>>) semaphore(%arg24 : memref<!tpu.dma_semaphore, #tpu.memory_space<semaphore_mem>>)
        %dma_wait3A_442 = arith.constant 0 : i32
        %dma_wait3A_443 = arith.constant 0 : i32
        %dma_wait3A_444 = tpu.memref_slice %arg4[%dma_wait3A_442, %dma_wait3A_443] : memref<10000x128xf32, #tpu.memory_space<hbm>> -> memref<10000x128xf32, #tpu.memory_space<hbm>>
        tpu.wait_indirect_dma semaphore(%arg26 : memref<!tpu.dma_semaphore, #tpu.memory_space<semaphore_mem>>) src(%dma_wait3A_444 : memref<10000x128xf32, #tpu.memory_space<hbm>>) dst(%arg16 : memref<80x128xf32, #tpu.memory_space<vmem>>)
        %add3A_445 = arith.constant 3 : i32
        %add3A_446 = arith.addi %add3A_417, %add3A_445 : i32
        %mul3A_447 = arith.constant 10000 : i32
        %mul3A_448 = arith.muli %arg1, %mul3A_447 : i32
        %mul3A_449 = arith.constant 80 : i32
        %mul3A_450 = arith.muli %add3A_446, %mul3A_449 : i32
        %add3A_451 = arith.addi %mul3A_448, %mul3A_450 : i32
        %dma_start3A_452 = tpu.memref_slice %arg2[%add3A_451] : memref<160000xi32, #tpu.memory_space<hbm>> -> memref<80xi32, #tpu.memory_space<hbm>>
        %dma_start3A_453 = tpu.memref_slice %arg2[%add3A_451] : memref<160000xi32, #tpu.memory_space<hbm>> -> memref<80xi32, #tpu.memory_space<hbm>>
        tpu.enqueue_dma source(%dma_start3A_453 : memref<80xi32, #tpu.memory_space<hbm>>) target(%arg10 : memref<80xi32, #tpu.memory_space<vmem>>) target_semaphore(%arg20 : memref<!tpu.dma_semaphore, #tpu.memory_space<semaphore_mem>>)
        %mul3A_454 = arith.constant 10000 : i32
        %mul3A_455 = arith.muli %arg1, %mul3A_454 : i32
        %mul3A_456 = arith.constant 80 : i32
        %mul3A_457 = arith.muli %add3A_417, %mul3A_456 : i32
        %add3A_458 = arith.addi %mul3A_455, %mul3A_457 : i32
        %dma_wait3A_459 = tpu.memref_slice %arg3[%add3A_458] : memref<160000xi32, #tpu.memory_space<hbm>> -> memref<80xi32, #tpu.memory_space<hbm>>
        %dma_wait3A_460 = tpu.memref_slice %arg3[%add3A_458] : memref<160000xi32, #tpu.memory_space<hbm>> -> memref<80xi32, #tpu.memory_space<hbm>>
        tpu.wait_dma2 semaphore(%arg23 : memref<!tpu.dma_semaphore, #tpu.memory_space<semaphore_mem>>) src(%dma_wait3A_460 : memref<80xi32, #tpu.memory_space<hbm>>) dst(%arg13 : memref<80xi32, #tpu.memory_space<vmem>>)
        %dma_start3A_461 = arith.constant 0 : i32
        %dma_start3A_462 = arith.constant 0 : i32
        %dma_start3A_463 = tpu.memref_slice %arg17[%dma_start3A_461, %dma_start3A_462] : memref<10112x128xf32, #tpu.memory_space<vmem_shared>> -> memref<10112x128xf32, #tpu.memory_space<vmem_shared>>
        tpu.enqueue_indirect_dma source(%arg16 : memref<80x128xf32, #tpu.memory_space<vmem>>) target(%dma_start3A_463 : memref<10112x128xf32, #tpu.memory_space<vmem_shared>>) offsets(%arg13 : memref<80xi32, #tpu.memory_space<vmem>>) semaphore(%arg29 : memref<!tpu.dma_semaphore, #tpu.memory_space<semaphore_mem>>) {add = true}
        %add3A_464 = arith.constant 1 : i32
        %add3A_465 = arith.addi %add3A_415, %add3A_464 : i32
        %dma_wait3A_466 = arith.constant 0 : i32
        %dma_wait3A_467 = arith.constant 0 : i32
        %dma_wait3A_468 = tpu.memref_slice %arg17[%dma_wait3A_466, %dma_wait3A_467] : memref<10112x128xf32, #tpu.memory_space<vmem_shared>> -> memref<10112x128xf32, #tpu.memory_space<vmem_shared>>
        tpu.wait_indirect_dma semaphore(%arg28 : memref<!tpu.dma_semaphore, #tpu.memory_space<semaphore_mem>>) src(%arg15 : memref<80x128xf32, #tpu.memory_space<vmem>>) dst(%dma_wait3A_468 : memref<10112x128xf32, #tpu.memory_space<vmem_shared>>)
        %add3A_469 = arith.constant 1 : i32
        %add3A_470 = arith.addi %add3A_465, %add3A_469 : i32
        %mul3A_471 = arith.constant 10000 : i32
        %mul3A_472 = arith.muli %arg1, %mul3A_471 : i32
        %mul3A_473 = arith.constant 80 : i32
        %mul3A_474 = arith.muli %add3A_470, %mul3A_473 : i32
        %add3A_475 = arith.addi %mul3A_472, %mul3A_474 : i32
        %dma_start3A_476 = tpu.memref_slice %arg3[%add3A_475] : memref<160000xi32, #tpu.memory_space<hbm>> -> memref<80xi32, #tpu.memory_space<hbm>>
        %dma_start3A_477 = tpu.memref_slice %arg3[%add3A_475] : memref<160000xi32, #tpu.memory_space<hbm>> -> memref<80xi32, #tpu.memory_space<hbm>>
        tpu.enqueue_dma source(%dma_start3A_477 : memref<80xi32, #tpu.memory_space<hbm>>) target(%arg12 : memref<80xi32, #tpu.memory_space<vmem>>) target_semaphore(%arg22 : memref<!tpu.dma_semaphore, #tpu.memory_space<semaphore_mem>>)
        %add3A_478 = arith.constant 1 : i32
        %add3A_479 = arith.addi %add3A_465, %add3A_478 : i32
        %mul3A_480 = arith.constant 10000 : i32
        %mul3A_481 = arith.muli %arg1, %mul3A_480 : i32
        %mul3A_482 = arith.constant 80 : i32
        %mul3A_483 = arith.muli %add3A_479, %mul3A_482 : i32
        %add3A_484 = arith.addi %mul3A_481, %mul3A_483 : i32
        %dma_wait3A_485 = tpu.memref_slice %arg2[%add3A_484] : memref<160000xi32, #tpu.memory_space<hbm>> -> memref<80xi32, #tpu.memory_space<hbm>>
        %dma_wait3A_486 = tpu.memref_slice %arg2[%add3A_484] : memref<160000xi32, #tpu.memory_space<hbm>> -> memref<80xi32, #tpu.memory_space<hbm>>
        tpu.wait_dma2 semaphore(%arg19 : memref<!tpu.dma_semaphore, #tpu.memory_space<semaphore_mem>>) src(%dma_wait3A_486 : memref<80xi32, #tpu.memory_space<hbm>>) dst(%arg9 : memref<80xi32, #tpu.memory_space<vmem>>)
        %dma_start3A_487 = arith.constant 0 : i32
        %dma_start3A_488 = arith.constant 0 : i32
        %dma_start3A_489 = tpu.memref_slice %arg4[%dma_start3A_487, %dma_start3A_488] : memref<10000x128xf32, #tpu.memory_space<hbm>> -> memref<10000x128xf32, #tpu.memory_space<hbm>>
        tpu.enqueue_indirect_dma source(%dma_start3A_489 : memref<10000x128xf32, #tpu.memory_space<hbm>>) target(%arg15 : memref<80x128xf32, #tpu.memory_space<vmem>>) offsets(%arg9 : memref<80xi32, #tpu.memory_space<vmem>>) semaphore(%arg25 : memref<!tpu.dma_semaphore, #tpu.memory_space<semaphore_mem>>)
        %dma_wait3A_490 = arith.constant 0 : i32
        %dma_wait3A_491 = arith.constant 0 : i32
        %dma_wait3A_492 = tpu.memref_slice %arg4[%dma_wait3A_490, %dma_wait3A_491] : memref<10000x128xf32, #tpu.memory_space<hbm>> -> memref<10000x128xf32, #tpu.memory_space<hbm>>
        tpu.wait_indirect_dma semaphore(%arg24 : memref<!tpu.dma_semaphore, #tpu.memory_space<semaphore_mem>>) src(%dma_wait3A_492 : memref<10000x128xf32, #tpu.memory_space<hbm>>) dst(%arg14 : memref<80x128xf32, #tpu.memory_space<vmem>>)
        %add3A_493 = arith.constant 3 : i32
        %add3A_494 = arith.addi %add3A_465, %add3A_493 : i32
        %mul3A_495 = arith.constant 10000 : i32
        %mul3A_496 = arith.muli %arg1, %mul3A_495 : i32
        %mul3A_497 = arith.constant 80 : i32
        %mul3A_498 = arith.muli %add3A_494, %mul3A_497 : i32
        %add3A_499 = arith.addi %mul3A_496, %mul3A_498 : i32
        %dma_start3A_500 = tpu.memref_slice %arg2[%add3A_499] : memref<160000xi32, #tpu.memory_space<hbm>> -> memref<80xi32, #tpu.memory_space<hbm>>
        %dma_start3A_501 = tpu.memref_slice %arg2[%add3A_499] : memref<160000xi32, #tpu.memory_space<hbm>> -> memref<80xi32, #tpu.memory_space<hbm>>
        tpu.enqueue_dma source(%dma_start3A_501 : memref<80xi32, #tpu.memory_space<hbm>>) target(%arg8 : memref<80xi32, #tpu.memory_space<vmem>>) target_semaphore(%arg18 : memref<!tpu.dma_semaphore, #tpu.memory_space<semaphore_mem>>)
        %mul3A_502 = arith.constant 10000 : i32
        %mul3A_503 = arith.muli %arg1, %mul3A_502 : i32
        %mul3A_504 = arith.constant 80 : i32
        %mul3A_505 = arith.muli %add3A_465, %mul3A_504 : i32
        %add3A_506 = arith.addi %mul3A_503, %mul3A_505 : i32
        %dma_wait3A_507 = tpu.memref_slice %arg3[%add3A_506] : memref<160000xi32, #tpu.memory_space<hbm>> -> memref<80xi32, #tpu.memory_space<hbm>>
        %dma_wait3A_508 = tpu.memref_slice %arg3[%add3A_506] : memref<160000xi32, #tpu.memory_space<hbm>> -> memref<80xi32, #tpu.memory_space<hbm>>
        tpu.wait_dma2 semaphore(%arg21 : memref<!tpu.dma_semaphore, #tpu.memory_space<semaphore_mem>>) src(%dma_wait3A_508 : memref<80xi32, #tpu.memory_space<hbm>>) dst(%arg11 : memref<80xi32, #tpu.memory_space<vmem>>)
        %dma_start3A_509 = arith.constant 0 : i32
        %dma_start3A_510 = arith.constant 0 : i32
        %dma_start3A_511 = tpu.memref_slice %arg17[%dma_start3A_509, %dma_start3A_510] : memref<10112x128xf32, #tpu.memory_space<vmem_shared>> -> memref<10112x128xf32, #tpu.memory_space<vmem_shared>>
        tpu.enqueue_indirect_dma source(%arg14 : memref<80x128xf32, #tpu.memory_space<vmem>>) target(%dma_start3A_511 : memref<10112x128xf32, #tpu.memory_space<vmem_shared>>) offsets(%arg11 : memref<80xi32, #tpu.memory_space<vmem>>) semaphore(%arg27 : memref<!tpu.dma_semaphore, #tpu.memory_space<semaphore_mem>>) {add = true}
        %add3A_512 = arith.constant 2 : i32
        %add3A_513 = arith.addi %add3A_415, %add3A_512 : i32
        %dma_wait3A_514 = arith.constant 0 : i32
        %dma_wait3A_515 = arith.constant 0 : i32
        %dma_wait3A_516 = tpu.memref_slice %arg17[%dma_wait3A_514, %dma_wait3A_515] : memref<10112x128xf32, #tpu.memory_space<vmem_shared>> -> memref<10112x128xf32, #tpu.memory_space<vmem_shared>>
        tpu.wait_indirect_dma semaphore(%arg29 : memref<!tpu.dma_semaphore, #tpu.memory_space<semaphore_mem>>) src(%arg16 : memref<80x128xf32, #tpu.memory_space<vmem>>) dst(%dma_wait3A_516 : memref<10112x128xf32, #tpu.memory_space<vmem_shared>>)
        %add3A_517 = arith.constant 1 : i32
        %add3A_518 = arith.addi %add3A_513, %add3A_517 : i32
        %mul3A_519 = arith.constant 10000 : i32
        %mul3A_520 = arith.muli %arg1, %mul3A_519 : i32
        %mul3A_521 = arith.constant 80 : i32
        %mul3A_522 = arith.muli %add3A_518, %mul3A_521 : i32
        %add3A_523 = arith.addi %mul3A_520, %mul3A_522 : i32
        %dma_start3A_524 = tpu.memref_slice %arg3[%add3A_523] : memref<160000xi32, #tpu.memory_space<hbm>> -> memref<80xi32, #tpu.memory_space<hbm>>
        %dma_start3A_525 = tpu.memref_slice %arg3[%add3A_523] : memref<160000xi32, #tpu.memory_space<hbm>> -> memref<80xi32, #tpu.memory_space<hbm>>
        tpu.enqueue_dma source(%dma_start3A_525 : memref<80xi32, #tpu.memory_space<hbm>>) target(%arg13 : memref<80xi32, #tpu.memory_space<vmem>>) target_semaphore(%arg23 : memref<!tpu.dma_semaphore, #tpu.memory_space<semaphore_mem>>)
        %add3A_526 = arith.constant 1 : i32
        %add3A_527 = arith.addi %add3A_513, %add3A_526 : i32
        %mul3A_528 = arith.constant 10000 : i32
        %mul3A_529 = arith.muli %arg1, %mul3A_528 : i32
        %mul3A_530 = arith.constant 80 : i32
        %mul3A_531 = arith.muli %add3A_527, %mul3A_530 : i32
        %add3A_532 = arith.addi %mul3A_529, %mul3A_531 : i32
        %dma_wait3A_533 = tpu.memref_slice %arg2[%add3A_532] : memref<160000xi32, #tpu.memory_space<hbm>> -> memref<80xi32, #tpu.memory_space<hbm>>
        %dma_wait3A_534 = tpu.memref_slice %arg2[%add3A_532] : memref<160000xi32, #tpu.memory_space<hbm>> -> memref<80xi32, #tpu.memory_space<hbm>>
        tpu.wait_dma2 semaphore(%arg20 : memref<!tpu.dma_semaphore, #tpu.memory_space<semaphore_mem>>) src(%dma_wait3A_534 : memref<80xi32, #tpu.memory_space<hbm>>) dst(%arg10 : memref<80xi32, #tpu.memory_space<vmem>>)
        %dma_start3A_535 = arith.constant 0 : i32
        %dma_start3A_536 = arith.constant 0 : i32
        %dma_start3A_537 = tpu.memref_slice %arg4[%dma_start3A_535, %dma_start3A_536] : memref<10000x128xf32, #tpu.memory_space<hbm>> -> memref<10000x128xf32, #tpu.memory_space<hbm>>
        tpu.enqueue_indirect_dma source(%dma_start3A_537 : memref<10000x128xf32, #tpu.memory_space<hbm>>) target(%arg16 : memref<80x128xf32, #tpu.memory_space<vmem>>) offsets(%arg10 : memref<80xi32, #tpu.memory_space<vmem>>) semaphore(%arg26 : memref<!tpu.dma_semaphore, #tpu.memory_space<semaphore_mem>>)
        %dma_wait3A_538 = arith.constant 0 : i32
        %dma_wait3A_539 = arith.constant 0 : i32
        %dma_wait3A_540 = tpu.memref_slice %arg4[%dma_wait3A_538, %dma_wait3A_539] : memref<10000x128xf32, #tpu.memory_space<hbm>> -> memref<10000x128xf32, #tpu.memory_space<hbm>>
        tpu.wait_indirect_dma semaphore(%arg25 : memref<!tpu.dma_semaphore, #tpu.memory_space<semaphore_mem>>) src(%dma_wait3A_540 : memref<10000x128xf32, #tpu.memory_space<hbm>>) dst(%arg15 : memref<80x128xf32, #tpu.memory_space<vmem>>)
        %add3A_541 = arith.constant 3 : i32
        %add3A_542 = arith.addi %add3A_513, %add3A_541 : i32
        %mul3A_543 = arith.constant 10000 : i32
        %mul3A_544 = arith.muli %arg1, %mul3A_543 : i32
        %mul3A_545 = arith.constant 80 : i32
        %mul3A_546 = arith.muli %add3A_542, %mul3A_545 : i32
        %add3A_547 = arith.addi %mul3A_544, %mul3A_546 : i32
        %dma_start3A_548 = tpu.memref_slice %arg2[%add3A_547] : memref<160000xi32, #tpu.memory_space<hbm>> -> memref<80xi32, #tpu.memory_space<hbm>>
        %dma_start3A_549 = tpu.memref_slice %arg2[%add3A_547] : memref<160000xi32, #tpu.memory_space<hbm>> -> memref<80xi32, #tpu.memory_space<hbm>>
        tpu.enqueue_dma source(%dma_start3A_549 : memref<80xi32, #tpu.memory_space<hbm>>) target(%arg9 : memref<80xi32, #tpu.memory_space<vmem>>) target_semaphore(%arg19 : memref<!tpu.dma_semaphore, #tpu.memory_space<semaphore_mem>>)
        %mul3A_550 = arith.constant 10000 : i32
        %mul3A_551 = arith.muli %arg1, %mul3A_550 : i32
        %mul3A_552 = arith.constant 80 : i32
        %mul3A_553 = arith.muli %add3A_513, %mul3A_552 : i32
        %add3A_554 = arith.addi %mul3A_551, %mul3A_553 : i32
        %dma_wait3A_555 = tpu.memref_slice %arg3[%add3A_554] : memref<160000xi32, #tpu.memory_space<hbm>> -> memref<80xi32, #tpu.memory_space<hbm>>
        %dma_wait3A_556 = tpu.memref_slice %arg3[%add3A_554] : memref<160000xi32, #tpu.memory_space<hbm>> -> memref<80xi32, #tpu.memory_space<hbm>>
        tpu.wait_dma2 semaphore(%arg22 : memref<!tpu.dma_semaphore, #tpu.memory_space<semaphore_mem>>) src(%dma_wait3A_556 : memref<80xi32, #tpu.memory_space<hbm>>) dst(%arg12 : memref<80xi32, #tpu.memory_space<vmem>>)
        %dma_start3A_557 = arith.constant 0 : i32
        %dma_start3A_558 = arith.constant 0 : i32
        %dma_start3A_559 = tpu.memref_slice %arg17[%dma_start3A_557, %dma_start3A_558] : memref<10112x128xf32, #tpu.memory_space<vmem_shared>> -> memref<10112x128xf32, #tpu.memory_space<vmem_shared>>
        tpu.enqueue_indirect_dma source(%arg15 : memref<80x128xf32, #tpu.memory_space<vmem>>) target(%dma_start3A_559 : memref<10112x128xf32, #tpu.memory_space<vmem_shared>>) offsets(%arg12 : memref<80xi32, #tpu.memory_space<vmem>>) semaphore(%arg28 : memref<!tpu.dma_semaphore, #tpu.memory_space<semaphore_mem>>) {add = true}
        %add3A_560 = arith.constant 3 : i32
        %add3A_561 = arith.addi %add3A_415, %add3A_560 : i32
        %dma_wait3A_562 = arith.constant 0 : i32
        %dma_wait3A_563 = arith.constant 0 : i32
        %dma_wait3A_564 = tpu.memref_slice %arg17[%dma_wait3A_562, %dma_wait3A_563] : memref<10112x128xf32, #tpu.memory_space<vmem_shared>> -> memref<10112x128xf32, #tpu.memory_space<vmem_shared>>
        tpu.wait_indirect_dma semaphore(%arg27 : memref<!tpu.dma_semaphore, #tpu.memory_space<semaphore_mem>>) src(%arg14 : memref<80x128xf32, #tpu.memory_space<vmem>>) dst(%dma_wait3A_564 : memref<10112x128xf32, #tpu.memory_space<vmem_shared>>)
        %add3A_565 = arith.constant 1 : i32
        %add3A_566 = arith.addi %add3A_561, %add3A_565 : i32
        %mul3A_567 = arith.constant 10000 : i32
        %mul3A_568 = arith.muli %arg1, %mul3A_567 : i32
        %mul3A_569 = arith.constant 80 : i32
        %mul3A_570 = arith.muli %add3A_566, %mul3A_569 : i32
        %add3A_571 = arith.addi %mul3A_568, %mul3A_570 : i32
        %dma_start3A_572 = tpu.memref_slice %arg3[%add3A_571] : memref<160000xi32, #tpu.memory_space<hbm>> -> memref<80xi32, #tpu.memory_space<hbm>>
        %dma_start3A_573 = tpu.memref_slice %arg3[%add3A_571] : memref<160000xi32, #tpu.memory_space<hbm>> -> memref<80xi32, #tpu.memory_space<hbm>>
        tpu.enqueue_dma source(%dma_start3A_573 : memref<80xi32, #tpu.memory_space<hbm>>) target(%arg11 : memref<80xi32, #tpu.memory_space<vmem>>) target_semaphore(%arg21 : memref<!tpu.dma_semaphore, #tpu.memory_space<semaphore_mem>>)
        %add3A_574 = arith.constant 1 : i32
        %add3A_575 = arith.addi %add3A_561, %add3A_574 : i32
        %mul3A_576 = arith.constant 10000 : i32
        %mul3A_577 = arith.muli %arg1, %mul3A_576 : i32
        %mul3A_578 = arith.constant 80 : i32
        %mul3A_579 = arith.muli %add3A_575, %mul3A_578 : i32
        %add3A_580 = arith.addi %mul3A_577, %mul3A_579 : i32
        %dma_wait3A_581 = tpu.memref_slice %arg2[%add3A_580] : memref<160000xi32, #tpu.memory_space<hbm>> -> memref<80xi32, #tpu.memory_space<hbm>>
        %dma_wait3A_582 = tpu.memref_slice %arg2[%add3A_580] : memref<160000xi32, #tpu.memory_space<hbm>> -> memref<80xi32, #tpu.memory_space<hbm>>
        tpu.wait_dma2 semaphore(%arg18 : memref<!tpu.dma_semaphore, #tpu.memory_space<semaphore_mem>>) src(%dma_wait3A_582 : memref<80xi32, #tpu.memory_space<hbm>>) dst(%arg8 : memref<80xi32, #tpu.memory_space<vmem>>)
        %dma_start3A_583 = arith.constant 0 : i32
        %dma_start3A_584 = arith.constant 0 : i32
        %dma_start3A_585 = tpu.memref_slice %arg4[%dma_start3A_583, %dma_start3A_584] : memref<10000x128xf32, #tpu.memory_space<hbm>> -> memref<10000x128xf32, #tpu.memory_space<hbm>>
        tpu.enqueue_indirect_dma source(%dma_start3A_585 : memref<10000x128xf32, #tpu.memory_space<hbm>>) target(%arg14 : memref<80x128xf32, #tpu.memory_space<vmem>>) offsets(%arg8 : memref<80xi32, #tpu.memory_space<vmem>>) semaphore(%arg24 : memref<!tpu.dma_semaphore, #tpu.memory_space<semaphore_mem>>)
        %dma_wait3A_586 = arith.constant 0 : i32
        %dma_wait3A_587 = arith.constant 0 : i32
        %dma_wait3A_588 = tpu.memref_slice %arg4[%dma_wait3A_586, %dma_wait3A_587] : memref<10000x128xf32, #tpu.memory_space<hbm>> -> memref<10000x128xf32, #tpu.memory_space<hbm>>
        tpu.wait_indirect_dma semaphore(%arg26 : memref<!tpu.dma_semaphore, #tpu.memory_space<semaphore_mem>>) src(%dma_wait3A_588 : memref<10000x128xf32, #tpu.memory_space<hbm>>) dst(%arg16 : memref<80x128xf32, #tpu.memory_space<vmem>>)
        %add3A_589 = arith.constant 3 : i32
        %add3A_590 = arith.addi %add3A_561, %add3A_589 : i32
        %mul3A_591 = arith.constant 10000 : i32
        %mul3A_592 = arith.muli %arg1, %mul3A_591 : i32
        %mul3A_593 = arith.constant 80 : i32
        %mul3A_594 = arith.muli %add3A_590, %mul3A_593 : i32
        %add3A_595 = arith.addi %mul3A_592, %mul3A_594 : i32
        %dma_start3A_596 = tpu.memref_slice %arg2[%add3A_595] : memref<160000xi32, #tpu.memory_space<hbm>> -> memref<80xi32, #tpu.memory_space<hbm>>
        %dma_start3A_597 = tpu.memref_slice %arg2[%add3A_595] : memref<160000xi32, #tpu.memory_space<hbm>> -> memref<80xi32, #tpu.memory_space<hbm>>
        tpu.enqueue_dma source(%dma_start3A_597 : memref<80xi32, #tpu.memory_space<hbm>>) target(%arg10 : memref<80xi32, #tpu.memory_space<vmem>>) target_semaphore(%arg20 : memref<!tpu.dma_semaphore, #tpu.memory_space<semaphore_mem>>)
        %mul3A_598 = arith.constant 10000 : i32
        %mul3A_599 = arith.muli %arg1, %mul3A_598 : i32
        %mul3A_600 = arith.constant 80 : i32
        %mul3A_601 = arith.muli %add3A_561, %mul3A_600 : i32
        %add3A_602 = arith.addi %mul3A_599, %mul3A_601 : i32
        %dma_wait3A_603 = tpu.memref_slice %arg3[%add3A_602] : memref<160000xi32, #tpu.memory_space<hbm>> -> memref<80xi32, #tpu.memory_space<hbm>>
        %dma_wait3A_604 = tpu.memref_slice %arg3[%add3A_602] : memref<160000xi32, #tpu.memory_space<hbm>> -> memref<80xi32, #tpu.memory_space<hbm>>
        tpu.wait_dma2 semaphore(%arg23 : memref<!tpu.dma_semaphore, #tpu.memory_space<semaphore_mem>>) src(%dma_wait3A_604 : memref<80xi32, #tpu.memory_space<hbm>>) dst(%arg13 : memref<80xi32, #tpu.memory_space<vmem>>)
        %dma_start3A_605 = arith.constant 0 : i32
        %dma_start3A_606 = arith.constant 0 : i32
        %dma_start3A_607 = tpu.memref_slice %arg17[%dma_start3A_605, %dma_start3A_606] : memref<10112x128xf32, #tpu.memory_space<vmem_shared>> -> memref<10112x128xf32, #tpu.memory_space<vmem_shared>>
        tpu.enqueue_indirect_dma source(%arg16 : memref<80x128xf32, #tpu.memory_space<vmem>>) target(%dma_start3A_607 : memref<10112x128xf32, #tpu.memory_space<vmem_shared>>) offsets(%arg13 : memref<80xi32, #tpu.memory_space<vmem>>) semaphore(%arg29 : memref<!tpu.dma_semaphore, #tpu.memory_space<semaphore_mem>>) {add = true}
        %add3A_608 = arith.constant 4 : i32
        %add3A_609 = arith.addi %add3A_415, %add3A_608 : i32
        %dma_wait3A_610 = arith.constant 0 : i32
        %dma_wait3A_611 = arith.constant 0 : i32
        %dma_wait3A_612 = tpu.memref_slice %arg17[%dma_wait3A_610, %dma_wait3A_611] : memref<10112x128xf32, #tpu.memory_space<vmem_shared>> -> memref<10112x128xf32, #tpu.memory_space<vmem_shared>>
        tpu.wait_indirect_dma semaphore(%arg28 : memref<!tpu.dma_semaphore, #tpu.memory_space<semaphore_mem>>) src(%arg15 : memref<80x128xf32, #tpu.memory_space<vmem>>) dst(%dma_wait3A_612 : memref<10112x128xf32, #tpu.memory_space<vmem_shared>>)
        %add3A_613 = arith.constant 1 : i32
        %add3A_614 = arith.addi %add3A_609, %add3A_613 : i32
        %mul3A_615 = arith.constant 10000 : i32
        %mul3A_616 = arith.muli %arg1, %mul3A_615 : i32
        %mul3A_617 = arith.constant 80 : i32
        %mul3A_618 = arith.muli %add3A_614, %mul3A_617 : i32
        %add3A_619 = arith.addi %mul3A_616, %mul3A_618 : i32
        %dma_start3A_620 = tpu.memref_slice %arg3[%add3A_619] : memref<160000xi32, #tpu.memory_space<hbm>> -> memref<80xi32, #tpu.memory_space<hbm>>
        %dma_start3A_621 = tpu.memref_slice %arg3[%add3A_619] : memref<160000xi32, #tpu.memory_space<hbm>> -> memref<80xi32, #tpu.memory_space<hbm>>
        tpu.enqueue_dma source(%dma_start3A_621 : memref<80xi32, #tpu.memory_space<hbm>>) target(%arg12 : memref<80xi32, #tpu.memory_space<vmem>>) target_semaphore(%arg22 : memref<!tpu.dma_semaphore, #tpu.memory_space<semaphore_mem>>)
        %add3A_622 = arith.constant 1 : i32
        %add3A_623 = arith.addi %add3A_609, %add3A_622 : i32
        %mul3A_624 = arith.constant 10000 : i32
        %mul3A_625 = arith.muli %arg1, %mul3A_624 : i32
        %mul3A_626 = arith.constant 80 : i32
        %mul3A_627 = arith.muli %add3A_623, %mul3A_626 : i32
        %add3A_628 = arith.addi %mul3A_625, %mul3A_627 : i32
        %dma_wait3A_629 = tpu.memref_slice %arg2[%add3A_628] : memref<160000xi32, #tpu.memory_space<hbm>> -> memref<80xi32, #tpu.memory_space<hbm>>
        %dma_wait3A_630 = tpu.memref_slice %arg2[%add3A_628] : memref<160000xi32, #tpu.memory_space<hbm>> -> memref<80xi32, #tpu.memory_space<hbm>>
        tpu.wait_dma2 semaphore(%arg19 : memref<!tpu.dma_semaphore, #tpu.memory_space<semaphore_mem>>) src(%dma_wait3A_630 : memref<80xi32, #tpu.memory_space<hbm>>) dst(%arg9 : memref<80xi32, #tpu.memory_space<vmem>>)
        %dma_start3A_631 = arith.constant 0 : i32
        %dma_start3A_632 = arith.constant 0 : i32
        %dma_start3A_633 = tpu.memref_slice %arg4[%dma_start3A_631, %dma_start3A_632] : memref<10000x128xf32, #tpu.memory_space<hbm>> -> memref<10000x128xf32, #tpu.memory_space<hbm>>
        tpu.enqueue_indirect_dma source(%dma_start3A_633 : memref<10000x128xf32, #tpu.memory_space<hbm>>) target(%arg15 : memref<80x128xf32, #tpu.memory_space<vmem>>) offsets(%arg9 : memref<80xi32, #tpu.memory_space<vmem>>) semaphore(%arg25 : memref<!tpu.dma_semaphore, #tpu.memory_space<semaphore_mem>>)
        %dma_wait3A_634 = arith.constant 0 : i32
        %dma_wait3A_635 = arith.constant 0 : i32
        %dma_wait3A_636 = tpu.memref_slice %arg4[%dma_wait3A_634, %dma_wait3A_635] : memref<10000x128xf32, #tpu.memory_space<hbm>> -> memref<10000x128xf32, #tpu.memory_space<hbm>>
        tpu.wait_indirect_dma semaphore(%arg24 : memref<!tpu.dma_semaphore, #tpu.memory_space<semaphore_mem>>) src(%dma_wait3A_636 : memref<10000x128xf32, #tpu.memory_space<hbm>>) dst(%arg14 : memref<80x128xf32, #tpu.memory_space<vmem>>)
        %add3A_637 = arith.constant 3 : i32
        %add3A_638 = arith.addi %add3A_609, %add3A_637 : i32
        %mul3A_639 = arith.constant 10000 : i32
        %mul3A_640 = arith.muli %arg1, %mul3A_639 : i32
        %mul3A_641 = arith.constant 80 : i32
        %mul3A_642 = arith.muli %add3A_638, %mul3A_641 : i32
        %add3A_643 = arith.addi %mul3A_640, %mul3A_642 : i32
        %dma_start3A_644 = tpu.memref_slice %arg2[%add3A_643] : memref<160000xi32, #tpu.memory_space<hbm>> -> memref<80xi32, #tpu.memory_space<hbm>>
        %dma_start3A_645 = tpu.memref_slice %arg2[%add3A_643] : memref<160000xi32, #tpu.memory_space<hbm>> -> memref<80xi32, #tpu.memory_space<hbm>>
        tpu.enqueue_dma source(%dma_start3A_645 : memref<80xi32, #tpu.memory_space<hbm>>) target(%arg8 : memref<80xi32, #tpu.memory_space<vmem>>) target_semaphore(%arg18 : memref<!tpu.dma_semaphore, #tpu.memory_space<semaphore_mem>>)
        %mul3A_646 = arith.constant 10000 : i32
        %mul3A_647 = arith.muli %arg1, %mul3A_646 : i32
        %mul3A_648 = arith.constant 80 : i32
        %mul3A_649 = arith.muli %add3A_609, %mul3A_648 : i32
        %add3A_650 = arith.addi %mul3A_647, %mul3A_649 : i32
        %dma_wait3A_651 = tpu.memref_slice %arg3[%add3A_650] : memref<160000xi32, #tpu.memory_space<hbm>> -> memref<80xi32, #tpu.memory_space<hbm>>
        %dma_wait3A_652 = tpu.memref_slice %arg3[%add3A_650] : memref<160000xi32, #tpu.memory_space<hbm>> -> memref<80xi32, #tpu.memory_space<hbm>>
        tpu.wait_dma2 semaphore(%arg21 : memref<!tpu.dma_semaphore, #tpu.memory_space<semaphore_mem>>) src(%dma_wait3A_652 : memref<80xi32, #tpu.memory_space<hbm>>) dst(%arg11 : memref<80xi32, #tpu.memory_space<vmem>>)
        %dma_start3A_653 = arith.constant 0 : i32
        %dma_start3A_654 = arith.constant 0 : i32
        %dma_start3A_655 = tpu.memref_slice %arg17[%dma_start3A_653, %dma_start3A_654] : memref<10112x128xf32, #tpu.memory_space<vmem_shared>> -> memref<10112x128xf32, #tpu.memory_space<vmem_shared>>
        tpu.enqueue_indirect_dma source(%arg14 : memref<80x128xf32, #tpu.memory_space<vmem>>) target(%dma_start3A_655 : memref<10112x128xf32, #tpu.memory_space<vmem_shared>>) offsets(%arg11 : memref<80xi32, #tpu.memory_space<vmem>>) semaphore(%arg27 : memref<!tpu.dma_semaphore, #tpu.memory_space<semaphore_mem>>) {add = true}
        %add3A_656 = arith.constant 5 : i32
        %add3A_657 = arith.addi %add3A_415, %add3A_656 : i32
        %dma_wait3A_658 = arith.constant 0 : i32
        %dma_wait3A_659 = arith.constant 0 : i32
        %dma_wait3A_660 = tpu.memref_slice %arg17[%dma_wait3A_658, %dma_wait3A_659] : memref<10112x128xf32, #tpu.memory_space<vmem_shared>> -> memref<10112x128xf32, #tpu.memory_space<vmem_shared>>
        tpu.wait_indirect_dma semaphore(%arg29 : memref<!tpu.dma_semaphore, #tpu.memory_space<semaphore_mem>>) src(%arg16 : memref<80x128xf32, #tpu.memory_space<vmem>>) dst(%dma_wait3A_660 : memref<10112x128xf32, #tpu.memory_space<vmem_shared>>)
        %add3A_661 = arith.constant 1 : i32
        %add3A_662 = arith.addi %add3A_657, %add3A_661 : i32
        %mul3A_663 = arith.constant 10000 : i32
        %mul3A_664 = arith.muli %arg1, %mul3A_663 : i32
        %mul3A_665 = arith.constant 80 : i32
        %mul3A_666 = arith.muli %add3A_662, %mul3A_665 : i32
        %add3A_667 = arith.addi %mul3A_664, %mul3A_666 : i32
        %dma_start3A_668 = tpu.memref_slice %arg3[%add3A_667] : memref<160000xi32, #tpu.memory_space<hbm>> -> memref<80xi32, #tpu.memory_space<hbm>>
        %dma_start3A_669 = tpu.memref_slice %arg3[%add3A_667] : memref<160000xi32, #tpu.memory_space<hbm>> -> memref<80xi32, #tpu.memory_space<hbm>>
        tpu.enqueue_dma source(%dma_start3A_669 : memref<80xi32, #tpu.memory_space<hbm>>) target(%arg13 : memref<80xi32, #tpu.memory_space<vmem>>) target_semaphore(%arg23 : memref<!tpu.dma_semaphore, #tpu.memory_space<semaphore_mem>>)
        %add3A_670 = arith.constant 1 : i32
        %add3A_671 = arith.addi %add3A_657, %add3A_670 : i32
        %mul3A_672 = arith.constant 10000 : i32
        %mul3A_673 = arith.muli %arg1, %mul3A_672 : i32
        %mul3A_674 = arith.constant 80 : i32
        %mul3A_675 = arith.muli %add3A_671, %mul3A_674 : i32
        %add3A_676 = arith.addi %mul3A_673, %mul3A_675 : i32
        %dma_wait3A_677 = tpu.memref_slice %arg2[%add3A_676] : memref<160000xi32, #tpu.memory_space<hbm>> -> memref<80xi32, #tpu.memory_space<hbm>>
        %dma_wait3A_678 = tpu.memref_slice %arg2[%add3A_676] : memref<160000xi32, #tpu.memory_space<hbm>> -> memref<80xi32, #tpu.memory_space<hbm>>
        tpu.wait_dma2 semaphore(%arg20 : memref<!tpu.dma_semaphore, #tpu.memory_space<semaphore_mem>>) src(%dma_wait3A_678 : memref<80xi32, #tpu.memory_space<hbm>>) dst(%arg10 : memref<80xi32, #tpu.memory_space<vmem>>)
        %dma_start3A_679 = arith.constant 0 : i32
        %dma_start3A_680 = arith.constant 0 : i32
        %dma_start3A_681 = tpu.memref_slice %arg4[%dma_start3A_679, %dma_start3A_680] : memref<10000x128xf32, #tpu.memory_space<hbm>> -> memref<10000x128xf32, #tpu.memory_space<hbm>>
        tpu.enqueue_indirect_dma source(%dma_start3A_681 : memref<10000x128xf32, #tpu.memory_space<hbm>>) target(%arg16 : memref<80x128xf32, #tpu.memory_space<vmem>>) offsets(%arg10 : memref<80xi32, #tpu.memory_space<vmem>>) semaphore(%arg26 : memref<!tpu.dma_semaphore, #tpu.memory_space<semaphore_mem>>)
        %dma_wait3A_682 = arith.constant 0 : i32
        %dma_wait3A_683 = arith.constant 0 : i32
        %dma_wait3A_684 = tpu.memref_slice %arg4[%dma_wait3A_682, %dma_wait3A_683] : memref<10000x128xf32, #tpu.memory_space<hbm>> -> memref<10000x128xf32, #tpu.memory_space<hbm>>
        tpu.wait_indirect_dma semaphore(%arg25 : memref<!tpu.dma_semaphore, #tpu.memory_space<semaphore_mem>>) src(%dma_wait3A_684 : memref<10000x128xf32, #tpu.memory_space<hbm>>) dst(%arg15 : memref<80x128xf32, #tpu.memory_space<vmem>>)
        %add3A_685 = arith.constant 3 : i32
        %add3A_686 = arith.addi %add3A_657, %add3A_685 : i32
        %mul3A_687 = arith.constant 10000 : i32
        %mul3A_688 = arith.muli %arg1, %mul3A_687 : i32
        %mul3A_689 = arith.constant 80 : i32
        %mul3A_690 = arith.muli %add3A_686, %mul3A_689 : i32
        %add3A_691 = arith.addi %mul3A_688, %mul3A_690 : i32
        %dma_start3A_692 = tpu.memref_slice %arg2[%add3A_691] : memref<160000xi32, #tpu.memory_space<hbm>> -> memref<80xi32, #tpu.memory_space<hbm>>
        %dma_start3A_693 = tpu.memref_slice %arg2[%add3A_691] : memref<160000xi32, #tpu.memory_space<hbm>> -> memref<80xi32, #tpu.memory_space<hbm>>
        tpu.enqueue_dma source(%dma_start3A_693 : memref<80xi32, #tpu.memory_space<hbm>>) target(%arg9 : memref<80xi32, #tpu.memory_space<vmem>>) target_semaphore(%arg19 : memref<!tpu.dma_semaphore, #tpu.memory_space<semaphore_mem>>)
        %mul3A_694 = arith.constant 10000 : i32
        %mul3A_695 = arith.muli %arg1, %mul3A_694 : i32
        %mul3A_696 = arith.constant 80 : i32
        %mul3A_697 = arith.muli %add3A_657, %mul3A_696 : i32
        %add3A_698 = arith.addi %mul3A_695, %mul3A_697 : i32
        %dma_wait3A_699 = tpu.memref_slice %arg3[%add3A_698] : memref<160000xi32, #tpu.memory_space<hbm>> -> memref<80xi32, #tpu.memory_space<hbm>>
        %dma_wait3A_700 = tpu.memref_slice %arg3[%add3A_698] : memref<160000xi32, #tpu.memory_space<hbm>> -> memref<80xi32, #tpu.memory_space<hbm>>
        tpu.wait_dma2 semaphore(%arg22 : memref<!tpu.dma_semaphore, #tpu.memory_space<semaphore_mem>>) src(%dma_wait3A_700 : memref<80xi32, #tpu.memory_space<hbm>>) dst(%arg12 : memref<80xi32, #tpu.memory_space<vmem>>)
        %dma_start3A_701 = arith.constant 0 : i32
        %dma_start3A_702 = arith.constant 0 : i32
        %dma_start3A_703 = tpu.memref_slice %arg17[%dma_start3A_701, %dma_start3A_702] : memref<10112x128xf32, #tpu.memory_space<vmem_shared>> -> memref<10112x128xf32, #tpu.memory_space<vmem_shared>>
        tpu.enqueue_indirect_dma source(%arg15 : memref<80x128xf32, #tpu.memory_space<vmem>>) target(%dma_start3A_703 : memref<10112x128xf32, #tpu.memory_space<vmem_shared>>) offsets(%arg12 : memref<80xi32, #tpu.memory_space<vmem>>) semaphore(%arg28 : memref<!tpu.dma_semaphore, #tpu.memory_space<semaphore_mem>>) {add = true}
      }
      %scan3A_113 = arith.constant 19 : i32
      %dma_wait3A_114 = arith.constant 0 : i32
      %dma_wait3A_115 = arith.constant 0 : i32
      %dma_wait3A_116 = tpu.memref_slice %arg17[%dma_wait3A_114, %dma_wait3A_115] : memref<10112x128xf32, #tpu.memory_space<vmem_shared>> -> memref<10112x128xf32, #tpu.memory_space<vmem_shared>>
      tpu.wait_indirect_dma semaphore(%arg27 : memref<!tpu.dma_semaphore, #tpu.memory_space<semaphore_mem>>) src(%arg14 : memref<80x128xf32, #tpu.memory_space<vmem>>) dst(%dma_wait3A_116 : memref<10112x128xf32, #tpu.memory_space<vmem_shared>>)
      %mul3A_117 = arith.constant 10000 : i32
      %mul3A_118 = arith.muli %arg1, %mul3A_117 : i32
      %add3A_119 = arith.constant 9360 : i32
      %add3A_120 = arith.addi %mul3A_118, %add3A_119 : i32
      %dma_start3A_121 = tpu.memref_slice %arg3[%add3A_120] : memref<160000xi32, #tpu.memory_space<hbm>> -> memref<80xi32, #tpu.memory_space<hbm>>
      %dma_start3A_122 = tpu.memref_slice %arg3[%add3A_120] : memref<160000xi32, #tpu.memory_space<hbm>> -> memref<80xi32, #tpu.memory_space<hbm>>
      tpu.enqueue_dma source(%dma_start3A_122 : memref<80xi32, #tpu.memory_space<hbm>>) target(%arg11 : memref<80xi32, #tpu.memory_space<vmem>>) target_semaphore(%arg21 : memref<!tpu.dma_semaphore, #tpu.memory_space<semaphore_mem>>)
      %mul3A_123 = arith.constant 10000 : i32
      %mul3A_124 = arith.muli %arg1, %mul3A_123 : i32
      %add3A_125 = arith.constant 9360 : i32
      %add3A_126 = arith.addi %mul3A_124, %add3A_125 : i32
      %dma_wait3A_127 = tpu.memref_slice %arg2[%add3A_126] : memref<160000xi32, #tpu.memory_space<hbm>> -> memref<80xi32, #tpu.memory_space<hbm>>
      %dma_wait3A_128 = tpu.memref_slice %arg2[%add3A_126] : memref<160000xi32, #tpu.memory_space<hbm>> -> memref<80xi32, #tpu.memory_space<hbm>>
      tpu.wait_dma2 semaphore(%arg18 : memref<!tpu.dma_semaphore, #tpu.memory_space<semaphore_mem>>) src(%dma_wait3A_128 : memref<80xi32, #tpu.memory_space<hbm>>) dst(%arg8 : memref<80xi32, #tpu.memory_space<vmem>>)
      %dma_start3A_129 = arith.constant 0 : i32
      %dma_start3A_130 = arith.constant 0 : i32
      %dma_start3A_131 = tpu.memref_slice %arg4[%dma_start3A_129, %dma_start3A_130] : memref<10000x128xf32, #tpu.memory_space<hbm>> -> memref<10000x128xf32, #tpu.memory_space<hbm>>
      tpu.enqueue_indirect_dma source(%dma_start3A_131 : memref<10000x128xf32, #tpu.memory_space<hbm>>) target(%arg14 : memref<80x128xf32, #tpu.memory_space<vmem>>) offsets(%arg8 : memref<80xi32, #tpu.memory_space<vmem>>) semaphore(%arg24 : memref<!tpu.dma_semaphore, #tpu.memory_space<semaphore_mem>>)
      %dma_wait3A_132 = arith.constant 0 : i32
      %dma_wait3A_133 = arith.constant 0 : i32
      %dma_wait3A_134 = tpu.memref_slice %arg4[%dma_wait3A_132, %dma_wait3A_133] : memref<10000x128xf32, #tpu.memory_space<hbm>> -> memref<10000x128xf32, #tpu.memory_space<hbm>>
      tpu.wait_indirect_dma semaphore(%arg26 : memref<!tpu.dma_semaphore, #tpu.memory_space<semaphore_mem>>) src(%dma_wait3A_134 : memref<10000x128xf32, #tpu.memory_space<hbm>>) dst(%arg16 : memref<80x128xf32, #tpu.memory_space<vmem>>)
      %mul3A_135 = arith.constant 10000 : i32
      %mul3A_136 = arith.muli %arg1, %mul3A_135 : i32
      %add3A_137 = arith.constant 9520 : i32
      %add3A_138 = arith.addi %mul3A_136, %add3A_137 : i32
      %dma_start3A_139 = tpu.memref_slice %arg2[%add3A_138] : memref<160000xi32, #tpu.memory_space<hbm>> -> memref<80xi32, #tpu.memory_space<hbm>>
      %dma_start3A_140 = tpu.memref_slice %arg2[%add3A_138] : memref<160000xi32, #tpu.memory_space<hbm>> -> memref<80xi32, #tpu.memory_space<hbm>>
      tpu.enqueue_dma source(%dma_start3A_140 : memref<80xi32, #tpu.memory_space<hbm>>) target(%arg10 : memref<80xi32, #tpu.memory_space<vmem>>) target_semaphore(%arg20 : memref<!tpu.dma_semaphore, #tpu.memory_space<semaphore_mem>>)
      %mul3A_141 = arith.constant 10000 : i32
      %mul3A_142 = arith.muli %arg1, %mul3A_141 : i32
      %add3A_143 = arith.constant 9280 : i32
      %add3A_144 = arith.addi %mul3A_142, %add3A_143 : i32
      %dma_wait3A_145 = tpu.memref_slice %arg3[%add3A_144] : memref<160000xi32, #tpu.memory_space<hbm>> -> memref<80xi32, #tpu.memory_space<hbm>>
      %dma_wait3A_146 = tpu.memref_slice %arg3[%add3A_144] : memref<160000xi32, #tpu.memory_space<hbm>> -> memref<80xi32, #tpu.memory_space<hbm>>
      tpu.wait_dma2 semaphore(%arg23 : memref<!tpu.dma_semaphore, #tpu.memory_space<semaphore_mem>>) src(%dma_wait3A_146 : memref<80xi32, #tpu.memory_space<hbm>>) dst(%arg13 : memref<80xi32, #tpu.memory_space<vmem>>)
      %dma_start3A_147 = arith.constant 0 : i32
      %dma_start3A_148 = arith.constant 0 : i32
      %dma_start3A_149 = tpu.memref_slice %arg17[%dma_start3A_147, %dma_start3A_148] : memref<10112x128xf32, #tpu.memory_space<vmem_shared>> -> memref<10112x128xf32, #tpu.memory_space<vmem_shared>>
      tpu.enqueue_indirect_dma source(%arg16 : memref<80x128xf32, #tpu.memory_space<vmem>>) target(%dma_start3A_149 : memref<10112x128xf32, #tpu.memory_space<vmem_shared>>) offsets(%arg13 : memref<80xi32, #tpu.memory_space<vmem>>) semaphore(%arg29 : memref<!tpu.dma_semaphore, #tpu.memory_space<semaphore_mem>>) {add = true}
      %dma_wait3A_150 = arith.constant 0 : i32
      %dma_wait3A_151 = arith.constant 0 : i32
      %dma_wait3A_152 = tpu.memref_slice %arg17[%dma_wait3A_150, %dma_wait3A_151] : memref<10112x128xf32, #tpu.memory_space<vmem_shared>> -> memref<10112x128xf32, #tpu.memory_space<vmem_shared>>
      tpu.wait_indirect_dma semaphore(%arg28 : memref<!tpu.dma_semaphore, #tpu.memory_space<semaphore_mem>>) src(%arg15 : memref<80x128xf32, #tpu.memory_space<vmem>>) dst(%dma_wait3A_152 : memref<10112x128xf32, #tpu.memory_space<vmem_shared>>)
      %mul3A_153 = arith.constant 10000 : i32
      %mul3A_154 = arith.muli %arg1, %mul3A_153 : i32
      %add3A_155 = arith.constant 9440 : i32
      %add3A_156 = arith.addi %mul3A_154, %add3A_155 : i32
      %dma_start3A_157 = tpu.memref_slice %arg3[%add3A_156] : memref<160000xi32, #tpu.memory_space<hbm>> -> memref<80xi32, #tpu.memory_space<hbm>>
      %dma_start3A_158 = tpu.memref_slice %arg3[%add3A_156] : memref<160000xi32, #tpu.memory_space<hbm>> -> memref<80xi32, #tpu.memory_space<hbm>>
      tpu.enqueue_dma source(%dma_start3A_158 : memref<80xi32, #tpu.memory_space<hbm>>) target(%arg12 : memref<80xi32, #tpu.memory_space<vmem>>) target_semaphore(%arg22 : memref<!tpu.dma_semaphore, #tpu.memory_space<semaphore_mem>>)
      %mul3A_159 = arith.constant 10000 : i32
      %mul3A_160 = arith.muli %arg1, %mul3A_159 : i32
      %add3A_161 = arith.constant 9440 : i32
      %add3A_162 = arith.addi %mul3A_160, %add3A_161 : i32
      %dma_wait3A_163 = tpu.memref_slice %arg2[%add3A_162] : memref<160000xi32, #tpu.memory_space<hbm>> -> memref<80xi32, #tpu.memory_space<hbm>>
      %dma_wait3A_164 = tpu.memref_slice %arg2[%add3A_162] : memref<160000xi32, #tpu.memory_space<hbm>> -> memref<80xi32, #tpu.memory_space<hbm>>
      tpu.wait_dma2 semaphore(%arg19 : memref<!tpu.dma_semaphore, #tpu.memory_space<semaphore_mem>>) src(%dma_wait3A_164 : memref<80xi32, #tpu.memory_space<hbm>>) dst(%arg9 : memref<80xi32, #tpu.memory_space<vmem>>)
      %dma_start3A_165 = arith.constant 0 : i32
      %dma_start3A_166 = arith.constant 0 : i32
      %dma_start3A_167 = tpu.memref_slice %arg4[%dma_start3A_165, %dma_start3A_166] : memref<10000x128xf32, #tpu.memory_space<hbm>> -> memref<10000x128xf32, #tpu.memory_space<hbm>>
      tpu.enqueue_indirect_dma source(%dma_start3A_167 : memref<10000x128xf32, #tpu.memory_space<hbm>>) target(%arg15 : memref<80x128xf32, #tpu.memory_space<vmem>>) offsets(%arg9 : memref<80xi32, #tpu.memory_space<vmem>>) semaphore(%arg25 : memref<!tpu.dma_semaphore, #tpu.memory_space<semaphore_mem>>)
      %dma_wait3A_168 = arith.constant 0 : i32
      %dma_wait3A_169 = arith.constant 0 : i32
      %dma_wait3A_170 = tpu.memref_slice %arg4[%dma_wait3A_168, %dma_wait3A_169] : memref<10000x128xf32, #tpu.memory_space<hbm>> -> memref<10000x128xf32, #tpu.memory_space<hbm>>
      tpu.wait_indirect_dma semaphore(%arg24 : memref<!tpu.dma_semaphore, #tpu.memory_space<semaphore_mem>>) src(%dma_wait3A_170 : memref<10000x128xf32, #tpu.memory_space<hbm>>) dst(%arg14 : memref<80x128xf32, #tpu.memory_space<vmem>>)
      %mul3A_171 = arith.constant 10000 : i32
      %mul3A_172 = arith.muli %arg1, %mul3A_171 : i32
      %add3A_173 = arith.constant 9600 : i32
      %add3A_174 = arith.addi %mul3A_172, %add3A_173 : i32
      %dma_start3A_175 = tpu.memref_slice %arg2[%add3A_174] : memref<160000xi32, #tpu.memory_space<hbm>> -> memref<80xi32, #tpu.memory_space<hbm>>
      %dma_start3A_176 = tpu.memref_slice %arg2[%add3A_174] : memref<160000xi32, #tpu.memory_space<hbm>> -> memref<80xi32, #tpu.memory_space<hbm>>
      tpu.enqueue_dma source(%dma_start3A_176 : memref<80xi32, #tpu.memory_space<hbm>>) target(%arg8 : memref<80xi32, #tpu.memory_space<vmem>>) target_semaphore(%arg18 : memref<!tpu.dma_semaphore, #tpu.memory_space<semaphore_mem>>)
      %mul3A_177 = arith.constant 10000 : i32
      %mul3A_178 = arith.muli %arg1, %mul3A_177 : i32
      %add3A_179 = arith.constant 9360 : i32
      %add3A_180 = arith.addi %mul3A_178, %add3A_179 : i32
      %dma_wait3A_181 = tpu.memref_slice %arg3[%add3A_180] : memref<160000xi32, #tpu.memory_space<hbm>> -> memref<80xi32, #tpu.memory_space<hbm>>
      %dma_wait3A_182 = tpu.memref_slice %arg3[%add3A_180] : memref<160000xi32, #tpu.memory_space<hbm>> -> memref<80xi32, #tpu.memory_space<hbm>>
      tpu.wait_dma2 semaphore(%arg21 : memref<!tpu.dma_semaphore, #tpu.memory_space<semaphore_mem>>) src(%dma_wait3A_182 : memref<80xi32, #tpu.memory_space<hbm>>) dst(%arg11 : memref<80xi32, #tpu.memory_space<vmem>>)
      %dma_start3A_183 = arith.constant 0 : i32
      %dma_start3A_184 = arith.constant 0 : i32
      %dma_start3A_185 = tpu.memref_slice %arg17[%dma_start3A_183, %dma_start3A_184] : memref<10112x128xf32, #tpu.memory_space<vmem_shared>> -> memref<10112x128xf32, #tpu.memory_space<vmem_shared>>
      tpu.enqueue_indirect_dma source(%arg14 : memref<80x128xf32, #tpu.memory_space<vmem>>) target(%dma_start3A_185 : memref<10112x128xf32, #tpu.memory_space<vmem_shared>>) offsets(%arg11 : memref<80xi32, #tpu.memory_space<vmem>>) semaphore(%arg27 : memref<!tpu.dma_semaphore, #tpu.memory_space<semaphore_mem>>) {add = true}
      %dma_wait3A_186 = arith.constant 0 : i32
      %dma_wait3A_187 = arith.constant 0 : i32
      %dma_wait3A_188 = tpu.memref_slice %arg17[%dma_wait3A_186, %dma_wait3A_187] : memref<10112x128xf32, #tpu.memory_space<vmem_shared>> -> memref<10112x128xf32, #tpu.memory_space<vmem_shared>>
      tpu.wait_indirect_dma semaphore(%arg29 : memref<!tpu.dma_semaphore, #tpu.memory_space<semaphore_mem>>) src(%arg16 : memref<80x128xf32, #tpu.memory_space<vmem>>) dst(%dma_wait3A_188 : memref<10112x128xf32, #tpu.memory_space<vmem_shared>>)
      %mul3A_189 = arith.constant 10000 : i32
      %mul3A_190 = arith.muli %arg1, %mul3A_189 : i32
      %add3A_191 = arith.constant 9520 : i32
      %add3A_192 = arith.addi %mul3A_190, %add3A_191 : i32
      %dma_start3A_193 = tpu.memref_slice %arg3[%add3A_192] : memref<160000xi32, #tpu.memory_space<hbm>> -> memref<80xi32, #tpu.memory_space<hbm>>
      %dma_start3A_194 = tpu.memref_slice %arg3[%add3A_192] : memref<160000xi32, #tpu.memory_space<hbm>> -> memref<80xi32, #tpu.memory_space<hbm>>
      tpu.enqueue_dma source(%dma_start3A_194 : memref<80xi32, #tpu.memory_space<hbm>>) target(%arg13 : memref<80xi32, #tpu.memory_space<vmem>>) target_semaphore(%arg23 : memref<!tpu.dma_semaphore, #tpu.memory_space<semaphore_mem>>)
      %mul3A_195 = arith.constant 10000 : i32
      %mul3A_196 = arith.muli %arg1, %mul3A_195 : i32
      %add3A_197 = arith.constant 9520 : i32
      %add3A_198 = arith.addi %mul3A_196, %add3A_197 : i32
      %dma_wait3A_199 = tpu.memref_slice %arg2[%add3A_198] : memref<160000xi32, #tpu.memory_space<hbm>> -> memref<80xi32, #tpu.memory_space<hbm>>
      %dma_wait3A_200 = tpu.memref_slice %arg2[%add3A_198] : memref<160000xi32, #tpu.memory_space<hbm>> -> memref<80xi32, #tpu.memory_space<hbm>>
      tpu.wait_dma2 semaphore(%arg20 : memref<!tpu.dma_semaphore, #tpu.memory_space<semaphore_mem>>) src(%dma_wait3A_200 : memref<80xi32, #tpu.memory_space<hbm>>) dst(%arg10 : memref<80xi32, #tpu.memory_space<vmem>>)
      %dma_start3A_201 = arith.constant 0 : i32
      %dma_start3A_202 = arith.constant 0 : i32
      %dma_start3A_203 = tpu.memref_slice %arg4[%dma_start3A_201, %dma_start3A_202] : memref<10000x128xf32, #tpu.memory_space<hbm>> -> memref<10000x128xf32, #tpu.memory_space<hbm>>
      tpu.enqueue_indirect_dma source(%dma_start3A_203 : memref<10000x128xf32, #tpu.memory_space<hbm>>) target(%arg16 : memref<80x128xf32, #tpu.memory_space<vmem>>) offsets(%arg10 : memref<80xi32, #tpu.memory_space<vmem>>) semaphore(%arg26 : memref<!tpu.dma_semaphore, #tpu.memory_space<semaphore_mem>>)
      %dma_wait3A_204 = arith.constant 0 : i32
      %dma_wait3A_205 = arith.constant 0 : i32
      %dma_wait3A_206 = tpu.memref_slice %arg4[%dma_wait3A_204, %dma_wait3A_205] : memref<10000x128xf32, #tpu.memory_space<hbm>> -> memref<10000x128xf32, #tpu.memory_space<hbm>>
      tpu.wait_indirect_dma semaphore(%arg25 : memref<!tpu.dma_semaphore, #tpu.memory_space<semaphore_mem>>) src(%dma_wait3A_206 : memref<10000x128xf32, #tpu.memory_space<hbm>>) dst(%arg15 : memref<80x128xf32, #tpu.memory_space<vmem>>)
      %mul3A_207 = arith.constant 10000 : i32
      %mul3A_208 = arith.muli %arg1, %mul3A_207 : i32
      %add3A_209 = arith.constant 9680 : i32
      %add3A_210 = arith.addi %mul3A_208, %add3A_209 : i32
      %dma_start3A_211 = tpu.memref_slice %arg2[%add3A_210] : memref<160000xi32, #tpu.memory_space<hbm>> -> memref<80xi32, #tpu.memory_space<hbm>>
      %dma_start3A_212 = tpu.memref_slice %arg2[%add3A_210] : memref<160000xi32, #tpu.memory_space<hbm>> -> memref<80xi32, #tpu.memory_space<hbm>>
      tpu.enqueue_dma source(%dma_start3A_212 : memref<80xi32, #tpu.memory_space<hbm>>) target(%arg9 : memref<80xi32, #tpu.memory_space<vmem>>) target_semaphore(%arg19 : memref<!tpu.dma_semaphore, #tpu.memory_space<semaphore_mem>>)
      %mul3A_213 = arith.constant 10000 : i32
      %mul3A_214 = arith.muli %arg1, %mul3A_213 : i32
      %add3A_215 = arith.constant 9440 : i32
      %add3A_216 = arith.addi %mul3A_214, %add3A_215 : i32
      %dma_wait3A_217 = tpu.memref_slice %arg3[%add3A_216] : memref<160000xi32, #tpu.memory_space<hbm>> -> memref<80xi32, #tpu.memory_space<hbm>>
      %dma_wait3A_218 = tpu.memref_slice %arg3[%add3A_216] : memref<160000xi32, #tpu.memory_space<hbm>> -> memref<80xi32, #tpu.memory_space<hbm>>
      tpu.wait_dma2 semaphore(%arg22 : memref<!tpu.dma_semaphore, #tpu.memory_space<semaphore_mem>>) src(%dma_wait3A_218 : memref<80xi32, #tpu.memory_space<hbm>>) dst(%arg12 : memref<80xi32, #tpu.memory_space<vmem>>)
      %dma_start3A_219 = arith.constant 0 : i32
      %dma_start3A_220 = arith.constant 0 : i32
      %dma_start3A_221 = tpu.memref_slice %arg17[%dma_start3A_219, %dma_start3A_220] : memref<10112x128xf32, #tpu.memory_space<vmem_shared>> -> memref<10112x128xf32, #tpu.memory_space<vmem_shared>>
      tpu.enqueue_indirect_dma source(%arg15 : memref<80x128xf32, #tpu.memory_space<vmem>>) target(%dma_start3A_221 : memref<10112x128xf32, #tpu.memory_space<vmem_shared>>) offsets(%arg12 : memref<80xi32, #tpu.memory_space<vmem>>) semaphore(%arg28 : memref<!tpu.dma_semaphore, #tpu.memory_space<semaphore_mem>>) {add = true}
      %dma_wait3A_222 = arith.constant 0 : i32
      %dma_wait3A_223 = arith.constant 0 : i32
      %dma_wait3A_224 = tpu.memref_slice %arg17[%dma_wait3A_222, %dma_wait3A_223] : memref<10112x128xf32, #tpu.memory_space<vmem_shared>> -> memref<10112x128xf32, #tpu.memory_space<vmem_shared>>
      tpu.wait_indirect_dma semaphore(%arg27 : memref<!tpu.dma_semaphore, #tpu.memory_space<semaphore_mem>>) src(%arg14 : memref<80x128xf32, #tpu.memory_space<vmem>>) dst(%dma_wait3A_224 : memref<10112x128xf32, #tpu.memory_space<vmem_shared>>)
      %mul3A_225 = arith.constant 10000 : i32
      %mul3A_226 = arith.muli %arg1, %mul3A_225 : i32
      %add3A_227 = arith.constant 9600 : i32
      %add3A_228 = arith.addi %mul3A_226, %add3A_227 : i32
      %dma_start3A_229 = tpu.memref_slice %arg3[%add3A_228] : memref<160000xi32, #tpu.memory_space<hbm>> -> memref<80xi32, #tpu.memory_space<hbm>>
      %dma_start3A_230 = tpu.memref_slice %arg3[%add3A_228] : memref<160000xi32, #tpu.memory_space<hbm>> -> memref<80xi32, #tpu.memory_space<hbm>>
      tpu.enqueue_dma source(%dma_start3A_230 : memref<80xi32, #tpu.memory_space<hbm>>) target(%arg11 : memref<80xi32, #tpu.memory_space<vmem>>) target_semaphore(%arg21 : memref<!tpu.dma_semaphore, #tpu.memory_space<semaphore_mem>>)
      %mul3A_231 = arith.constant 10000 : i32
      %mul3A_232 = arith.muli %arg1, %mul3A_231 : i32
      %add3A_233 = arith.constant 9600 : i32
      %add3A_234 = arith.addi %mul3A_232, %add3A_233 : i32
      %dma_wait3A_235 = tpu.memref_slice %arg2[%add3A_234] : memref<160000xi32, #tpu.memory_space<hbm>> -> memref<80xi32, #tpu.memory_space<hbm>>
      %dma_wait3A_236 = tpu.memref_slice %arg2[%add3A_234] : memref<160000xi32, #tpu.memory_space<hbm>> -> memref<80xi32, #tpu.memory_space<hbm>>
      tpu.wait_dma2 semaphore(%arg18 : memref<!tpu.dma_semaphore, #tpu.memory_space<semaphore_mem>>) src(%dma_wait3A_236 : memref<80xi32, #tpu.memory_space<hbm>>) dst(%arg8 : memref<80xi32, #tpu.memory_space<vmem>>)
      %dma_start3A_237 = arith.constant 0 : i32
      %dma_start3A_238 = arith.constant 0 : i32
      %dma_start3A_239 = tpu.memref_slice %arg4[%dma_start3A_237, %dma_start3A_238] : memref<10000x128xf32, #tpu.memory_space<hbm>> -> memref<10000x128xf32, #tpu.memory_space<hbm>>
      tpu.enqueue_indirect_dma source(%dma_start3A_239 : memref<10000x128xf32, #tpu.memory_space<hbm>>) target(%arg14 : memref<80x128xf32, #tpu.memory_space<vmem>>) offsets(%arg8 : memref<80xi32, #tpu.memory_space<vmem>>) semaphore(%arg24 : memref<!tpu.dma_semaphore, #tpu.memory_space<semaphore_mem>>)
      %dma_wait3A_240 = arith.constant 0 : i32
      %dma_wait3A_241 = arith.constant 0 : i32
      %dma_wait3A_242 = tpu.memref_slice %arg4[%dma_wait3A_240, %dma_wait3A_241] : memref<10000x128xf32, #tpu.memory_space<hbm>> -> memref<10000x128xf32, #tpu.memory_space<hbm>>
      tpu.wait_indirect_dma semaphore(%arg26 : memref<!tpu.dma_semaphore, #tpu.memory_space<semaphore_mem>>) src(%dma_wait3A_242 : memref<10000x128xf32, #tpu.memory_space<hbm>>) dst(%arg16 : memref<80x128xf32, #tpu.memory_space<vmem>>)
      %mul3A_243 = arith.constant 10000 : i32
      %mul3A_244 = arith.muli %arg1, %mul3A_243 : i32
      %add3A_245 = arith.constant 9760 : i32
      %add3A_246 = arith.addi %mul3A_244, %add3A_245 : i32
      %dma_start3A_247 = tpu.memref_slice %arg2[%add3A_246] : memref<160000xi32, #tpu.memory_space<hbm>> -> memref<80xi32, #tpu.memory_space<hbm>>
      %dma_start3A_248 = tpu.memref_slice %arg2[%add3A_246] : memref<160000xi32, #tpu.memory_space<hbm>> -> memref<80xi32, #tpu.memory_space<hbm>>
      tpu.enqueue_dma source(%dma_start3A_248 : memref<80xi32, #tpu.memory_space<hbm>>) target(%arg10 : memref<80xi32, #tpu.memory_space<vmem>>) target_semaphore(%arg20 : memref<!tpu.dma_semaphore, #tpu.memory_space<semaphore_mem>>)
      %mul3A_249 = arith.constant 10000 : i32
      %mul3A_250 = arith.muli %arg1, %mul3A_249 : i32
      %add3A_251 = arith.constant 9520 : i32
      %add3A_252 = arith.addi %mul3A_250, %add3A_251 : i32
      %dma_wait3A_253 = tpu.memref_slice %arg3[%add3A_252] : memref<160000xi32, #tpu.memory_space<hbm>> -> memref<80xi32, #tpu.memory_space<hbm>>
      %dma_wait3A_254 = tpu.memref_slice %arg3[%add3A_252] : memref<160000xi32, #tpu.memory_space<hbm>> -> memref<80xi32, #tpu.memory_space<hbm>>
      tpu.wait_dma2 semaphore(%arg23 : memref<!tpu.dma_semaphore, #tpu.memory_space<semaphore_mem>>) src(%dma_wait3A_254 : memref<80xi32, #tpu.memory_space<hbm>>) dst(%arg13 : memref<80xi32, #tpu.memory_space<vmem>>)
      %dma_start3A_255 = arith.constant 0 : i32
      %dma_start3A_256 = arith.constant 0 : i32
      %dma_start3A_257 = tpu.memref_slice %arg17[%dma_start3A_255, %dma_start3A_256] : memref<10112x128xf32, #tpu.memory_space<vmem_shared>> -> memref<10112x128xf32, #tpu.memory_space<vmem_shared>>
      tpu.enqueue_indirect_dma source(%arg16 : memref<80x128xf32, #tpu.memory_space<vmem>>) target(%dma_start3A_257 : memref<10112x128xf32, #tpu.memory_space<vmem_shared>>) offsets(%arg13 : memref<80xi32, #tpu.memory_space<vmem>>) semaphore(%arg29 : memref<!tpu.dma_semaphore, #tpu.memory_space<semaphore_mem>>) {add = true}
      %dma_wait3A_258 = arith.constant 0 : i32
      %dma_wait3A_259 = arith.constant 0 : i32
      %dma_wait3A_260 = tpu.memref_slice %arg17[%dma_wait3A_258, %dma_wait3A_259] : memref<10112x128xf32, #tpu.memory_space<vmem_shared>> -> memref<10112x128xf32, #tpu.memory_space<vmem_shared>>
      tpu.wait_indirect_dma semaphore(%arg28 : memref<!tpu.dma_semaphore, #tpu.memory_space<semaphore_mem>>) src(%arg15 : memref<80x128xf32, #tpu.memory_space<vmem>>) dst(%dma_wait3A_260 : memref<10112x128xf32, #tpu.memory_space<vmem_shared>>)
      %mul3A_261 = arith.constant 10000 : i32
      %mul3A_262 = arith.muli %arg1, %mul3A_261 : i32
      %add3A_263 = arith.constant 9680 : i32
      %add3A_264 = arith.addi %mul3A_262, %add3A_263 : i32
      %dma_start3A_265 = tpu.memref_slice %arg3[%add3A_264] : memref<160000xi32, #tpu.memory_space<hbm>> -> memref<80xi32, #tpu.memory_space<hbm>>
      %dma_start3A_266 = tpu.memref_slice %arg3[%add3A_264] : memref<160000xi32, #tpu.memory_space<hbm>> -> memref<80xi32, #tpu.memory_space<hbm>>
      tpu.enqueue_dma source(%dma_start3A_266 : memref<80xi32, #tpu.memory_space<hbm>>) target(%arg12 : memref<80xi32, #tpu.memory_space<vmem>>) target_semaphore(%arg22 : memref<!tpu.dma_semaphore, #tpu.memory_space<semaphore_mem>>)
      %mul3A_267 = arith.constant 10000 : i32
      %mul3A_268 = arith.muli %arg1, %mul3A_267 : i32
      %add3A_269 = arith.constant 9680 : i32
      %add3A_270 = arith.addi %mul3A_268, %add3A_269 : i32
      %dma_wait3A_271 = tpu.memref_slice %arg2[%add3A_270] : memref<160000xi32, #tpu.memory_space<hbm>> -> memref<80xi32, #tpu.memory_space<hbm>>
      %dma_wait3A_272 = tpu.memref_slice %arg2[%add3A_270] : memref<160000xi32, #tpu.memory_space<hbm>> -> memref<80xi32, #tpu.memory_space<hbm>>
      tpu.wait_dma2 semaphore(%arg19 : memref<!tpu.dma_semaphore, #tpu.memory_space<semaphore_mem>>) src(%dma_wait3A_272 : memref<80xi32, #tpu.memory_space<hbm>>) dst(%arg9 : memref<80xi32, #tpu.memory_space<vmem>>)
      %dma_start3A_273 = arith.constant 0 : i32
      %dma_start3A_274 = arith.constant 0 : i32
      %dma_start3A_275 = tpu.memref_slice %arg4[%dma_start3A_273, %dma_start3A_274] : memref<10000x128xf32, #tpu.memory_space<hbm>> -> memref<10000x128xf32, #tpu.memory_space<hbm>>
      tpu.enqueue_indirect_dma source(%dma_start3A_275 : memref<10000x128xf32, #tpu.memory_space<hbm>>) target(%arg15 : memref<80x128xf32, #tpu.memory_space<vmem>>) offsets(%arg9 : memref<80xi32, #tpu.memory_space<vmem>>) semaphore(%arg25 : memref<!tpu.dma_semaphore, #tpu.memory_space<semaphore_mem>>)
      %dma_wait3A_276 = arith.constant 0 : i32
      %dma_wait3A_277 = arith.constant 0 : i32
      %dma_wait3A_278 = tpu.memref_slice %arg4[%dma_wait3A_276, %dma_wait3A_277] : memref<10000x128xf32, #tpu.memory_space<hbm>> -> memref<10000x128xf32, #tpu.memory_space<hbm>>
      tpu.wait_indirect_dma semaphore(%arg24 : memref<!tpu.dma_semaphore, #tpu.memory_space<semaphore_mem>>) src(%dma_wait3A_278 : memref<10000x128xf32, #tpu.memory_space<hbm>>) dst(%arg14 : memref<80x128xf32, #tpu.memory_space<vmem>>)
      %mul3A_279 = arith.constant 10000 : i32
      %mul3A_280 = arith.muli %arg1, %mul3A_279 : i32
      %add3A_281 = arith.constant 9840 : i32
      %add3A_282 = arith.addi %mul3A_280, %add3A_281 : i32
      %dma_start3A_283 = tpu.memref_slice %arg2[%add3A_282] : memref<160000xi32, #tpu.memory_space<hbm>> -> memref<80xi32, #tpu.memory_space<hbm>>
      %dma_start3A_284 = tpu.memref_slice %arg2[%add3A_282] : memref<160000xi32, #tpu.memory_space<hbm>> -> memref<80xi32, #tpu.memory_space<hbm>>
      tpu.enqueue_dma source(%dma_start3A_284 : memref<80xi32, #tpu.memory_space<hbm>>) target(%arg8 : memref<80xi32, #tpu.memory_space<vmem>>) target_semaphore(%arg18 : memref<!tpu.dma_semaphore, #tpu.memory_space<semaphore_mem>>)
      %mul3A_285 = arith.constant 10000 : i32
      %mul3A_286 = arith.muli %arg1, %mul3A_285 : i32
      %add3A_287 = arith.constant 9600 : i32
      %add3A_288 = arith.addi %mul3A_286, %add3A_287 : i32
      %dma_wait3A_289 = tpu.memref_slice %arg3[%add3A_288] : memref<160000xi32, #tpu.memory_space<hbm>> -> memref<80xi32, #tpu.memory_space<hbm>>
      %dma_wait3A_290 = tpu.memref_slice %arg3[%add3A_288] : memref<160000xi32, #tpu.memory_space<hbm>> -> memref<80xi32, #tpu.memory_space<hbm>>
      tpu.wait_dma2 semaphore(%arg21 : memref<!tpu.dma_semaphore, #tpu.memory_space<semaphore_mem>>) src(%dma_wait3A_290 : memref<80xi32, #tpu.memory_space<hbm>>) dst(%arg11 : memref<80xi32, #tpu.memory_space<vmem>>)
      %dma_start3A_291 = arith.constant 0 : i32
      %dma_start3A_292 = arith.constant 0 : i32
      %dma_start3A_293 = tpu.memref_slice %arg17[%dma_start3A_291, %dma_start3A_292] : memref<10112x128xf32, #tpu.memory_space<vmem_shared>> -> memref<10112x128xf32, #tpu.memory_space<vmem_shared>>
      tpu.enqueue_indirect_dma source(%arg14 : memref<80x128xf32, #tpu.memory_space<vmem>>) target(%dma_start3A_293 : memref<10112x128xf32, #tpu.memory_space<vmem_shared>>) offsets(%arg11 : memref<80xi32, #tpu.memory_space<vmem>>) semaphore(%arg27 : memref<!tpu.dma_semaphore, #tpu.memory_space<semaphore_mem>>) {add = true}
      %dma_wait3A_294 = arith.constant 0 : i32
      %dma_wait3A_295 = arith.constant 0 : i32
      %dma_wait3A_296 = tpu.memref_slice %arg17[%dma_wait3A_294, %dma_wait3A_295] : memref<10112x128xf32, #tpu.memory_space<vmem_shared>> -> memref<10112x128xf32, #tpu.memory_space<vmem_shared>>
      tpu.wait_indirect_dma semaphore(%arg29 : memref<!tpu.dma_semaphore, #tpu.memory_space<semaphore_mem>>) src(%arg16 : memref<80x128xf32, #tpu.memory_space<vmem>>) dst(%dma_wait3A_296 : memref<10112x128xf32, #tpu.memory_space<vmem_shared>>)
      %mul3A_297 = arith.constant 10000 : i32
      %mul3A_298 = arith.muli %arg1, %mul3A_297 : i32
      %add3A_299 = arith.constant 9760 : i32
      %add3A_300 = arith.addi %mul3A_298, %add3A_299 : i32
      %dma_start3A_301 = tpu.memref_slice %arg3[%add3A_300] : memref<160000xi32, #tpu.memory_space<hbm>> -> memref<80xi32, #tpu.memory_space<hbm>>
      %dma_start3A_302 = tpu.memref_slice %arg3[%add3A_300] : memref<160000xi32, #tpu.memory_space<hbm>> -> memref<80xi32, #tpu.memory_space<hbm>>
      tpu.enqueue_dma source(%dma_start3A_302 : memref<80xi32, #tpu.memory_space<hbm>>) target(%arg13 : memref<80xi32, #tpu.memory_space<vmem>>) target_semaphore(%arg23 : memref<!tpu.dma_semaphore, #tpu.memory_space<semaphore_mem>>)
      %mul3A_303 = arith.constant 10000 : i32
      %mul3A_304 = arith.muli %arg1, %mul3A_303 : i32
      %add3A_305 = arith.constant 9760 : i32
      %add3A_306 = arith.addi %mul3A_304, %add3A_305 : i32
      %dma_wait3A_307 = tpu.memref_slice %arg2[%add3A_306] : memref<160000xi32, #tpu.memory_space<hbm>> -> memref<80xi32, #tpu.memory_space<hbm>>
      %dma_wait3A_308 = tpu.memref_slice %arg2[%add3A_306] : memref<160000xi32, #tpu.memory_space<hbm>> -> memref<80xi32, #tpu.memory_space<hbm>>
      tpu.wait_dma2 semaphore(%arg20 : memref<!tpu.dma_semaphore, #tpu.memory_space<semaphore_mem>>) src(%dma_wait3A_308 : memref<80xi32, #tpu.memory_space<hbm>>) dst(%arg10 : memref<80xi32, #tpu.memory_space<vmem>>)
      %dma_start3A_309 = arith.constant 0 : i32
      %dma_start3A_310 = arith.constant 0 : i32
      %dma_start3A_311 = tpu.memref_slice %arg4[%dma_start3A_309, %dma_start3A_310] : memref<10000x128xf32, #tpu.memory_space<hbm>> -> memref<10000x128xf32, #tpu.memory_space<hbm>>
      tpu.enqueue_indirect_dma source(%dma_start3A_311 : memref<10000x128xf32, #tpu.memory_space<hbm>>) target(%arg16 : memref<80x128xf32, #tpu.memory_space<vmem>>) offsets(%arg10 : memref<80xi32, #tpu.memory_space<vmem>>) semaphore(%arg26 : memref<!tpu.dma_semaphore, #tpu.memory_space<semaphore_mem>>)
      %dma_wait3A_312 = arith.constant 0 : i32
      %dma_wait3A_313 = arith.constant 0 : i32
      %dma_wait3A_314 = tpu.memref_slice %arg4[%dma_wait3A_312, %dma_wait3A_313] : memref<10000x128xf32, #tpu.memory_space<hbm>> -> memref<10000x128xf32, #tpu.memory_space<hbm>>
      tpu.wait_indirect_dma semaphore(%arg25 : memref<!tpu.dma_semaphore, #tpu.memory_space<semaphore_mem>>) src(%dma_wait3A_314 : memref<10000x128xf32, #tpu.memory_space<hbm>>) dst(%arg15 : memref<80x128xf32, #tpu.memory_space<vmem>>)
      %mul3A_315 = arith.constant 10000 : i32
      %mul3A_316 = arith.muli %arg1, %mul3A_315 : i32
      %add3A_317 = arith.constant 9920 : i32
      %add3A_318 = arith.addi %mul3A_316, %add3A_317 : i32
      %dma_start3A_319 = tpu.memref_slice %arg2[%add3A_318] : memref<160000xi32, #tpu.memory_space<hbm>> -> memref<80xi32, #tpu.memory_space<hbm>>
      %dma_start3A_320 = tpu.memref_slice %arg2[%add3A_318] : memref<160000xi32, #tpu.memory_space<hbm>> -> memref<80xi32, #tpu.memory_space<hbm>>
      tpu.enqueue_dma source(%dma_start3A_320 : memref<80xi32, #tpu.memory_space<hbm>>) target(%arg9 : memref<80xi32, #tpu.memory_space<vmem>>) target_semaphore(%arg19 : memref<!tpu.dma_semaphore, #tpu.memory_space<semaphore_mem>>)
      %mul3A_321 = arith.constant 10000 : i32
      %mul3A_322 = arith.muli %arg1, %mul3A_321 : i32
      %add3A_323 = arith.constant 9680 : i32
      %add3A_324 = arith.addi %mul3A_322, %add3A_323 : i32
      %dma_wait3A_325 = tpu.memref_slice %arg3[%add3A_324] : memref<160000xi32, #tpu.memory_space<hbm>> -> memref<80xi32, #tpu.memory_space<hbm>>
      %dma_wait3A_326 = tpu.memref_slice %arg3[%add3A_324] : memref<160000xi32, #tpu.memory_space<hbm>> -> memref<80xi32, #tpu.memory_space<hbm>>
      tpu.wait_dma2 semaphore(%arg22 : memref<!tpu.dma_semaphore, #tpu.memory_space<semaphore_mem>>) src(%dma_wait3A_326 : memref<80xi32, #tpu.memory_space<hbm>>) dst(%arg12 : memref<80xi32, #tpu.memory_space<vmem>>)
      %dma_start3A_327 = arith.constant 0 : i32
      %dma_start3A_328 = arith.constant 0 : i32
      %dma_start3A_329 = tpu.memref_slice %arg17[%dma_start3A_327, %dma_start3A_328] : memref<10112x128xf32, #tpu.memory_space<vmem_shared>> -> memref<10112x128xf32, #tpu.memory_space<vmem_shared>>
      tpu.enqueue_indirect_dma source(%arg15 : memref<80x128xf32, #tpu.memory_space<vmem>>) target(%dma_start3A_329 : memref<10112x128xf32, #tpu.memory_space<vmem_shared>>) offsets(%arg12 : memref<80xi32, #tpu.memory_space<vmem>>) semaphore(%arg28 : memref<!tpu.dma_semaphore, #tpu.memory_space<semaphore_mem>>) {add = true}
      %dma_wait3A_330 = arith.constant 0 : i32
      %dma_wait3A_331 = arith.constant 0 : i32
      %dma_wait3A_332 = tpu.memref_slice %arg17[%dma_wait3A_330, %dma_wait3A_331] : memref<10112x128xf32, #tpu.memory_space<vmem_shared>> -> memref<10112x128xf32, #tpu.memory_space<vmem_shared>>
      tpu.wait_indirect_dma semaphore(%arg27 : memref<!tpu.dma_semaphore, #tpu.memory_space<semaphore_mem>>) src(%arg14 : memref<80x128xf32, #tpu.memory_space<vmem>>) dst(%dma_wait3A_332 : memref<10112x128xf32, #tpu.memory_space<vmem_shared>>)
      %mul3A_333 = arith.constant 10000 : i32
      %mul3A_334 = arith.muli %arg1, %mul3A_333 : i32
      %add3A_335 = arith.constant 9840 : i32
      %add3A_336 = arith.addi %mul3A_334, %add3A_335 : i32
      %dma_start3A_337 = tpu.memref_slice %arg3[%add3A_336] : memref<160000xi32, #tpu.memory_space<hbm>> -> memref<80xi32, #tpu.memory_space<hbm>>
      %dma_start3A_338 = tpu.memref_slice %arg3[%add3A_336] : memref<160000xi32, #tpu.memory_space<hbm>> -> memref<80xi32, #tpu.memory_space<hbm>>
      tpu.enqueue_dma source(%dma_start3A_338 : memref<80xi32, #tpu.memory_space<hbm>>) target(%arg11 : memref<80xi32, #tpu.memory_space<vmem>>) target_semaphore(%arg21 : memref<!tpu.dma_semaphore, #tpu.memory_space<semaphore_mem>>)
      %mul3A_339 = arith.constant 10000 : i32
      %mul3A_340 = arith.muli %arg1, %mul3A_339 : i32
      %add3A_341 = arith.constant 9840 : i32
      %add3A_342 = arith.addi %mul3A_340, %add3A_341 : i32
      %dma_wait3A_343 = tpu.memref_slice %arg2[%add3A_342] : memref<160000xi32, #tpu.memory_space<hbm>> -> memref<80xi32, #tpu.memory_space<hbm>>
      %dma_wait3A_344 = tpu.memref_slice %arg2[%add3A_342] : memref<160000xi32, #tpu.memory_space<hbm>> -> memref<80xi32, #tpu.memory_space<hbm>>
      tpu.wait_dma2 semaphore(%arg18 : memref<!tpu.dma_semaphore, #tpu.memory_space<semaphore_mem>>) src(%dma_wait3A_344 : memref<80xi32, #tpu.memory_space<hbm>>) dst(%arg8 : memref<80xi32, #tpu.memory_space<vmem>>)
      %dma_start3A_345 = arith.constant 0 : i32
      %dma_start3A_346 = arith.constant 0 : i32
      %dma_start3A_347 = tpu.memref_slice %arg4[%dma_start3A_345, %dma_start3A_346] : memref<10000x128xf32, #tpu.memory_space<hbm>> -> memref<10000x128xf32, #tpu.memory_space<hbm>>
      tpu.enqueue_indirect_dma source(%dma_start3A_347 : memref<10000x128xf32, #tpu.memory_space<hbm>>) target(%arg14 : memref<80x128xf32, #tpu.memory_space<vmem>>) offsets(%arg8 : memref<80xi32, #tpu.memory_space<vmem>>) semaphore(%arg24 : memref<!tpu.dma_semaphore, #tpu.memory_space<semaphore_mem>>)
      %dma_wait3A_348 = arith.constant 0 : i32
      %dma_wait3A_349 = arith.constant 0 : i32
      %dma_wait3A_350 = tpu.memref_slice %arg4[%dma_wait3A_348, %dma_wait3A_349] : memref<10000x128xf32, #tpu.memory_space<hbm>> -> memref<10000x128xf32, #tpu.memory_space<hbm>>
      tpu.wait_indirect_dma semaphore(%arg26 : memref<!tpu.dma_semaphore, #tpu.memory_space<semaphore_mem>>) src(%dma_wait3A_350 : memref<10000x128xf32, #tpu.memory_space<hbm>>) dst(%arg16 : memref<80x128xf32, #tpu.memory_space<vmem>>)
      %mul3A_351 = arith.constant 10000 : i32
      %mul3A_352 = arith.muli %arg1, %mul3A_351 : i32
      %add3A_353 = arith.constant 9760 : i32
      %add3A_354 = arith.addi %mul3A_352, %add3A_353 : i32
      %dma_wait3A_355 = tpu.memref_slice %arg3[%add3A_354] : memref<160000xi32, #tpu.memory_space<hbm>> -> memref<80xi32, #tpu.memory_space<hbm>>
      %dma_wait3A_356 = tpu.memref_slice %arg3[%add3A_354] : memref<160000xi32, #tpu.memory_space<hbm>> -> memref<80xi32, #tpu.memory_space<hbm>>
      tpu.wait_dma2 semaphore(%arg23 : memref<!tpu.dma_semaphore, #tpu.memory_space<semaphore_mem>>) src(%dma_wait3A_356 : memref<80xi32, #tpu.memory_space<hbm>>) dst(%arg13 : memref<80xi32, #tpu.memory_space<vmem>>)
      %dma_start3A_357 = arith.constant 0 : i32
      %dma_start3A_358 = arith.constant 0 : i32
      %dma_start3A_359 = tpu.memref_slice %arg17[%dma_start3A_357, %dma_start3A_358] : memref<10112x128xf32, #tpu.memory_space<vmem_shared>> -> memref<10112x128xf32, #tpu.memory_space<vmem_shared>>
      tpu.enqueue_indirect_dma source(%arg16 : memref<80x128xf32, #tpu.memory_space<vmem>>) target(%dma_start3A_359 : memref<10112x128xf32, #tpu.memory_space<vmem_shared>>) offsets(%arg13 : memref<80xi32, #tpu.memory_space<vmem>>) semaphore(%arg29 : memref<!tpu.dma_semaphore, #tpu.memory_space<semaphore_mem>>) {add = true}
      %dma_wait3A_360 = arith.constant 0 : i32
      %dma_wait3A_361 = arith.constant 0 : i32
      %dma_wait3A_362 = tpu.memref_slice %arg17[%dma_wait3A_360, %dma_wait3A_361] : memref<10112x128xf32, #tpu.memory_space<vmem_shared>> -> memref<10112x128xf32, #tpu.memory_space<vmem_shared>>
      tpu.wait_indirect_dma semaphore(%arg28 : memref<!tpu.dma_semaphore, #tpu.memory_space<semaphore_mem>>) src(%arg15 : memref<80x128xf32, #tpu.memory_space<vmem>>) dst(%dma_wait3A_362 : memref<10112x128xf32, #tpu.memory_space<vmem_shared>>)
      %mul3A_363 = arith.constant 10000 : i32
      %mul3A_364 = arith.muli %arg1, %mul3A_363 : i32
      %add3A_365 = arith.constant 9920 : i32
      %add3A_366 = arith.addi %mul3A_364, %add3A_365 : i32
      %dma_start3A_367 = tpu.memref_slice %arg3[%add3A_366] : memref<160000xi32, #tpu.memory_space<hbm>> -> memref<80xi32, #tpu.memory_space<hbm>>
      %dma_start3A_368 = tpu.memref_slice %arg3[%add3A_366] : memref<160000xi32, #tpu.memory_space<hbm>> -> memref<80xi32, #tpu.memory_space<hbm>>
      tpu.enqueue_dma source(%dma_start3A_368 : memref<80xi32, #tpu.memory_space<hbm>>) target(%arg12 : memref<80xi32, #tpu.memory_space<vmem>>) target_semaphore(%arg22 : memref<!tpu.dma_semaphore, #tpu.memory_space<semaphore_mem>>)
      %mul3A_369 = arith.constant 10000 : i32
      %mul3A_370 = arith.muli %arg1, %mul3A_369 : i32
      %add3A_371 = arith.constant 9920 : i32
      %add3A_372 = arith.addi %mul3A_370, %add3A_371 : i32
      %dma_wait3A_373 = tpu.memref_slice %arg2[%add3A_372] : memref<160000xi32, #tpu.memory_space<hbm>> -> memref<80xi32, #tpu.memory_space<hbm>>
      %dma_wait3A_374 = tpu.memref_slice %arg2[%add3A_372] : memref<160000xi32, #tpu.memory_space<hbm>> -> memref<80xi32, #tpu.memory_space<hbm>>
      tpu.wait_dma2 semaphore(%arg19 : memref<!tpu.dma_semaphore, #tpu.memory_space<semaphore_mem>>) src(%dma_wait3A_374 : memref<80xi32, #tpu.memory_space<hbm>>) dst(%arg9 : memref<80xi32, #tpu.memory_space<vmem>>)
      %dma_start3A_375 = arith.constant 0 : i32
      %dma_start3A_376 = arith.constant 0 : i32
      %dma_start3A_377 = tpu.memref_slice %arg4[%dma_start3A_375, %dma_start3A_376] : memref<10000x128xf32, #tpu.memory_space<hbm>> -> memref<10000x128xf32, #tpu.memory_space<hbm>>
      tpu.enqueue_indirect_dma source(%dma_start3A_377 : memref<10000x128xf32, #tpu.memory_space<hbm>>) target(%arg15 : memref<80x128xf32, #tpu.memory_space<vmem>>) offsets(%arg9 : memref<80xi32, #tpu.memory_space<vmem>>) semaphore(%arg25 : memref<!tpu.dma_semaphore, #tpu.memory_space<semaphore_mem>>)
      %dma_wait3A_378 = arith.constant 0 : i32
      %dma_wait3A_379 = arith.constant 0 : i32
      %dma_wait3A_380 = tpu.memref_slice %arg4[%dma_wait3A_378, %dma_wait3A_379] : memref<10000x128xf32, #tpu.memory_space<hbm>> -> memref<10000x128xf32, #tpu.memory_space<hbm>>
      tpu.wait_indirect_dma semaphore(%arg24 : memref<!tpu.dma_semaphore, #tpu.memory_space<semaphore_mem>>) src(%dma_wait3A_380 : memref<10000x128xf32, #tpu.memory_space<hbm>>) dst(%arg14 : memref<80x128xf32, #tpu.memory_space<vmem>>)
      %mul3A_381 = arith.constant 10000 : i32
      %mul3A_382 = arith.muli %arg1, %mul3A_381 : i32
      %add3A_383 = arith.constant 9840 : i32
      %add3A_384 = arith.addi %mul3A_382, %add3A_383 : i32
      %dma_wait3A_385 = tpu.memref_slice %arg3[%add3A_384] : memref<160000xi32, #tpu.memory_space<hbm>> -> memref<80xi32, #tpu.memory_space<hbm>>
      %dma_wait3A_386 = tpu.memref_slice %arg3[%add3A_384] : memref<160000xi32, #tpu.memory_space<hbm>> -> memref<80xi32, #tpu.memory_space<hbm>>
      tpu.wait_dma2 semaphore(%arg21 : memref<!tpu.dma_semaphore, #tpu.memory_space<semaphore_mem>>) src(%dma_wait3A_386 : memref<80xi32, #tpu.memory_space<hbm>>) dst(%arg11 : memref<80xi32, #tpu.memory_space<vmem>>)
      %dma_start3A_387 = arith.constant 0 : i32
      %dma_start3A_388 = arith.constant 0 : i32
      %dma_start3A_389 = tpu.memref_slice %arg17[%dma_start3A_387, %dma_start3A_388] : memref<10112x128xf32, #tpu.memory_space<vmem_shared>> -> memref<10112x128xf32, #tpu.memory_space<vmem_shared>>
      tpu.enqueue_indirect_dma source(%arg14 : memref<80x128xf32, #tpu.memory_space<vmem>>) target(%dma_start3A_389 : memref<10112x128xf32, #tpu.memory_space<vmem_shared>>) offsets(%arg11 : memref<80xi32, #tpu.memory_space<vmem>>) semaphore(%arg27 : memref<!tpu.dma_semaphore, #tpu.memory_space<semaphore_mem>>) {add = true}
      %dma_wait3A_390 = arith.constant 0 : i32
      %dma_wait3A_391 = arith.constant 0 : i32
      %dma_wait3A_392 = tpu.memref_slice %arg17[%dma_wait3A_390, %dma_wait3A_391] : memref<10112x128xf32, #tpu.memory_space<vmem_shared>> -> memref<10112x128xf32, #tpu.memory_space<vmem_shared>>
      tpu.wait_indirect_dma semaphore(%arg29 : memref<!tpu.dma_semaphore, #tpu.memory_space<semaphore_mem>>) src(%arg16 : memref<80x128xf32, #tpu.memory_space<vmem>>) dst(%dma_wait3A_392 : memref<10112x128xf32, #tpu.memory_space<vmem_shared>>)
      %dma_wait3A_393 = arith.constant 0 : i32
      %dma_wait3A_394 = arith.constant 0 : i32
      %dma_wait3A_395 = tpu.memref_slice %arg4[%dma_wait3A_393, %dma_wait3A_394] : memref<10000x128xf32, #tpu.memory_space<hbm>> -> memref<10000x128xf32, #tpu.memory_space<hbm>>
      tpu.wait_indirect_dma semaphore(%arg25 : memref<!tpu.dma_semaphore, #tpu.memory_space<semaphore_mem>>) src(%dma_wait3A_395 : memref<10000x128xf32, #tpu.memory_space<hbm>>) dst(%arg15 : memref<80x128xf32, #tpu.memory_space<vmem>>)
      %mul3A_396 = arith.constant 10000 : i32
      %mul3A_397 = arith.muli %arg1, %mul3A_396 : i32
      %add3A_398 = arith.constant 9920 : i32
      %add3A_399 = arith.addi %mul3A_397, %add3A_398 : i32
      %dma_wait3A_400 = tpu.memref_slice %arg3[%add3A_399] : memref<160000xi32, #tpu.memory_space<hbm>> -> memref<80xi32, #tpu.memory_space<hbm>>
      %dma_wait3A_401 = tpu.memref_slice %arg3[%add3A_399] : memref<160000xi32, #tpu.memory_space<hbm>> -> memref<80xi32, #tpu.memory_space<hbm>>
      tpu.wait_dma2 semaphore(%arg22 : memref<!tpu.dma_semaphore, #tpu.memory_space<semaphore_mem>>) src(%dma_wait3A_401 : memref<80xi32, #tpu.memory_space<hbm>>) dst(%arg12 : memref<80xi32, #tpu.memory_space<vmem>>)
      %dma_start3A_402 = arith.constant 0 : i32
      %dma_start3A_403 = arith.constant 0 : i32
      %dma_start3A_404 = tpu.memref_slice %arg17[%dma_start3A_402, %dma_start3A_403] : memref<10112x128xf32, #tpu.memory_space<vmem_shared>> -> memref<10112x128xf32, #tpu.memory_space<vmem_shared>>
      tpu.enqueue_indirect_dma source(%arg15 : memref<80x128xf32, #tpu.memory_space<vmem>>) target(%dma_start3A_404 : memref<10112x128xf32, #tpu.memory_space<vmem_shared>>) offsets(%arg12 : memref<80xi32, #tpu.memory_space<vmem>>) semaphore(%arg28 : memref<!tpu.dma_semaphore, #tpu.memory_space<semaphore_mem>>) {add = true}
      %dma_wait3A_405 = arith.constant 0 : i32
      %dma_wait3A_406 = arith.constant 0 : i32
      %dma_wait3A_407 = tpu.memref_slice %arg17[%dma_wait3A_405, %dma_wait3A_406] : memref<10112x128xf32, #tpu.memory_space<vmem_shared>> -> memref<10112x128xf32, #tpu.memory_space<vmem_shared>>
      tpu.wait_indirect_dma semaphore(%arg27 : memref<!tpu.dma_semaphore, #tpu.memory_space<semaphore_mem>>) src(%arg14 : memref<80x128xf32, #tpu.memory_space<vmem>>) dst(%dma_wait3A_407 : memref<10112x128xf32, #tpu.memory_space<vmem_shared>>)
      %dma_wait3A_408 = arith.constant 0 : i32
      %dma_wait3A_409 = arith.constant 0 : i32
      %dma_wait3A_410 = tpu.memref_slice %arg17[%dma_wait3A_408, %dma_wait3A_409] : memref<10112x128xf32, #tpu.memory_space<vmem_shared>> -> memref<10112x128xf32, #tpu.memory_space<vmem_shared>>
      tpu.wait_indirect_dma semaphore(%arg28 : memref<!tpu.dma_semaphore, #tpu.memory_space<semaphore_mem>>) src(%arg15 : memref<80x128xf32, #tpu.memory_space<vmem>>) dst(%dma_wait3A_410 : memref<10112x128xf32, #tpu.memory_space<vmem_shared>>)
    } else {
    }
    %eq3A_2 = arith.constant 1 : i32
    %eq3A_3 = arith.cmpi eq, %arg0, %eq3A_2 : i32
    %convert_element_type3A_4 = arith.extui %eq3A_3 : i1 to i32
    %cond3A_5 = arith.constant 0 : i32
    %cond3A_6 = arith.cmpi ne, %convert_element_type3A_4, %cond3A_5 : i32
    scf.if %cond3A_6 {
      %mul3A_10 = arith.constant 10000 : i32
      %mul3A_11 = arith.muli %arg1, %mul3A_10 : i32
      %add3A = arith.constant 0 : i32
      %add3A_12 = arith.addi %mul3A_11, %add3A : i32
      %dma_start3A = tpu.memref_slice %arg2[%add3A_12] : memref<160000xi32, #tpu.memory_space<hbm>> -> memref<80xi32, #tpu.memory_space<hbm>>
      %dma_start3A_13 = tpu.memref_slice %arg2[%add3A_12] : memref<160000xi32, #tpu.memory_space<hbm>> -> memref<80xi32, #tpu.memory_space<hbm>>
      tpu.enqueue_dma source(%dma_start3A_13 : memref<80xi32, #tpu.memory_space<hbm>>) target(%arg8 : memref<80xi32, #tpu.memory_space<vmem>>) target_semaphore(%arg18 : memref<!tpu.dma_semaphore, #tpu.memory_space<semaphore_mem>>)
      %mul3A_14 = arith.constant 10000 : i32
      %mul3A_15 = arith.muli %arg1, %mul3A_14 : i32
      %add3A_16 = arith.constant 0 : i32
      %add3A_17 = arith.addi %mul3A_15, %add3A_16 : i32
      %dma_start3A_18 = tpu.memref_slice %arg3[%add3A_17] : memref<160000xi32, #tpu.memory_space<hbm>> -> memref<80xi32, #tpu.memory_space<hbm>>
      %dma_start3A_19 = tpu.memref_slice %arg3[%add3A_17] : memref<160000xi32, #tpu.memory_space<hbm>> -> memref<80xi32, #tpu.memory_space<hbm>>
      tpu.enqueue_dma source(%dma_start3A_19 : memref<80xi32, #tpu.memory_space<hbm>>) target(%arg11 : memref<80xi32, #tpu.memory_space<vmem>>) target_semaphore(%arg21 : memref<!tpu.dma_semaphore, #tpu.memory_space<semaphore_mem>>)
      %mul3A_20 = arith.constant 10000 : i32
      %mul3A_21 = arith.muli %arg1, %mul3A_20 : i32
      %add3A_22 = arith.constant 80 : i32
      %add3A_23 = arith.addi %mul3A_21, %add3A_22 : i32
      %dma_start3A_24 = tpu.memref_slice %arg2[%add3A_23] : memref<160000xi32, #tpu.memory_space<hbm>> -> memref<80xi32, #tpu.memory_space<hbm>>
      %dma_start3A_25 = tpu.memref_slice %arg2[%add3A_23] : memref<160000xi32, #tpu.memory_space<hbm>> -> memref<80xi32, #tpu.memory_space<hbm>>
      tpu.enqueue_dma source(%dma_start3A_25 : memref<80xi32, #tpu.memory_space<hbm>>) target(%arg9 : memref<80xi32, #tpu.memory_space<vmem>>) target_semaphore(%arg19 : memref<!tpu.dma_semaphore, #tpu.memory_space<semaphore_mem>>)
      %mul3A_26 = arith.constant 10000 : i32
      %mul3A_27 = arith.muli %arg1, %mul3A_26 : i32
      %add3A_28 = arith.constant 80 : i32
      %add3A_29 = arith.addi %mul3A_27, %add3A_28 : i32
      %dma_start3A_30 = tpu.memref_slice %arg3[%add3A_29] : memref<160000xi32, #tpu.memory_space<hbm>> -> memref<80xi32, #tpu.memory_space<hbm>>
      %dma_start3A_31 = tpu.memref_slice %arg3[%add3A_29] : memref<160000xi32, #tpu.memory_space<hbm>> -> memref<80xi32, #tpu.memory_space<hbm>>
      tpu.enqueue_dma source(%dma_start3A_31 : memref<80xi32, #tpu.memory_space<hbm>>) target(%arg12 : memref<80xi32, #tpu.memory_space<vmem>>) target_semaphore(%arg22 : memref<!tpu.dma_semaphore, #tpu.memory_space<semaphore_mem>>)
      %mul3A_32 = arith.constant 10000 : i32
      %mul3A_33 = arith.muli %arg1, %mul3A_32 : i32
      %add3A_34 = arith.constant 160 : i32
      %add3A_35 = arith.addi %mul3A_33, %add3A_34 : i32
      %dma_start3A_36 = tpu.memref_slice %arg2[%add3A_35] : memref<160000xi32, #tpu.memory_space<hbm>> -> memref<80xi32, #tpu.memory_space<hbm>>
      %dma_start3A_37 = tpu.memref_slice %arg2[%add3A_35] : memref<160000xi32, #tpu.memory_space<hbm>> -> memref<80xi32, #tpu.memory_space<hbm>>
      tpu.enqueue_dma source(%dma_start3A_37 : memref<80xi32, #tpu.memory_space<hbm>>) target(%arg10 : memref<80xi32, #tpu.memory_space<vmem>>) target_semaphore(%arg20 : memref<!tpu.dma_semaphore, #tpu.memory_space<semaphore_mem>>)
      %mul3A_38 = arith.constant 10000 : i32
      %mul3A_39 = arith.muli %arg1, %mul3A_38 : i32
      %add3A_40 = arith.constant 160 : i32
      %add3A_41 = arith.addi %mul3A_39, %add3A_40 : i32
      %dma_start3A_42 = tpu.memref_slice %arg3[%add3A_41] : memref<160000xi32, #tpu.memory_space<hbm>> -> memref<80xi32, #tpu.memory_space<hbm>>
      %dma_start3A_43 = tpu.memref_slice %arg3[%add3A_41] : memref<160000xi32, #tpu.memory_space<hbm>> -> memref<80xi32, #tpu.memory_space<hbm>>
      tpu.enqueue_dma source(%dma_start3A_43 : memref<80xi32, #tpu.memory_space<hbm>>) target(%arg13 : memref<80xi32, #tpu.memory_space<vmem>>) target_semaphore(%arg23 : memref<!tpu.dma_semaphore, #tpu.memory_space<semaphore_mem>>)
      %mul3A_44 = arith.constant 10000 : i32
      %mul3A_45 = arith.muli %arg1, %mul3A_44 : i32
      %add3A_46 = arith.constant 0 : i32
      %add3A_47 = arith.addi %mul3A_45, %add3A_46 : i32
      %dma_wait3A = tpu.memref_slice %arg2[%add3A_47] : memref<160000xi32, #tpu.memory_space<hbm>> -> memref<80xi32, #tpu.memory_space<hbm>>
      %dma_wait3A_48 = tpu.memref_slice %arg2[%add3A_47] : memref<160000xi32, #tpu.memory_space<hbm>> -> memref<80xi32, #tpu.memory_space<hbm>>
      tpu.wait_dma2 semaphore(%arg18 : memref<!tpu.dma_semaphore, #tpu.memory_space<semaphore_mem>>) src(%dma_wait3A_48 : memref<80xi32, #tpu.memory_space<hbm>>) dst(%arg8 : memref<80xi32, #tpu.memory_space<vmem>>)
      %dma_start3A_49 = arith.constant 0 : i32
      %dma_start3A_50 = arith.constant 0 : i32
      %dma_start3A_51 = tpu.memref_slice %arg5[%dma_start3A_49, %dma_start3A_50] : memref<10000x128xf32, #tpu.memory_space<hbm>> -> memref<10000x128xf32, #tpu.memory_space<hbm>>
      tpu.enqueue_indirect_dma source(%dma_start3A_51 : memref<10000x128xf32, #tpu.memory_space<hbm>>) target(%arg14 : memref<80x128xf32, #tpu.memory_space<vmem>>) offsets(%arg8 : memref<80xi32, #tpu.memory_space<vmem>>) semaphore(%arg24 : memref<!tpu.dma_semaphore, #tpu.memory_space<semaphore_mem>>)
      %mul3A_52 = arith.constant 632 : i32
      %mul3A_53 = arith.muli %arg1, %mul3A_52 : i32
      "tpu.region"() ({
        %run_scoped3A = tpu.sem_alloc : memref<!tpu.dma_semaphore, #tpu.memory_space<semaphore_mem>>
        %dma_start3A_411 = arith.constant 0 : i32
        %dma_start3A_412 = tpu.memref_slice %arg17[%mul3A_53, %dma_start3A_411] : memref<10112x128xf32, #tpu.memory_space<vmem_shared>> -> memref<632x128xf32, #tpu.memory_space<vmem_shared>>
        tpu.enqueue_dma source(%arg6 : memref<632x128xf32, #tpu.memory_space<hbm>>) target(%dma_start3A_412 : memref<632x128xf32, #tpu.memory_space<vmem_shared>>) target_semaphore(%run_scoped3A : memref<!tpu.dma_semaphore, #tpu.memory_space<semaphore_mem>>)
        %dma_wait3A_413 = arith.constant 0 : i32
        %dma_wait3A_414 = tpu.memref_slice %arg17[%mul3A_53, %dma_wait3A_413] : memref<10112x128xf32, #tpu.memory_space<vmem_shared>> -> memref<632x128xf32, #tpu.memory_space<vmem_shared>>
        tpu.wait_dma2 semaphore(%run_scoped3A : memref<!tpu.dma_semaphore, #tpu.memory_space<semaphore_mem>>) src(%arg6 : memref<632x128xf32, #tpu.memory_space<hbm>>) dst(%dma_wait3A_414 : memref<632x128xf32, #tpu.memory_space<vmem_shared>>)
        tpu.yield
      }) : () -> ()
      %barrier3A_54 = arith.constant 0 : index
      tpu.barrier barrier_id(%barrier3A_54)
      %mul3A_55 = arith.constant 10000 : i32
      %mul3A_56 = arith.muli %arg1, %mul3A_55 : i32
      %add3A_57 = arith.constant 80 : i32
      %add3A_58 = arith.addi %mul3A_56, %add3A_57 : i32
      %dma_wait3A_59 = tpu.memref_slice %arg2[%add3A_58] : memref<160000xi32, #tpu.memory_space<hbm>> -> memref<80xi32, #tpu.memory_space<hbm>>
      %dma_wait3A_60 = tpu.memref_slice %arg2[%add3A_58] : memref<160000xi32, #tpu.memory_space<hbm>> -> memref<80xi32, #tpu.memory_space<hbm>>
      tpu.wait_dma2 semaphore(%arg19 : memref<!tpu.dma_semaphore, #tpu.memory_space<semaphore_mem>>) src(%dma_wait3A_60 : memref<80xi32, #tpu.memory_space<hbm>>) dst(%arg9 : memref<80xi32, #tpu.memory_space<vmem>>)
      %dma_start3A_61 = arith.constant 0 : i32
      %dma_start3A_62 = arith.constant 0 : i32
      %dma_start3A_63 = tpu.memref_slice %arg5[%dma_start3A_61, %dma_start3A_62] : memref<10000x128xf32, #tpu.memory_space<hbm>> -> memref<10000x128xf32, #tpu.memory_space<hbm>>
      tpu.enqueue_indirect_dma source(%dma_start3A_63 : memref<10000x128xf32, #tpu.memory_space<hbm>>) target(%arg15 : memref<80x128xf32, #tpu.memory_space<vmem>>) offsets(%arg9 : memref<80xi32, #tpu.memory_space<vmem>>) semaphore(%arg25 : memref<!tpu.dma_semaphore, #tpu.memory_space<semaphore_mem>>)
      %dma_wait3A_64 = arith.constant 0 : i32
      %dma_wait3A_65 = arith.constant 0 : i32
      %dma_wait3A_66 = tpu.memref_slice %arg5[%dma_wait3A_64, %dma_wait3A_65] : memref<10000x128xf32, #tpu.memory_space<hbm>> -> memref<10000x128xf32, #tpu.memory_space<hbm>>
      tpu.wait_indirect_dma semaphore(%arg24 : memref<!tpu.dma_semaphore, #tpu.memory_space<semaphore_mem>>) src(%dma_wait3A_66 : memref<10000x128xf32, #tpu.memory_space<hbm>>) dst(%arg14 : memref<80x128xf32, #tpu.memory_space<vmem>>)
      %mul3A_67 = arith.constant 10000 : i32
      %mul3A_68 = arith.muli %arg1, %mul3A_67 : i32
      %add3A_69 = arith.constant 240 : i32
      %add3A_70 = arith.addi %mul3A_68, %add3A_69 : i32
      %dma_start3A_71 = tpu.memref_slice %arg2[%add3A_70] : memref<160000xi32, #tpu.memory_space<hbm>> -> memref<80xi32, #tpu.memory_space<hbm>>
      %dma_start3A_72 = tpu.memref_slice %arg2[%add3A_70] : memref<160000xi32, #tpu.memory_space<hbm>> -> memref<80xi32, #tpu.memory_space<hbm>>
      tpu.enqueue_dma source(%dma_start3A_72 : memref<80xi32, #tpu.memory_space<hbm>>) target(%arg8 : memref<80xi32, #tpu.memory_space<vmem>>) target_semaphore(%arg18 : memref<!tpu.dma_semaphore, #tpu.memory_space<semaphore_mem>>)
      %mul3A_73 = arith.constant 10000 : i32
      %mul3A_74 = arith.muli %arg1, %mul3A_73 : i32
      %add3A_75 = arith.constant 0 : i32
      %add3A_76 = arith.addi %mul3A_74, %add3A_75 : i32
      %dma_wait3A_77 = tpu.memref_slice %arg3[%add3A_76] : memref<160000xi32, #tpu.memory_space<hbm>> -> memref<80xi32, #tpu.memory_space<hbm>>
      %dma_wait3A_78 = tpu.memref_slice %arg3[%add3A_76] : memref<160000xi32, #tpu.memory_space<hbm>> -> memref<80xi32, #tpu.memory_space<hbm>>
      tpu.wait_dma2 semaphore(%arg21 : memref<!tpu.dma_semaphore, #tpu.memory_space<semaphore_mem>>) src(%dma_wait3A_78 : memref<80xi32, #tpu.memory_space<hbm>>) dst(%arg11 : memref<80xi32, #tpu.memory_space<vmem>>)
      %dma_start3A_79 = arith.constant 0 : i32
      %dma_start3A_80 = arith.constant 0 : i32
      %dma_start3A_81 = tpu.memref_slice %arg17[%dma_start3A_79, %dma_start3A_80] : memref<10112x128xf32, #tpu.memory_space<vmem_shared>> -> memref<10112x128xf32, #tpu.memory_space<vmem_shared>>
      tpu.enqueue_indirect_dma source(%arg14 : memref<80x128xf32, #tpu.memory_space<vmem>>) target(%dma_start3A_81 : memref<10112x128xf32, #tpu.memory_space<vmem_shared>>) offsets(%arg11 : memref<80xi32, #tpu.memory_space<vmem>>) semaphore(%arg27 : memref<!tpu.dma_semaphore, #tpu.memory_space<semaphore_mem>>) {add = true}
      %mul3A_82 = arith.constant 10000 : i32
      %mul3A_83 = arith.muli %arg1, %mul3A_82 : i32
      %add3A_84 = arith.constant 160 : i32
      %add3A_85 = arith.addi %mul3A_83, %add3A_84 : i32
      %dma_wait3A_86 = tpu.memref_slice %arg2[%add3A_85] : memref<160000xi32, #tpu.memory_space<hbm>> -> memref<80xi32, #tpu.memory_space<hbm>>
      %dma_wait3A_87 = tpu.memref_slice %arg2[%add3A_85] : memref<160000xi32, #tpu.memory_space<hbm>> -> memref<80xi32, #tpu.memory_space<hbm>>
      tpu.wait_dma2 semaphore(%arg20 : memref<!tpu.dma_semaphore, #tpu.memory_space<semaphore_mem>>) src(%dma_wait3A_87 : memref<80xi32, #tpu.memory_space<hbm>>) dst(%arg10 : memref<80xi32, #tpu.memory_space<vmem>>)
      %dma_start3A_88 = arith.constant 0 : i32
      %dma_start3A_89 = arith.constant 0 : i32
      %dma_start3A_90 = tpu.memref_slice %arg5[%dma_start3A_88, %dma_start3A_89] : memref<10000x128xf32, #tpu.memory_space<hbm>> -> memref<10000x128xf32, #tpu.memory_space<hbm>>
      tpu.enqueue_indirect_dma source(%dma_start3A_90 : memref<10000x128xf32, #tpu.memory_space<hbm>>) target(%arg16 : memref<80x128xf32, #tpu.memory_space<vmem>>) offsets(%arg10 : memref<80xi32, #tpu.memory_space<vmem>>) semaphore(%arg26 : memref<!tpu.dma_semaphore, #tpu.memory_space<semaphore_mem>>)
      %dma_wait3A_91 = arith.constant 0 : i32
      %dma_wait3A_92 = arith.constant 0 : i32
      %dma_wait3A_93 = tpu.memref_slice %arg5[%dma_wait3A_91, %dma_wait3A_92] : memref<10000x128xf32, #tpu.memory_space<hbm>> -> memref<10000x128xf32, #tpu.memory_space<hbm>>
      tpu.wait_indirect_dma semaphore(%arg25 : memref<!tpu.dma_semaphore, #tpu.memory_space<semaphore_mem>>) src(%dma_wait3A_93 : memref<10000x128xf32, #tpu.memory_space<hbm>>) dst(%arg15 : memref<80x128xf32, #tpu.memory_space<vmem>>)
      %mul3A_94 = arith.constant 10000 : i32
      %mul3A_95 = arith.muli %arg1, %mul3A_94 : i32
      %add3A_96 = arith.constant 320 : i32
      %add3A_97 = arith.addi %mul3A_95, %add3A_96 : i32
      %dma_start3A_98 = tpu.memref_slice %arg2[%add3A_97] : memref<160000xi32, #tpu.memory_space<hbm>> -> memref<80xi32, #tpu.memory_space<hbm>>
      %dma_start3A_99 = tpu.memref_slice %arg2[%add3A_97] : memref<160000xi32, #tpu.memory_space<hbm>> -> memref<80xi32, #tpu.memory_space<hbm>>
      tpu.enqueue_dma source(%dma_start3A_99 : memref<80xi32, #tpu.memory_space<hbm>>) target(%arg9 : memref<80xi32, #tpu.memory_space<vmem>>) target_semaphore(%arg19 : memref<!tpu.dma_semaphore, #tpu.memory_space<semaphore_mem>>)
      %mul3A_100 = arith.constant 10000 : i32
      %mul3A_101 = arith.muli %arg1, %mul3A_100 : i32
      %add3A_102 = arith.constant 80 : i32
      %add3A_103 = arith.addi %mul3A_101, %add3A_102 : i32
      %dma_wait3A_104 = tpu.memref_slice %arg3[%add3A_103] : memref<160000xi32, #tpu.memory_space<hbm>> -> memref<80xi32, #tpu.memory_space<hbm>>
      %dma_wait3A_105 = tpu.memref_slice %arg3[%add3A_103] : memref<160000xi32, #tpu.memory_space<hbm>> -> memref<80xi32, #tpu.memory_space<hbm>>
      tpu.wait_dma2 semaphore(%arg22 : memref<!tpu.dma_semaphore, #tpu.memory_space<semaphore_mem>>) src(%dma_wait3A_105 : memref<80xi32, #tpu.memory_space<hbm>>) dst(%arg12 : memref<80xi32, #tpu.memory_space<vmem>>)
      %dma_start3A_106 = arith.constant 0 : i32
      %dma_start3A_107 = arith.constant 0 : i32
      %dma_start3A_108 = tpu.memref_slice %arg17[%dma_start3A_106, %dma_start3A_107] : memref<10112x128xf32, #tpu.memory_space<vmem_shared>> -> memref<10112x128xf32, #tpu.memory_space<vmem_shared>>
      tpu.enqueue_indirect_dma source(%arg15 : memref<80x128xf32, #tpu.memory_space<vmem>>) target(%dma_start3A_108 : memref<10112x128xf32, #tpu.memory_space<vmem_shared>>) offsets(%arg12 : memref<80xi32, #tpu.memory_space<vmem>>) semaphore(%arg28 : memref<!tpu.dma_semaphore, #tpu.memory_space<semaphore_mem>>) {add = true}
      %scan3A = arith.constant 0 : i32
      %scan3A_109 = arith.constant 0 : i32
      %scan3A_110 = arith.constant 19 : i32
      %scan3A_111 = arith.addi %scan3A_109, %scan3A_110 : i32
      %scan3A_112 = arith.constant 1 : i32
      scf.for %scan3A_411 = %scan3A_109 to %scan3A_111 step %scan3A_112  : i32 {
        %mul3A_412 = arith.constant 6 : i32
        %mul3A_413 = arith.muli %mul3A_412, %scan3A_411 : i32
        %add3A_414 = arith.constant 2 : i32
        %add3A_415 = arith.addi %mul3A_413, %add3A_414 : i32
        %add3A_416 = arith.constant 0 : i32
        %add3A_417 = arith.addi %add3A_415, %add3A_416 : i32
        %dma_wait3A_418 = arith.constant 0 : i32
        %dma_wait3A_419 = arith.constant 0 : i32
        %dma_wait3A_420 = tpu.memref_slice %arg17[%dma_wait3A_418, %dma_wait3A_419] : memref<10112x128xf32, #tpu.memory_space<vmem_shared>> -> memref<10112x128xf32, #tpu.memory_space<vmem_shared>>
        tpu.wait_indirect_dma semaphore(%arg27 : memref<!tpu.dma_semaphore, #tpu.memory_space<semaphore_mem>>) src(%arg14 : memref<80x128xf32, #tpu.memory_space<vmem>>) dst(%dma_wait3A_420 : memref<10112x128xf32, #tpu.memory_space<vmem_shared>>)
        %add3A_421 = arith.constant 1 : i32
        %add3A_422 = arith.addi %add3A_417, %add3A_421 : i32
        %mul3A_423 = arith.constant 10000 : i32
        %mul3A_424 = arith.muli %arg1, %mul3A_423 : i32
        %mul3A_425 = arith.constant 80 : i32
        %mul3A_426 = arith.muli %add3A_422, %mul3A_425 : i32
        %add3A_427 = arith.addi %mul3A_424, %mul3A_426 : i32
        %dma_start3A_428 = tpu.memref_slice %arg3[%add3A_427] : memref<160000xi32, #tpu.memory_space<hbm>> -> memref<80xi32, #tpu.memory_space<hbm>>
        %dma_start3A_429 = tpu.memref_slice %arg3[%add3A_427] : memref<160000xi32, #tpu.memory_space<hbm>> -> memref<80xi32, #tpu.memory_space<hbm>>
        tpu.enqueue_dma source(%dma_start3A_429 : memref<80xi32, #tpu.memory_space<hbm>>) target(%arg11 : memref<80xi32, #tpu.memory_space<vmem>>) target_semaphore(%arg21 : memref<!tpu.dma_semaphore, #tpu.memory_space<semaphore_mem>>)
        %add3A_430 = arith.constant 1 : i32
        %add3A_431 = arith.addi %add3A_417, %add3A_430 : i32
        %mul3A_432 = arith.constant 10000 : i32
        %mul3A_433 = arith.muli %arg1, %mul3A_432 : i32
        %mul3A_434 = arith.constant 80 : i32
        %mul3A_435 = arith.muli %add3A_431, %mul3A_434 : i32
        %add3A_436 = arith.addi %mul3A_433, %mul3A_435 : i32
        %dma_wait3A_437 = tpu.memref_slice %arg2[%add3A_436] : memref<160000xi32, #tpu.memory_space<hbm>> -> memref<80xi32, #tpu.memory_space<hbm>>
        %dma_wait3A_438 = tpu.memref_slice %arg2[%add3A_436] : memref<160000xi32, #tpu.memory_space<hbm>> -> memref<80xi32, #tpu.memory_space<hbm>>
        tpu.wait_dma2 semaphore(%arg18 : memref<!tpu.dma_semaphore, #tpu.memory_space<semaphore_mem>>) src(%dma_wait3A_438 : memref<80xi32, #tpu.memory_space<hbm>>) dst(%arg8 : memref<80xi32, #tpu.memory_space<vmem>>)
        %dma_start3A_439 = arith.constant 0 : i32
        %dma_start3A_440 = arith.constant 0 : i32
        %dma_start3A_441 = tpu.memref_slice %arg5[%dma_start3A_439, %dma_start3A_440] : memref<10000x128xf32, #tpu.memory_space<hbm>> -> memref<10000x128xf32, #tpu.memory_space<hbm>>
        tpu.enqueue_indirect_dma source(%dma_start3A_441 : memref<10000x128xf32, #tpu.memory_space<hbm>>) target(%arg14 : memref<80x128xf32, #tpu.memory_space<vmem>>) offsets(%arg8 : memref<80xi32, #tpu.memory_space<vmem>>) semaphore(%arg24 : memref<!tpu.dma_semaphore, #tpu.memory_space<semaphore_mem>>)
        %dma_wait3A_442 = arith.constant 0 : i32
        %dma_wait3A_443 = arith.constant 0 : i32
        %dma_wait3A_444 = tpu.memref_slice %arg5[%dma_wait3A_442, %dma_wait3A_443] : memref<10000x128xf32, #tpu.memory_space<hbm>> -> memref<10000x128xf32, #tpu.memory_space<hbm>>
        tpu.wait_indirect_dma semaphore(%arg26 : memref<!tpu.dma_semaphore, #tpu.memory_space<semaphore_mem>>) src(%dma_wait3A_444 : memref<10000x128xf32, #tpu.memory_space<hbm>>) dst(%arg16 : memref<80x128xf32, #tpu.memory_space<vmem>>)
        %add3A_445 = arith.constant 3 : i32
        %add3A_446 = arith.addi %add3A_417, %add3A_445 : i32
        %mul3A_447 = arith.constant 10000 : i32
        %mul3A_448 = arith.muli %arg1, %mul3A_447 : i32
        %mul3A_449 = arith.constant 80 : i32
        %mul3A_450 = arith.muli %add3A_446, %mul3A_449 : i32
        %add3A_451 = arith.addi %mul3A_448, %mul3A_450 : i32
        %dma_start3A_452 = tpu.memref_slice %arg2[%add3A_451] : memref<160000xi32, #tpu.memory_space<hbm>> -> memref<80xi32, #tpu.memory_space<hbm>>
        %dma_start3A_453 = tpu.memref_slice %arg2[%add3A_451] : memref<160000xi32, #tpu.memory_space<hbm>> -> memref<80xi32, #tpu.memory_space<hbm>>
        tpu.enqueue_dma source(%dma_start3A_453 : memref<80xi32, #tpu.memory_space<hbm>>) target(%arg10 : memref<80xi32, #tpu.memory_space<vmem>>) target_semaphore(%arg20 : memref<!tpu.dma_semaphore, #tpu.memory_space<semaphore_mem>>)
        %mul3A_454 = arith.constant 10000 : i32
        %mul3A_455 = arith.muli %arg1, %mul3A_454 : i32
        %mul3A_456 = arith.constant 80 : i32
        %mul3A_457 = arith.muli %add3A_417, %mul3A_456 : i32
        %add3A_458 = arith.addi %mul3A_455, %mul3A_457 : i32
        %dma_wait3A_459 = tpu.memref_slice %arg3[%add3A_458] : memref<160000xi32, #tpu.memory_space<hbm>> -> memref<80xi32, #tpu.memory_space<hbm>>
        %dma_wait3A_460 = tpu.memref_slice %arg3[%add3A_458] : memref<160000xi32, #tpu.memory_space<hbm>> -> memref<80xi32, #tpu.memory_space<hbm>>
        tpu.wait_dma2 semaphore(%arg23 : memref<!tpu.dma_semaphore, #tpu.memory_space<semaphore_mem>>) src(%dma_wait3A_460 : memref<80xi32, #tpu.memory_space<hbm>>) dst(%arg13 : memref<80xi32, #tpu.memory_space<vmem>>)
        %dma_start3A_461 = arith.constant 0 : i32
        %dma_start3A_462 = arith.constant 0 : i32
        %dma_start3A_463 = tpu.memref_slice %arg17[%dma_start3A_461, %dma_start3A_462] : memref<10112x128xf32, #tpu.memory_space<vmem_shared>> -> memref<10112x128xf32, #tpu.memory_space<vmem_shared>>
        tpu.enqueue_indirect_dma source(%arg16 : memref<80x128xf32, #tpu.memory_space<vmem>>) target(%dma_start3A_463 : memref<10112x128xf32, #tpu.memory_space<vmem_shared>>) offsets(%arg13 : memref<80xi32, #tpu.memory_space<vmem>>) semaphore(%arg29 : memref<!tpu.dma_semaphore, #tpu.memory_space<semaphore_mem>>) {add = true}
        %add3A_464 = arith.constant 1 : i32
        %add3A_465 = arith.addi %add3A_415, %add3A_464 : i32
        %dma_wait3A_466 = arith.constant 0 : i32
        %dma_wait3A_467 = arith.constant 0 : i32
        %dma_wait3A_468 = tpu.memref_slice %arg17[%dma_wait3A_466, %dma_wait3A_467] : memref<10112x128xf32, #tpu.memory_space<vmem_shared>> -> memref<10112x128xf32, #tpu.memory_space<vmem_shared>>
        tpu.wait_indirect_dma semaphore(%arg28 : memref<!tpu.dma_semaphore, #tpu.memory_space<semaphore_mem>>) src(%arg15 : memref<80x128xf32, #tpu.memory_space<vmem>>) dst(%dma_wait3A_468 : memref<10112x128xf32, #tpu.memory_space<vmem_shared>>)
        %add3A_469 = arith.constant 1 : i32
        %add3A_470 = arith.addi %add3A_465, %add3A_469 : i32
        %mul3A_471 = arith.constant 10000 : i32
        %mul3A_472 = arith.muli %arg1, %mul3A_471 : i32
        %mul3A_473 = arith.constant 80 : i32
        %mul3A_474 = arith.muli %add3A_470, %mul3A_473 : i32
        %add3A_475 = arith.addi %mul3A_472, %mul3A_474 : i32
        %dma_start3A_476 = tpu.memref_slice %arg3[%add3A_475] : memref<160000xi32, #tpu.memory_space<hbm>> -> memref<80xi32, #tpu.memory_space<hbm>>
        %dma_start3A_477 = tpu.memref_slice %arg3[%add3A_475] : memref<160000xi32, #tpu.memory_space<hbm>> -> memref<80xi32, #tpu.memory_space<hbm>>
        tpu.enqueue_dma source(%dma_start3A_477 : memref<80xi32, #tpu.memory_space<hbm>>) target(%arg12 : memref<80xi32, #tpu.memory_space<vmem>>) target_semaphore(%arg22 : memref<!tpu.dma_semaphore, #tpu.memory_space<semaphore_mem>>)
        %add3A_478 = arith.constant 1 : i32
        %add3A_479 = arith.addi %add3A_465, %add3A_478 : i32
        %mul3A_480 = arith.constant 10000 : i32
        %mul3A_481 = arith.muli %arg1, %mul3A_480 : i32
        %mul3A_482 = arith.constant 80 : i32
        %mul3A_483 = arith.muli %add3A_479, %mul3A_482 : i32
        %add3A_484 = arith.addi %mul3A_481, %mul3A_483 : i32
        %dma_wait3A_485 = tpu.memref_slice %arg2[%add3A_484] : memref<160000xi32, #tpu.memory_space<hbm>> -> memref<80xi32, #tpu.memory_space<hbm>>
        %dma_wait3A_486 = tpu.memref_slice %arg2[%add3A_484] : memref<160000xi32, #tpu.memory_space<hbm>> -> memref<80xi32, #tpu.memory_space<hbm>>
        tpu.wait_dma2 semaphore(%arg19 : memref<!tpu.dma_semaphore, #tpu.memory_space<semaphore_mem>>) src(%dma_wait3A_486 : memref<80xi32, #tpu.memory_space<hbm>>) dst(%arg9 : memref<80xi32, #tpu.memory_space<vmem>>)
        %dma_start3A_487 = arith.constant 0 : i32
        %dma_start3A_488 = arith.constant 0 : i32
        %dma_start3A_489 = tpu.memref_slice %arg5[%dma_start3A_487, %dma_start3A_488] : memref<10000x128xf32, #tpu.memory_space<hbm>> -> memref<10000x128xf32, #tpu.memory_space<hbm>>
        tpu.enqueue_indirect_dma source(%dma_start3A_489 : memref<10000x128xf32, #tpu.memory_space<hbm>>) target(%arg15 : memref<80x128xf32, #tpu.memory_space<vmem>>) offsets(%arg9 : memref<80xi32, #tpu.memory_space<vmem>>) semaphore(%arg25 : memref<!tpu.dma_semaphore, #tpu.memory_space<semaphore_mem>>)
        %dma_wait3A_490 = arith.constant 0 : i32
        %dma_wait3A_491 = arith.constant 0 : i32
        %dma_wait3A_492 = tpu.memref_slice %arg5[%dma_wait3A_490, %dma_wait3A_491] : memref<10000x128xf32, #tpu.memory_space<hbm>> -> memref<10000x128xf32, #tpu.memory_space<hbm>>
        tpu.wait_indirect_dma semaphore(%arg24 : memref<!tpu.dma_semaphore, #tpu.memory_space<semaphore_mem>>) src(%dma_wait3A_492 : memref<10000x128xf32, #tpu.memory_space<hbm>>) dst(%arg14 : memref<80x128xf32, #tpu.memory_space<vmem>>)
        %add3A_493 = arith.constant 3 : i32
        %add3A_494 = arith.addi %add3A_465, %add3A_493 : i32
        %mul3A_495 = arith.constant 10000 : i32
        %mul3A_496 = arith.muli %arg1, %mul3A_495 : i32
        %mul3A_497 = arith.constant 80 : i32
        %mul3A_498 = arith.muli %add3A_494, %mul3A_497 : i32
        %add3A_499 = arith.addi %mul3A_496, %mul3A_498 : i32
        %dma_start3A_500 = tpu.memref_slice %arg2[%add3A_499] : memref<160000xi32, #tpu.memory_space<hbm>> -> memref<80xi32, #tpu.memory_space<hbm>>
        %dma_start3A_501 = tpu.memref_slice %arg2[%add3A_499] : memref<160000xi32, #tpu.memory_space<hbm>> -> memref<80xi32, #tpu.memory_space<hbm>>
        tpu.enqueue_dma source(%dma_start3A_501 : memref<80xi32, #tpu.memory_space<hbm>>) target(%arg8 : memref<80xi32, #tpu.memory_space<vmem>>) target_semaphore(%arg18 : memref<!tpu.dma_semaphore, #tpu.memory_space<semaphore_mem>>)
        %mul3A_502 = arith.constant 10000 : i32
        %mul3A_503 = arith.muli %arg1, %mul3A_502 : i32
        %mul3A_504 = arith.constant 80 : i32
        %mul3A_505 = arith.muli %add3A_465, %mul3A_504 : i32
        %add3A_506 = arith.addi %mul3A_503, %mul3A_505 : i32
        %dma_wait3A_507 = tpu.memref_slice %arg3[%add3A_506] : memref<160000xi32, #tpu.memory_space<hbm>> -> memref<80xi32, #tpu.memory_space<hbm>>
        %dma_wait3A_508 = tpu.memref_slice %arg3[%add3A_506] : memref<160000xi32, #tpu.memory_space<hbm>> -> memref<80xi32, #tpu.memory_space<hbm>>
        tpu.wait_dma2 semaphore(%arg21 : memref<!tpu.dma_semaphore, #tpu.memory_space<semaphore_mem>>) src(%dma_wait3A_508 : memref<80xi32, #tpu.memory_space<hbm>>) dst(%arg11 : memref<80xi32, #tpu.memory_space<vmem>>)
        %dma_start3A_509 = arith.constant 0 : i32
        %dma_start3A_510 = arith.constant 0 : i32
        %dma_start3A_511 = tpu.memref_slice %arg17[%dma_start3A_509, %dma_start3A_510] : memref<10112x128xf32, #tpu.memory_space<vmem_shared>> -> memref<10112x128xf32, #tpu.memory_space<vmem_shared>>
        tpu.enqueue_indirect_dma source(%arg14 : memref<80x128xf32, #tpu.memory_space<vmem>>) target(%dma_start3A_511 : memref<10112x128xf32, #tpu.memory_space<vmem_shared>>) offsets(%arg11 : memref<80xi32, #tpu.memory_space<vmem>>) semaphore(%arg27 : memref<!tpu.dma_semaphore, #tpu.memory_space<semaphore_mem>>) {add = true}
        %add3A_512 = arith.constant 2 : i32
        %add3A_513 = arith.addi %add3A_415, %add3A_512 : i32
        %dma_wait3A_514 = arith.constant 0 : i32
        %dma_wait3A_515 = arith.constant 0 : i32
        %dma_wait3A_516 = tpu.memref_slice %arg17[%dma_wait3A_514, %dma_wait3A_515] : memref<10112x128xf32, #tpu.memory_space<vmem_shared>> -> memref<10112x128xf32, #tpu.memory_space<vmem_shared>>
        tpu.wait_indirect_dma semaphore(%arg29 : memref<!tpu.dma_semaphore, #tpu.memory_space<semaphore_mem>>) src(%arg16 : memref<80x128xf32, #tpu.memory_space<vmem>>) dst(%dma_wait3A_516 : memref<10112x128xf32, #tpu.memory_space<vmem_shared>>)
        %add3A_517 = arith.constant 1 : i32
        %add3A_518 = arith.addi %add3A_513, %add3A_517 : i32
        %mul3A_519 = arith.constant 10000 : i32
        %mul3A_520 = arith.muli %arg1, %mul3A_519 : i32
        %mul3A_521 = arith.constant 80 : i32
        %mul3A_522 = arith.muli %add3A_518, %mul3A_521 : i32
        %add3A_523 = arith.addi %mul3A_520, %mul3A_522 : i32
        %dma_start3A_524 = tpu.memref_slice %arg3[%add3A_523] : memref<160000xi32, #tpu.memory_space<hbm>> -> memref<80xi32, #tpu.memory_space<hbm>>
        %dma_start3A_525 = tpu.memref_slice %arg3[%add3A_523] : memref<160000xi32, #tpu.memory_space<hbm>> -> memref<80xi32, #tpu.memory_space<hbm>>
        tpu.enqueue_dma source(%dma_start3A_525 : memref<80xi32, #tpu.memory_space<hbm>>) target(%arg13 : memref<80xi32, #tpu.memory_space<vmem>>) target_semaphore(%arg23 : memref<!tpu.dma_semaphore, #tpu.memory_space<semaphore_mem>>)
        %add3A_526 = arith.constant 1 : i32
        %add3A_527 = arith.addi %add3A_513, %add3A_526 : i32
        %mul3A_528 = arith.constant 10000 : i32
        %mul3A_529 = arith.muli %arg1, %mul3A_528 : i32
        %mul3A_530 = arith.constant 80 : i32
        %mul3A_531 = arith.muli %add3A_527, %mul3A_530 : i32
        %add3A_532 = arith.addi %mul3A_529, %mul3A_531 : i32
        %dma_wait3A_533 = tpu.memref_slice %arg2[%add3A_532] : memref<160000xi32, #tpu.memory_space<hbm>> -> memref<80xi32, #tpu.memory_space<hbm>>
        %dma_wait3A_534 = tpu.memref_slice %arg2[%add3A_532] : memref<160000xi32, #tpu.memory_space<hbm>> -> memref<80xi32, #tpu.memory_space<hbm>>
        tpu.wait_dma2 semaphore(%arg20 : memref<!tpu.dma_semaphore, #tpu.memory_space<semaphore_mem>>) src(%dma_wait3A_534 : memref<80xi32, #tpu.memory_space<hbm>>) dst(%arg10 : memref<80xi32, #tpu.memory_space<vmem>>)
        %dma_start3A_535 = arith.constant 0 : i32
        %dma_start3A_536 = arith.constant 0 : i32
        %dma_start3A_537 = tpu.memref_slice %arg5[%dma_start3A_535, %dma_start3A_536] : memref<10000x128xf32, #tpu.memory_space<hbm>> -> memref<10000x128xf32, #tpu.memory_space<hbm>>
        tpu.enqueue_indirect_dma source(%dma_start3A_537 : memref<10000x128xf32, #tpu.memory_space<hbm>>) target(%arg16 : memref<80x128xf32, #tpu.memory_space<vmem>>) offsets(%arg10 : memref<80xi32, #tpu.memory_space<vmem>>) semaphore(%arg26 : memref<!tpu.dma_semaphore, #tpu.memory_space<semaphore_mem>>)
        %dma_wait3A_538 = arith.constant 0 : i32
        %dma_wait3A_539 = arith.constant 0 : i32
        %dma_wait3A_540 = tpu.memref_slice %arg5[%dma_wait3A_538, %dma_wait3A_539] : memref<10000x128xf32, #tpu.memory_space<hbm>> -> memref<10000x128xf32, #tpu.memory_space<hbm>>
        tpu.wait_indirect_dma semaphore(%arg25 : memref<!tpu.dma_semaphore, #tpu.memory_space<semaphore_mem>>) src(%dma_wait3A_540 : memref<10000x128xf32, #tpu.memory_space<hbm>>) dst(%arg15 : memref<80x128xf32, #tpu.memory_space<vmem>>)
        %add3A_541 = arith.constant 3 : i32
        %add3A_542 = arith.addi %add3A_513, %add3A_541 : i32
        %mul3A_543 = arith.constant 10000 : i32
        %mul3A_544 = arith.muli %arg1, %mul3A_543 : i32
        %mul3A_545 = arith.constant 80 : i32
        %mul3A_546 = arith.muli %add3A_542, %mul3A_545 : i32
        %add3A_547 = arith.addi %mul3A_544, %mul3A_546 : i32
        %dma_start3A_548 = tpu.memref_slice %arg2[%add3A_547] : memref<160000xi32, #tpu.memory_space<hbm>> -> memref<80xi32, #tpu.memory_space<hbm>>
        %dma_start3A_549 = tpu.memref_slice %arg2[%add3A_547] : memref<160000xi32, #tpu.memory_space<hbm>> -> memref<80xi32, #tpu.memory_space<hbm>>
        tpu.enqueue_dma source(%dma_start3A_549 : memref<80xi32, #tpu.memory_space<hbm>>) target(%arg9 : memref<80xi32, #tpu.memory_space<vmem>>) target_semaphore(%arg19 : memref<!tpu.dma_semaphore, #tpu.memory_space<semaphore_mem>>)
        %mul3A_550 = arith.constant 10000 : i32
        %mul3A_551 = arith.muli %arg1, %mul3A_550 : i32
        %mul3A_552 = arith.constant 80 : i32
        %mul3A_553 = arith.muli %add3A_513, %mul3A_552 : i32
        %add3A_554 = arith.addi %mul3A_551, %mul3A_553 : i32
        %dma_wait3A_555 = tpu.memref_slice %arg3[%add3A_554] : memref<160000xi32, #tpu.memory_space<hbm>> -> memref<80xi32, #tpu.memory_space<hbm>>
        %dma_wait3A_556 = tpu.memref_slice %arg3[%add3A_554] : memref<160000xi32, #tpu.memory_space<hbm>> -> memref<80xi32, #tpu.memory_space<hbm>>
        tpu.wait_dma2 semaphore(%arg22 : memref<!tpu.dma_semaphore, #tpu.memory_space<semaphore_mem>>) src(%dma_wait3A_556 : memref<80xi32, #tpu.memory_space<hbm>>) dst(%arg12 : memref<80xi32, #tpu.memory_space<vmem>>)
        %dma_start3A_557 = arith.constant 0 : i32
        %dma_start3A_558 = arith.constant 0 : i32
        %dma_start3A_559 = tpu.memref_slice %arg17[%dma_start3A_557, %dma_start3A_558] : memref<10112x128xf32, #tpu.memory_space<vmem_shared>> -> memref<10112x128xf32, #tpu.memory_space<vmem_shared>>
        tpu.enqueue_indirect_dma source(%arg15 : memref<80x128xf32, #tpu.memory_space<vmem>>) target(%dma_start3A_559 : memref<10112x128xf32, #tpu.memory_space<vmem_shared>>) offsets(%arg12 : memref<80xi32, #tpu.memory_space<vmem>>) semaphore(%arg28 : memref<!tpu.dma_semaphore, #tpu.memory_space<semaphore_mem>>) {add = true}
        %add3A_560 = arith.constant 3 : i32
        %add3A_561 = arith.addi %add3A_415, %add3A_560 : i32
        %dma_wait3A_562 = arith.constant 0 : i32
        %dma_wait3A_563 = arith.constant 0 : i32
        %dma_wait3A_564 = tpu.memref_slice %arg17[%dma_wait3A_562, %dma_wait3A_563] : memref<10112x128xf32, #tpu.memory_space<vmem_shared>> -> memref<10112x128xf32, #tpu.memory_space<vmem_shared>>
        tpu.wait_indirect_dma semaphore(%arg27 : memref<!tpu.dma_semaphore, #tpu.memory_space<semaphore_mem>>) src(%arg14 : memref<80x128xf32, #tpu.memory_space<vmem>>) dst(%dma_wait3A_564 : memref<10112x128xf32, #tpu.memory_space<vmem_shared>>)
        %add3A_565 = arith.constant 1 : i32
        %add3A_566 = arith.addi %add3A_561, %add3A_565 : i32
        %mul3A_567 = arith.constant 10000 : i32
        %mul3A_568 = arith.muli %arg1, %mul3A_567 : i32
        %mul3A_569 = arith.constant 80 : i32
        %mul3A_570 = arith.muli %add3A_566, %mul3A_569 : i32
        %add3A_571 = arith.addi %mul3A_568, %mul3A_570 : i32
        %dma_start3A_572 = tpu.memref_slice %arg3[%add3A_571] : memref<160000xi32, #tpu.memory_space<hbm>> -> memref<80xi32, #tpu.memory_space<hbm>>
        %dma_start3A_573 = tpu.memref_slice %arg3[%add3A_571] : memref<160000xi32, #tpu.memory_space<hbm>> -> memref<80xi32, #tpu.memory_space<hbm>>
        tpu.enqueue_dma source(%dma_start3A_573 : memref<80xi32, #tpu.memory_space<hbm>>) target(%arg11 : memref<80xi32, #tpu.memory_space<vmem>>) target_semaphore(%arg21 : memref<!tpu.dma_semaphore, #tpu.memory_space<semaphore_mem>>)
        %add3A_574 = arith.constant 1 : i32
        %add3A_575 = arith.addi %add3A_561, %add3A_574 : i32
        %mul3A_576 = arith.constant 10000 : i32
        %mul3A_577 = arith.muli %arg1, %mul3A_576 : i32
        %mul3A_578 = arith.constant 80 : i32
        %mul3A_579 = arith.muli %add3A_575, %mul3A_578 : i32
        %add3A_580 = arith.addi %mul3A_577, %mul3A_579 : i32
        %dma_wait3A_581 = tpu.memref_slice %arg2[%add3A_580] : memref<160000xi32, #tpu.memory_space<hbm>> -> memref<80xi32, #tpu.memory_space<hbm>>
        %dma_wait3A_582 = tpu.memref_slice %arg2[%add3A_580] : memref<160000xi32, #tpu.memory_space<hbm>> -> memref<80xi32, #tpu.memory_space<hbm>>
        tpu.wait_dma2 semaphore(%arg18 : memref<!tpu.dma_semaphore, #tpu.memory_space<semaphore_mem>>) src(%dma_wait3A_582 : memref<80xi32, #tpu.memory_space<hbm>>) dst(%arg8 : memref<80xi32, #tpu.memory_space<vmem>>)
        %dma_start3A_583 = arith.constant 0 : i32
        %dma_start3A_584 = arith.constant 0 : i32
        %dma_start3A_585 = tpu.memref_slice %arg5[%dma_start3A_583, %dma_start3A_584] : memref<10000x128xf32, #tpu.memory_space<hbm>> -> memref<10000x128xf32, #tpu.memory_space<hbm>>
        tpu.enqueue_indirect_dma source(%dma_start3A_585 : memref<10000x128xf32, #tpu.memory_space<hbm>>) target(%arg14 : memref<80x128xf32, #tpu.memory_space<vmem>>) offsets(%arg8 : memref<80xi32, #tpu.memory_space<vmem>>) semaphore(%arg24 : memref<!tpu.dma_semaphore, #tpu.memory_space<semaphore_mem>>)
        %dma_wait3A_586 = arith.constant 0 : i32
        %dma_wait3A_587 = arith.constant 0 : i32
        %dma_wait3A_588 = tpu.memref_slice %arg5[%dma_wait3A_586, %dma_wait3A_587] : memref<10000x128xf32, #tpu.memory_space<hbm>> -> memref<10000x128xf32, #tpu.memory_space<hbm>>
        tpu.wait_indirect_dma semaphore(%arg26 : memref<!tpu.dma_semaphore, #tpu.memory_space<semaphore_mem>>) src(%dma_wait3A_588 : memref<10000x128xf32, #tpu.memory_space<hbm>>) dst(%arg16 : memref<80x128xf32, #tpu.memory_space<vmem>>)
        %add3A_589 = arith.constant 3 : i32
        %add3A_590 = arith.addi %add3A_561, %add3A_589 : i32
        %mul3A_591 = arith.constant 10000 : i32
        %mul3A_592 = arith.muli %arg1, %mul3A_591 : i32
        %mul3A_593 = arith.constant 80 : i32
        %mul3A_594 = arith.muli %add3A_590, %mul3A_593 : i32
        %add3A_595 = arith.addi %mul3A_592, %mul3A_594 : i32
        %dma_start3A_596 = tpu.memref_slice %arg2[%add3A_595] : memref<160000xi32, #tpu.memory_space<hbm>> -> memref<80xi32, #tpu.memory_space<hbm>>
        %dma_start3A_597 = tpu.memref_slice %arg2[%add3A_595] : memref<160000xi32, #tpu.memory_space<hbm>> -> memref<80xi32, #tpu.memory_space<hbm>>
        tpu.enqueue_dma source(%dma_start3A_597 : memref<80xi32, #tpu.memory_space<hbm>>) target(%arg10 : memref<80xi32, #tpu.memory_space<vmem>>) target_semaphore(%arg20 : memref<!tpu.dma_semaphore, #tpu.memory_space<semaphore_mem>>)
        %mul3A_598 = arith.constant 10000 : i32
        %mul3A_599 = arith.muli %arg1, %mul3A_598 : i32
        %mul3A_600 = arith.constant 80 : i32
        %mul3A_601 = arith.muli %add3A_561, %mul3A_600 : i32
        %add3A_602 = arith.addi %mul3A_599, %mul3A_601 : i32
        %dma_wait3A_603 = tpu.memref_slice %arg3[%add3A_602] : memref<160000xi32, #tpu.memory_space<hbm>> -> memref<80xi32, #tpu.memory_space<hbm>>
        %dma_wait3A_604 = tpu.memref_slice %arg3[%add3A_602] : memref<160000xi32, #tpu.memory_space<hbm>> -> memref<80xi32, #tpu.memory_space<hbm>>
        tpu.wait_dma2 semaphore(%arg23 : memref<!tpu.dma_semaphore, #tpu.memory_space<semaphore_mem>>) src(%dma_wait3A_604 : memref<80xi32, #tpu.memory_space<hbm>>) dst(%arg13 : memref<80xi32, #tpu.memory_space<vmem>>)
        %dma_start3A_605 = arith.constant 0 : i32
        %dma_start3A_606 = arith.constant 0 : i32
        %dma_start3A_607 = tpu.memref_slice %arg17[%dma_start3A_605, %dma_start3A_606] : memref<10112x128xf32, #tpu.memory_space<vmem_shared>> -> memref<10112x128xf32, #tpu.memory_space<vmem_shared>>
        tpu.enqueue_indirect_dma source(%arg16 : memref<80x128xf32, #tpu.memory_space<vmem>>) target(%dma_start3A_607 : memref<10112x128xf32, #tpu.memory_space<vmem_shared>>) offsets(%arg13 : memref<80xi32, #tpu.memory_space<vmem>>) semaphore(%arg29 : memref<!tpu.dma_semaphore, #tpu.memory_space<semaphore_mem>>) {add = true}
        %add3A_608 = arith.constant 4 : i32
        %add3A_609 = arith.addi %add3A_415, %add3A_608 : i32
        %dma_wait3A_610 = arith.constant 0 : i32
        %dma_wait3A_611 = arith.constant 0 : i32
        %dma_wait3A_612 = tpu.memref_slice %arg17[%dma_wait3A_610, %dma_wait3A_611] : memref<10112x128xf32, #tpu.memory_space<vmem_shared>> -> memref<10112x128xf32, #tpu.memory_space<vmem_shared>>
        tpu.wait_indirect_dma semaphore(%arg28 : memref<!tpu.dma_semaphore, #tpu.memory_space<semaphore_mem>>) src(%arg15 : memref<80x128xf32, #tpu.memory_space<vmem>>) dst(%dma_wait3A_612 : memref<10112x128xf32, #tpu.memory_space<vmem_shared>>)
        %add3A_613 = arith.constant 1 : i32
        %add3A_614 = arith.addi %add3A_609, %add3A_613 : i32
        %mul3A_615 = arith.constant 10000 : i32
        %mul3A_616 = arith.muli %arg1, %mul3A_615 : i32
        %mul3A_617 = arith.constant 80 : i32
        %mul3A_618 = arith.muli %add3A_614, %mul3A_617 : i32
        %add3A_619 = arith.addi %mul3A_616, %mul3A_618 : i32
        %dma_start3A_620 = tpu.memref_slice %arg3[%add3A_619] : memref<160000xi32, #tpu.memory_space<hbm>> -> memref<80xi32, #tpu.memory_space<hbm>>
        %dma_start3A_621 = tpu.memref_slice %arg3[%add3A_619] : memref<160000xi32, #tpu.memory_space<hbm>> -> memref<80xi32, #tpu.memory_space<hbm>>
        tpu.enqueue_dma source(%dma_start3A_621 : memref<80xi32, #tpu.memory_space<hbm>>) target(%arg12 : memref<80xi32, #tpu.memory_space<vmem>>) target_semaphore(%arg22 : memref<!tpu.dma_semaphore, #tpu.memory_space<semaphore_mem>>)
        %add3A_622 = arith.constant 1 : i32
        %add3A_623 = arith.addi %add3A_609, %add3A_622 : i32
        %mul3A_624 = arith.constant 10000 : i32
        %mul3A_625 = arith.muli %arg1, %mul3A_624 : i32
        %mul3A_626 = arith.constant 80 : i32
        %mul3A_627 = arith.muli %add3A_623, %mul3A_626 : i32
        %add3A_628 = arith.addi %mul3A_625, %mul3A_627 : i32
        %dma_wait3A_629 = tpu.memref_slice %arg2[%add3A_628] : memref<160000xi32, #tpu.memory_space<hbm>> -> memref<80xi32, #tpu.memory_space<hbm>>
        %dma_wait3A_630 = tpu.memref_slice %arg2[%add3A_628] : memref<160000xi32, #tpu.memory_space<hbm>> -> memref<80xi32, #tpu.memory_space<hbm>>
        tpu.wait_dma2 semaphore(%arg19 : memref<!tpu.dma_semaphore, #tpu.memory_space<semaphore_mem>>) src(%dma_wait3A_630 : memref<80xi32, #tpu.memory_space<hbm>>) dst(%arg9 : memref<80xi32, #tpu.memory_space<vmem>>)
        %dma_start3A_631 = arith.constant 0 : i32
        %dma_start3A_632 = arith.constant 0 : i32
        %dma_start3A_633 = tpu.memref_slice %arg5[%dma_start3A_631, %dma_start3A_632] : memref<10000x128xf32, #tpu.memory_space<hbm>> -> memref<10000x128xf32, #tpu.memory_space<hbm>>
        tpu.enqueue_indirect_dma source(%dma_start3A_633 : memref<10000x128xf32, #tpu.memory_space<hbm>>) target(%arg15 : memref<80x128xf32, #tpu.memory_space<vmem>>) offsets(%arg9 : memref<80xi32, #tpu.memory_space<vmem>>) semaphore(%arg25 : memref<!tpu.dma_semaphore, #tpu.memory_space<semaphore_mem>>)
        %dma_wait3A_634 = arith.constant 0 : i32
        %dma_wait3A_635 = arith.constant 0 : i32
        %dma_wait3A_636 = tpu.memref_slice %arg5[%dma_wait3A_634, %dma_wait3A_635] : memref<10000x128xf32, #tpu.memory_space<hbm>> -> memref<10000x128xf32, #tpu.memory_space<hbm>>
        tpu.wait_indirect_dma semaphore(%arg24 : memref<!tpu.dma_semaphore, #tpu.memory_space<semaphore_mem>>) src(%dma_wait3A_636 : memref<10000x128xf32, #tpu.memory_space<hbm>>) dst(%arg14 : memref<80x128xf32, #tpu.memory_space<vmem>>)
        %add3A_637 = arith.constant 3 : i32
        %add3A_638 = arith.addi %add3A_609, %add3A_637 : i32
        %mul3A_639 = arith.constant 10000 : i32
        %mul3A_640 = arith.muli %arg1, %mul3A_639 : i32
        %mul3A_641 = arith.constant 80 : i32
        %mul3A_642 = arith.muli %add3A_638, %mul3A_641 : i32
        %add3A_643 = arith.addi %mul3A_640, %mul3A_642 : i32
        %dma_start3A_644 = tpu.memref_slice %arg2[%add3A_643] : memref<160000xi32, #tpu.memory_space<hbm>> -> memref<80xi32, #tpu.memory_space<hbm>>
        %dma_start3A_645 = tpu.memref_slice %arg2[%add3A_643] : memref<160000xi32, #tpu.memory_space<hbm>> -> memref<80xi32, #tpu.memory_space<hbm>>
        tpu.enqueue_dma source(%dma_start3A_645 : memref<80xi32, #tpu.memory_space<hbm>>) target(%arg8 : memref<80xi32, #tpu.memory_space<vmem>>) target_semaphore(%arg18 : memref<!tpu.dma_semaphore, #tpu.memory_space<semaphore_mem>>)
        %mul3A_646 = arith.constant 10000 : i32
        %mul3A_647 = arith.muli %arg1, %mul3A_646 : i32
        %mul3A_648 = arith.constant 80 : i32
        %mul3A_649 = arith.muli %add3A_609, %mul3A_648 : i32
        %add3A_650 = arith.addi %mul3A_647, %mul3A_649 : i32
        %dma_wait3A_651 = tpu.memref_slice %arg3[%add3A_650] : memref<160000xi32, #tpu.memory_space<hbm>> -> memref<80xi32, #tpu.memory_space<hbm>>
        %dma_wait3A_652 = tpu.memref_slice %arg3[%add3A_650] : memref<160000xi32, #tpu.memory_space<hbm>> -> memref<80xi32, #tpu.memory_space<hbm>>
        tpu.wait_dma2 semaphore(%arg21 : memref<!tpu.dma_semaphore, #tpu.memory_space<semaphore_mem>>) src(%dma_wait3A_652 : memref<80xi32, #tpu.memory_space<hbm>>) dst(%arg11 : memref<80xi32, #tpu.memory_space<vmem>>)
        %dma_start3A_653 = arith.constant 0 : i32
        %dma_start3A_654 = arith.constant 0 : i32
        %dma_start3A_655 = tpu.memref_slice %arg17[%dma_start3A_653, %dma_start3A_654] : memref<10112x128xf32, #tpu.memory_space<vmem_shared>> -> memref<10112x128xf32, #tpu.memory_space<vmem_shared>>
        tpu.enqueue_indirect_dma source(%arg14 : memref<80x128xf32, #tpu.memory_space<vmem>>) target(%dma_start3A_655 : memref<10112x128xf32, #tpu.memory_space<vmem_shared>>) offsets(%arg11 : memref<80xi32, #tpu.memory_space<vmem>>) semaphore(%arg27 : memref<!tpu.dma_semaphore, #tpu.memory_space<semaphore_mem>>) {add = true}
        %add3A_656 = arith.constant 5 : i32
        %add3A_657 = arith.addi %add3A_415, %add3A_656 : i32
        %dma_wait3A_658 = arith.constant 0 : i32
        %dma_wait3A_659 = arith.constant 0 : i32
        %dma_wait3A_660 = tpu.memref_slice %arg17[%dma_wait3A_658, %dma_wait3A_659] : memref<10112x128xf32, #tpu.memory_space<vmem_shared>> -> memref<10112x128xf32, #tpu.memory_space<vmem_shared>>
        tpu.wait_indirect_dma semaphore(%arg29 : memref<!tpu.dma_semaphore, #tpu.memory_space<semaphore_mem>>) src(%arg16 : memref<80x128xf32, #tpu.memory_space<vmem>>) dst(%dma_wait3A_660 : memref<10112x128xf32, #tpu.memory_space<vmem_shared>>)
        %add3A_661 = arith.constant 1 : i32
        %add3A_662 = arith.addi %add3A_657, %add3A_661 : i32
        %mul3A_663 = arith.constant 10000 : i32
        %mul3A_664 = arith.muli %arg1, %mul3A_663 : i32
        %mul3A_665 = arith.constant 80 : i32
        %mul3A_666 = arith.muli %add3A_662, %mul3A_665 : i32
        %add3A_667 = arith.addi %mul3A_664, %mul3A_666 : i32
        %dma_start3A_668 = tpu.memref_slice %arg3[%add3A_667] : memref<160000xi32, #tpu.memory_space<hbm>> -> memref<80xi32, #tpu.memory_space<hbm>>
        %dma_start3A_669 = tpu.memref_slice %arg3[%add3A_667] : memref<160000xi32, #tpu.memory_space<hbm>> -> memref<80xi32, #tpu.memory_space<hbm>>
        tpu.enqueue_dma source(%dma_start3A_669 : memref<80xi32, #tpu.memory_space<hbm>>) target(%arg13 : memref<80xi32, #tpu.memory_space<vmem>>) target_semaphore(%arg23 : memref<!tpu.dma_semaphore, #tpu.memory_space<semaphore_mem>>)
        %add3A_670 = arith.constant 1 : i32
        %add3A_671 = arith.addi %add3A_657, %add3A_670 : i32
        %mul3A_672 = arith.constant 10000 : i32
        %mul3A_673 = arith.muli %arg1, %mul3A_672 : i32
        %mul3A_674 = arith.constant 80 : i32
        %mul3A_675 = arith.muli %add3A_671, %mul3A_674 : i32
        %add3A_676 = arith.addi %mul3A_673, %mul3A_675 : i32
        %dma_wait3A_677 = tpu.memref_slice %arg2[%add3A_676] : memref<160000xi32, #tpu.memory_space<hbm>> -> memref<80xi32, #tpu.memory_space<hbm>>
        %dma_wait3A_678 = tpu.memref_slice %arg2[%add3A_676] : memref<160000xi32, #tpu.memory_space<hbm>> -> memref<80xi32, #tpu.memory_space<hbm>>
        tpu.wait_dma2 semaphore(%arg20 : memref<!tpu.dma_semaphore, #tpu.memory_space<semaphore_mem>>) src(%dma_wait3A_678 : memref<80xi32, #tpu.memory_space<hbm>>) dst(%arg10 : memref<80xi32, #tpu.memory_space<vmem>>)
        %dma_start3A_679 = arith.constant 0 : i32
        %dma_start3A_680 = arith.constant 0 : i32
        %dma_start3A_681 = tpu.memref_slice %arg5[%dma_start3A_679, %dma_start3A_680] : memref<10000x128xf32, #tpu.memory_space<hbm>> -> memref<10000x128xf32, #tpu.memory_space<hbm>>
        tpu.enqueue_indirect_dma source(%dma_start3A_681 : memref<10000x128xf32, #tpu.memory_space<hbm>>) target(%arg16 : memref<80x128xf32, #tpu.memory_space<vmem>>) offsets(%arg10 : memref<80xi32, #tpu.memory_space<vmem>>) semaphore(%arg26 : memref<!tpu.dma_semaphore, #tpu.memory_space<semaphore_mem>>)
        %dma_wait3A_682 = arith.constant 0 : i32
        %dma_wait3A_683 = arith.constant 0 : i32
        %dma_wait3A_684 = tpu.memref_slice %arg5[%dma_wait3A_682, %dma_wait3A_683] : memref<10000x128xf32, #tpu.memory_space<hbm>> -> memref<10000x128xf32, #tpu.memory_space<hbm>>
        tpu.wait_indirect_dma semaphore(%arg25 : memref<!tpu.dma_semaphore, #tpu.memory_space<semaphore_mem>>) src(%dma_wait3A_684 : memref<10000x128xf32, #tpu.memory_space<hbm>>) dst(%arg15 : memref<80x128xf32, #tpu.memory_space<vmem>>)
        %add3A_685 = arith.constant 3 : i32
        %add3A_686 = arith.addi %add3A_657, %add3A_685 : i32
        %mul3A_687 = arith.constant 10000 : i32
        %mul3A_688 = arith.muli %arg1, %mul3A_687 : i32
        %mul3A_689 = arith.constant 80 : i32
        %mul3A_690 = arith.muli %add3A_686, %mul3A_689 : i32
        %add3A_691 = arith.addi %mul3A_688, %mul3A_690 : i32
        %dma_start3A_692 = tpu.memref_slice %arg2[%add3A_691] : memref<160000xi32, #tpu.memory_space<hbm>> -> memref<80xi32, #tpu.memory_space<hbm>>
        %dma_start3A_693 = tpu.memref_slice %arg2[%add3A_691] : memref<160000xi32, #tpu.memory_space<hbm>> -> memref<80xi32, #tpu.memory_space<hbm>>
        tpu.enqueue_dma source(%dma_start3A_693 : memref<80xi32, #tpu.memory_space<hbm>>) target(%arg9 : memref<80xi32, #tpu.memory_space<vmem>>) target_semaphore(%arg19 : memref<!tpu.dma_semaphore, #tpu.memory_space<semaphore_mem>>)
        %mul3A_694 = arith.constant 10000 : i32
        %mul3A_695 = arith.muli %arg1, %mul3A_694 : i32
        %mul3A_696 = arith.constant 80 : i32
        %mul3A_697 = arith.muli %add3A_657, %mul3A_696 : i32
        %add3A_698 = arith.addi %mul3A_695, %mul3A_697 : i32
        %dma_wait3A_699 = tpu.memref_slice %arg3[%add3A_698] : memref<160000xi32, #tpu.memory_space<hbm>> -> memref<80xi32, #tpu.memory_space<hbm>>
        %dma_wait3A_700 = tpu.memref_slice %arg3[%add3A_698] : memref<160000xi32, #tpu.memory_space<hbm>> -> memref<80xi32, #tpu.memory_space<hbm>>
        tpu.wait_dma2 semaphore(%arg22 : memref<!tpu.dma_semaphore, #tpu.memory_space<semaphore_mem>>) src(%dma_wait3A_700 : memref<80xi32, #tpu.memory_space<hbm>>) dst(%arg12 : memref<80xi32, #tpu.memory_space<vmem>>)
        %dma_start3A_701 = arith.constant 0 : i32
        %dma_start3A_702 = arith.constant 0 : i32
        %dma_start3A_703 = tpu.memref_slice %arg17[%dma_start3A_701, %dma_start3A_702] : memref<10112x128xf32, #tpu.memory_space<vmem_shared>> -> memref<10112x128xf32, #tpu.memory_space<vmem_shared>>
        tpu.enqueue_indirect_dma source(%arg15 : memref<80x128xf32, #tpu.memory_space<vmem>>) target(%dma_start3A_703 : memref<10112x128xf32, #tpu.memory_space<vmem_shared>>) offsets(%arg12 : memref<80xi32, #tpu.memory_space<vmem>>) semaphore(%arg28 : memref<!tpu.dma_semaphore, #tpu.memory_space<semaphore_mem>>) {add = true}
      }
      %scan3A_113 = arith.constant 19 : i32
      %dma_wait3A_114 = arith.constant 0 : i32
      %dma_wait3A_115 = arith.constant 0 : i32
      %dma_wait3A_116 = tpu.memref_slice %arg17[%dma_wait3A_114, %dma_wait3A_115] : memref<10112x128xf32, #tpu.memory_space<vmem_shared>> -> memref<10112x128xf32, #tpu.memory_space<vmem_shared>>
      tpu.wait_indirect_dma semaphore(%arg27 : memref<!tpu.dma_semaphore, #tpu.memory_space<semaphore_mem>>) src(%arg14 : memref<80x128xf32, #tpu.memory_space<vmem>>) dst(%dma_wait3A_116 : memref<10112x128xf32, #tpu.memory_space<vmem_shared>>)
      %mul3A_117 = arith.constant 10000 : i32
      %mul3A_118 = arith.muli %arg1, %mul3A_117 : i32
      %add3A_119 = arith.constant 9360 : i32
      %add3A_120 = arith.addi %mul3A_118, %add3A_119 : i32
      %dma_start3A_121 = tpu.memref_slice %arg3[%add3A_120] : memref<160000xi32, #tpu.memory_space<hbm>> -> memref<80xi32, #tpu.memory_space<hbm>>
      %dma_start3A_122 = tpu.memref_slice %arg3[%add3A_120] : memref<160000xi32, #tpu.memory_space<hbm>> -> memref<80xi32, #tpu.memory_space<hbm>>
      tpu.enqueue_dma source(%dma_start3A_122 : memref<80xi32, #tpu.memory_space<hbm>>) target(%arg11 : memref<80xi32, #tpu.memory_space<vmem>>) target_semaphore(%arg21 : memref<!tpu.dma_semaphore, #tpu.memory_space<semaphore_mem>>)
      %mul3A_123 = arith.constant 10000 : i32
      %mul3A_124 = arith.muli %arg1, %mul3A_123 : i32
      %add3A_125 = arith.constant 9360 : i32
      %add3A_126 = arith.addi %mul3A_124, %add3A_125 : i32
      %dma_wait3A_127 = tpu.memref_slice %arg2[%add3A_126] : memref<160000xi32, #tpu.memory_space<hbm>> -> memref<80xi32, #tpu.memory_space<hbm>>
      %dma_wait3A_128 = tpu.memref_slice %arg2[%add3A_126] : memref<160000xi32, #tpu.memory_space<hbm>> -> memref<80xi32, #tpu.memory_space<hbm>>
      tpu.wait_dma2 semaphore(%arg18 : memref<!tpu.dma_semaphore, #tpu.memory_space<semaphore_mem>>) src(%dma_wait3A_128 : memref<80xi32, #tpu.memory_space<hbm>>) dst(%arg8 : memref<80xi32, #tpu.memory_space<vmem>>)
      %dma_start3A_129 = arith.constant 0 : i32
      %dma_start3A_130 = arith.constant 0 : i32
      %dma_start3A_131 = tpu.memref_slice %arg5[%dma_start3A_129, %dma_start3A_130] : memref<10000x128xf32, #tpu.memory_space<hbm>> -> memref<10000x128xf32, #tpu.memory_space<hbm>>
      tpu.enqueue_indirect_dma source(%dma_start3A_131 : memref<10000x128xf32, #tpu.memory_space<hbm>>) target(%arg14 : memref<80x128xf32, #tpu.memory_space<vmem>>) offsets(%arg8 : memref<80xi32, #tpu.memory_space<vmem>>) semaphore(%arg24 : memref<!tpu.dma_semaphore, #tpu.memory_space<semaphore_mem>>)
      %dma_wait3A_132 = arith.constant 0 : i32
      %dma_wait3A_133 = arith.constant 0 : i32
      %dma_wait3A_134 = tpu.memref_slice %arg5[%dma_wait3A_132, %dma_wait3A_133] : memref<10000x128xf32, #tpu.memory_space<hbm>> -> memref<10000x128xf32, #tpu.memory_space<hbm>>
      tpu.wait_indirect_dma semaphore(%arg26 : memref<!tpu.dma_semaphore, #tpu.memory_space<semaphore_mem>>) src(%dma_wait3A_134 : memref<10000x128xf32, #tpu.memory_space<hbm>>) dst(%arg16 : memref<80x128xf32, #tpu.memory_space<vmem>>)
      %mul3A_135 = arith.constant 10000 : i32
      %mul3A_136 = arith.muli %arg1, %mul3A_135 : i32
      %add3A_137 = arith.constant 9520 : i32
      %add3A_138 = arith.addi %mul3A_136, %add3A_137 : i32
      %dma_start3A_139 = tpu.memref_slice %arg2[%add3A_138] : memref<160000xi32, #tpu.memory_space<hbm>> -> memref<80xi32, #tpu.memory_space<hbm>>
      %dma_start3A_140 = tpu.memref_slice %arg2[%add3A_138] : memref<160000xi32, #tpu.memory_space<hbm>> -> memref<80xi32, #tpu.memory_space<hbm>>
      tpu.enqueue_dma source(%dma_start3A_140 : memref<80xi32, #tpu.memory_space<hbm>>) target(%arg10 : memref<80xi32, #tpu.memory_space<vmem>>) target_semaphore(%arg20 : memref<!tpu.dma_semaphore, #tpu.memory_space<semaphore_mem>>)
      %mul3A_141 = arith.constant 10000 : i32
      %mul3A_142 = arith.muli %arg1, %mul3A_141 : i32
      %add3A_143 = arith.constant 9280 : i32
      %add3A_144 = arith.addi %mul3A_142, %add3A_143 : i32
      %dma_wait3A_145 = tpu.memref_slice %arg3[%add3A_144] : memref<160000xi32, #tpu.memory_space<hbm>> -> memref<80xi32, #tpu.memory_space<hbm>>
      %dma_wait3A_146 = tpu.memref_slice %arg3[%add3A_144] : memref<160000xi32, #tpu.memory_space<hbm>> -> memref<80xi32, #tpu.memory_space<hbm>>
      tpu.wait_dma2 semaphore(%arg23 : memref<!tpu.dma_semaphore, #tpu.memory_space<semaphore_mem>>) src(%dma_wait3A_146 : memref<80xi32, #tpu.memory_space<hbm>>) dst(%arg13 : memref<80xi32, #tpu.memory_space<vmem>>)
      %dma_start3A_147 = arith.constant 0 : i32
      %dma_start3A_148 = arith.constant 0 : i32
      %dma_start3A_149 = tpu.memref_slice %arg17[%dma_start3A_147, %dma_start3A_148] : memref<10112x128xf32, #tpu.memory_space<vmem_shared>> -> memref<10112x128xf32, #tpu.memory_space<vmem_shared>>
      tpu.enqueue_indirect_dma source(%arg16 : memref<80x128xf32, #tpu.memory_space<vmem>>) target(%dma_start3A_149 : memref<10112x128xf32, #tpu.memory_space<vmem_shared>>) offsets(%arg13 : memref<80xi32, #tpu.memory_space<vmem>>) semaphore(%arg29 : memref<!tpu.dma_semaphore, #tpu.memory_space<semaphore_mem>>) {add = true}
      %dma_wait3A_150 = arith.constant 0 : i32
      %dma_wait3A_151 = arith.constant 0 : i32
      %dma_wait3A_152 = tpu.memref_slice %arg17[%dma_wait3A_150, %dma_wait3A_151] : memref<10112x128xf32, #tpu.memory_space<vmem_shared>> -> memref<10112x128xf32, #tpu.memory_space<vmem_shared>>
      tpu.wait_indirect_dma semaphore(%arg28 : memref<!tpu.dma_semaphore, #tpu.memory_space<semaphore_mem>>) src(%arg15 : memref<80x128xf32, #tpu.memory_space<vmem>>) dst(%dma_wait3A_152 : memref<10112x128xf32, #tpu.memory_space<vmem_shared>>)
      %mul3A_153 = arith.constant 10000 : i32
      %mul3A_154 = arith.muli %arg1, %mul3A_153 : i32
      %add3A_155 = arith.constant 9440 : i32
      %add3A_156 = arith.addi %mul3A_154, %add3A_155 : i32
      %dma_start3A_157 = tpu.memref_slice %arg3[%add3A_156] : memref<160000xi32, #tpu.memory_space<hbm>> -> memref<80xi32, #tpu.memory_space<hbm>>
      %dma_start3A_158 = tpu.memref_slice %arg3[%add3A_156] : memref<160000xi32, #tpu.memory_space<hbm>> -> memref<80xi32, #tpu.memory_space<hbm>>
      tpu.enqueue_dma source(%dma_start3A_158 : memref<80xi32, #tpu.memory_space<hbm>>) target(%arg12 : memref<80xi32, #tpu.memory_space<vmem>>) target_semaphore(%arg22 : memref<!tpu.dma_semaphore, #tpu.memory_space<semaphore_mem>>)
      %mul3A_159 = arith.constant 10000 : i32
      %mul3A_160 = arith.muli %arg1, %mul3A_159 : i32
      %add3A_161 = arith.constant 9440 : i32
      %add3A_162 = arith.addi %mul3A_160, %add3A_161 : i32
      %dma_wait3A_163 = tpu.memref_slice %arg2[%add3A_162] : memref<160000xi32, #tpu.memory_space<hbm>> -> memref<80xi32, #tpu.memory_space<hbm>>
      %dma_wait3A_164 = tpu.memref_slice %arg2[%add3A_162] : memref<160000xi32, #tpu.memory_space<hbm>> -> memref<80xi32, #tpu.memory_space<hbm>>
      tpu.wait_dma2 semaphore(%arg19 : memref<!tpu.dma_semaphore, #tpu.memory_space<semaphore_mem>>) src(%dma_wait3A_164 : memref<80xi32, #tpu.memory_space<hbm>>) dst(%arg9 : memref<80xi32, #tpu.memory_space<vmem>>)
      %dma_start3A_165 = arith.constant 0 : i32
      %dma_start3A_166 = arith.constant 0 : i32
      %dma_start3A_167 = tpu.memref_slice %arg5[%dma_start3A_165, %dma_start3A_166] : memref<10000x128xf32, #tpu.memory_space<hbm>> -> memref<10000x128xf32, #tpu.memory_space<hbm>>
      tpu.enqueue_indirect_dma source(%dma_start3A_167 : memref<10000x128xf32, #tpu.memory_space<hbm>>) target(%arg15 : memref<80x128xf32, #tpu.memory_space<vmem>>) offsets(%arg9 : memref<80xi32, #tpu.memory_space<vmem>>) semaphore(%arg25 : memref<!tpu.dma_semaphore, #tpu.memory_space<semaphore_mem>>)
      %dma_wait3A_168 = arith.constant 0 : i32
      %dma_wait3A_169 = arith.constant 0 : i32
      %dma_wait3A_170 = tpu.memref_slice %arg5[%dma_wait3A_168, %dma_wait3A_169] : memref<10000x128xf32, #tpu.memory_space<hbm>> -> memref<10000x128xf32, #tpu.memory_space<hbm>>
      tpu.wait_indirect_dma semaphore(%arg24 : memref<!tpu.dma_semaphore, #tpu.memory_space<semaphore_mem>>) src(%dma_wait3A_170 : memref<10000x128xf32, #tpu.memory_space<hbm>>) dst(%arg14 : memref<80x128xf32, #tpu.memory_space<vmem>>)
      %mul3A_171 = arith.constant 10000 : i32
      %mul3A_172 = arith.muli %arg1, %mul3A_171 : i32
      %add3A_173 = arith.constant 9600 : i32
      %add3A_174 = arith.addi %mul3A_172, %add3A_173 : i32
      %dma_start3A_175 = tpu.memref_slice %arg2[%add3A_174] : memref<160000xi32, #tpu.memory_space<hbm>> -> memref<80xi32, #tpu.memory_space<hbm>>
      %dma_start3A_176 = tpu.memref_slice %arg2[%add3A_174] : memref<160000xi32, #tpu.memory_space<hbm>> -> memref<80xi32, #tpu.memory_space<hbm>>
      tpu.enqueue_dma source(%dma_start3A_176 : memref<80xi32, #tpu.memory_space<hbm>>) target(%arg8 : memref<80xi32, #tpu.memory_space<vmem>>) target_semaphore(%arg18 : memref<!tpu.dma_semaphore, #tpu.memory_space<semaphore_mem>>)
      %mul3A_177 = arith.constant 10000 : i32
      %mul3A_178 = arith.muli %arg1, %mul3A_177 : i32
      %add3A_179 = arith.constant 9360 : i32
      %add3A_180 = arith.addi %mul3A_178, %add3A_179 : i32
      %dma_wait3A_181 = tpu.memref_slice %arg3[%add3A_180] : memref<160000xi32, #tpu.memory_space<hbm>> -> memref<80xi32, #tpu.memory_space<hbm>>
      %dma_wait3A_182 = tpu.memref_slice %arg3[%add3A_180] : memref<160000xi32, #tpu.memory_space<hbm>> -> memref<80xi32, #tpu.memory_space<hbm>>
      tpu.wait_dma2 semaphore(%arg21 : memref<!tpu.dma_semaphore, #tpu.memory_space<semaphore_mem>>) src(%dma_wait3A_182 : memref<80xi32, #tpu.memory_space<hbm>>) dst(%arg11 : memref<80xi32, #tpu.memory_space<vmem>>)
      %dma_start3A_183 = arith.constant 0 : i32
      %dma_start3A_184 = arith.constant 0 : i32
      %dma_start3A_185 = tpu.memref_slice %arg17[%dma_start3A_183, %dma_start3A_184] : memref<10112x128xf32, #tpu.memory_space<vmem_shared>> -> memref<10112x128xf32, #tpu.memory_space<vmem_shared>>
      tpu.enqueue_indirect_dma source(%arg14 : memref<80x128xf32, #tpu.memory_space<vmem>>) target(%dma_start3A_185 : memref<10112x128xf32, #tpu.memory_space<vmem_shared>>) offsets(%arg11 : memref<80xi32, #tpu.memory_space<vmem>>) semaphore(%arg27 : memref<!tpu.dma_semaphore, #tpu.memory_space<semaphore_mem>>) {add = true}
      %dma_wait3A_186 = arith.constant 0 : i32
      %dma_wait3A_187 = arith.constant 0 : i32
      %dma_wait3A_188 = tpu.memref_slice %arg17[%dma_wait3A_186, %dma_wait3A_187] : memref<10112x128xf32, #tpu.memory_space<vmem_shared>> -> memref<10112x128xf32, #tpu.memory_space<vmem_shared>>
      tpu.wait_indirect_dma semaphore(%arg29 : memref<!tpu.dma_semaphore, #tpu.memory_space<semaphore_mem>>) src(%arg16 : memref<80x128xf32, #tpu.memory_space<vmem>>) dst(%dma_wait3A_188 : memref<10112x128xf32, #tpu.memory_space<vmem_shared>>)
      %mul3A_189 = arith.constant 10000 : i32
      %mul3A_190 = arith.muli %arg1, %mul3A_189 : i32
      %add3A_191 = arith.constant 9520 : i32
      %add3A_192 = arith.addi %mul3A_190, %add3A_191 : i32
      %dma_start3A_193 = tpu.memref_slice %arg3[%add3A_192] : memref<160000xi32, #tpu.memory_space<hbm>> -> memref<80xi32, #tpu.memory_space<hbm>>
      %dma_start3A_194 = tpu.memref_slice %arg3[%add3A_192] : memref<160000xi32, #tpu.memory_space<hbm>> -> memref<80xi32, #tpu.memory_space<hbm>>
      tpu.enqueue_dma source(%dma_start3A_194 : memref<80xi32, #tpu.memory_space<hbm>>) target(%arg13 : memref<80xi32, #tpu.memory_space<vmem>>) target_semaphore(%arg23 : memref<!tpu.dma_semaphore, #tpu.memory_space<semaphore_mem>>)
      %mul3A_195 = arith.constant 10000 : i32
      %mul3A_196 = arith.muli %arg1, %mul3A_195 : i32
      %add3A_197 = arith.constant 9520 : i32
      %add3A_198 = arith.addi %mul3A_196, %add3A_197 : i32
      %dma_wait3A_199 = tpu.memref_slice %arg2[%add3A_198] : memref<160000xi32, #tpu.memory_space<hbm>> -> memref<80xi32, #tpu.memory_space<hbm>>
      %dma_wait3A_200 = tpu.memref_slice %arg2[%add3A_198] : memref<160000xi32, #tpu.memory_space<hbm>> -> memref<80xi32, #tpu.memory_space<hbm>>
      tpu.wait_dma2 semaphore(%arg20 : memref<!tpu.dma_semaphore, #tpu.memory_space<semaphore_mem>>) src(%dma_wait3A_200 : memref<80xi32, #tpu.memory_space<hbm>>) dst(%arg10 : memref<80xi32, #tpu.memory_space<vmem>>)
      %dma_start3A_201 = arith.constant 0 : i32
      %dma_start3A_202 = arith.constant 0 : i32
      %dma_start3A_203 = tpu.memref_slice %arg5[%dma_start3A_201, %dma_start3A_202] : memref<10000x128xf32, #tpu.memory_space<hbm>> -> memref<10000x128xf32, #tpu.memory_space<hbm>>
      tpu.enqueue_indirect_dma source(%dma_start3A_203 : memref<10000x128xf32, #tpu.memory_space<hbm>>) target(%arg16 : memref<80x128xf32, #tpu.memory_space<vmem>>) offsets(%arg10 : memref<80xi32, #tpu.memory_space<vmem>>) semaphore(%arg26 : memref<!tpu.dma_semaphore, #tpu.memory_space<semaphore_mem>>)
      %dma_wait3A_204 = arith.constant 0 : i32
      %dma_wait3A_205 = arith.constant 0 : i32
      %dma_wait3A_206 = tpu.memref_slice %arg5[%dma_wait3A_204, %dma_wait3A_205] : memref<10000x128xf32, #tpu.memory_space<hbm>> -> memref<10000x128xf32, #tpu.memory_space<hbm>>
      tpu.wait_indirect_dma semaphore(%arg25 : memref<!tpu.dma_semaphore, #tpu.memory_space<semaphore_mem>>) src(%dma_wait3A_206 : memref<10000x128xf32, #tpu.memory_space<hbm>>) dst(%arg15 : memref<80x128xf32, #tpu.memory_space<vmem>>)
      %mul3A_207 = arith.constant 10000 : i32
      %mul3A_208 = arith.muli %arg1, %mul3A_207 : i32
      %add3A_209 = arith.constant 9680 : i32
      %add3A_210 = arith.addi %mul3A_208, %add3A_209 : i32
      %dma_start3A_211 = tpu.memref_slice %arg2[%add3A_210] : memref<160000xi32, #tpu.memory_space<hbm>> -> memref<80xi32, #tpu.memory_space<hbm>>
      %dma_start3A_212 = tpu.memref_slice %arg2[%add3A_210] : memref<160000xi32, #tpu.memory_space<hbm>> -> memref<80xi32, #tpu.memory_space<hbm>>
      tpu.enqueue_dma source(%dma_start3A_212 : memref<80xi32, #tpu.memory_space<hbm>>) target(%arg9 : memref<80xi32, #tpu.memory_space<vmem>>) target_semaphore(%arg19 : memref<!tpu.dma_semaphore, #tpu.memory_space<semaphore_mem>>)
      %mul3A_213 = arith.constant 10000 : i32
      %mul3A_214 = arith.muli %arg1, %mul3A_213 : i32
      %add3A_215 = arith.constant 9440 : i32
      %add3A_216 = arith.addi %mul3A_214, %add3A_215 : i32
      %dma_wait3A_217 = tpu.memref_slice %arg3[%add3A_216] : memref<160000xi32, #tpu.memory_space<hbm>> -> memref<80xi32, #tpu.memory_space<hbm>>
      %dma_wait3A_218 = tpu.memref_slice %arg3[%add3A_216] : memref<160000xi32, #tpu.memory_space<hbm>> -> memref<80xi32, #tpu.memory_space<hbm>>
      tpu.wait_dma2 semaphore(%arg22 : memref<!tpu.dma_semaphore, #tpu.memory_space<semaphore_mem>>) src(%dma_wait3A_218 : memref<80xi32, #tpu.memory_space<hbm>>) dst(%arg12 : memref<80xi32, #tpu.memory_space<vmem>>)
      %dma_start3A_219 = arith.constant 0 : i32
      %dma_start3A_220 = arith.constant 0 : i32
      %dma_start3A_221 = tpu.memref_slice %arg17[%dma_start3A_219, %dma_start3A_220] : memref<10112x128xf32, #tpu.memory_space<vmem_shared>> -> memref<10112x128xf32, #tpu.memory_space<vmem_shared>>
      tpu.enqueue_indirect_dma source(%arg15 : memref<80x128xf32, #tpu.memory_space<vmem>>) target(%dma_start3A_221 : memref<10112x128xf32, #tpu.memory_space<vmem_shared>>) offsets(%arg12 : memref<80xi32, #tpu.memory_space<vmem>>) semaphore(%arg28 : memref<!tpu.dma_semaphore, #tpu.memory_space<semaphore_mem>>) {add = true}
      %dma_wait3A_222 = arith.constant 0 : i32
      %dma_wait3A_223 = arith.constant 0 : i32
      %dma_wait3A_224 = tpu.memref_slice %arg17[%dma_wait3A_222, %dma_wait3A_223] : memref<10112x128xf32, #tpu.memory_space<vmem_shared>> -> memref<10112x128xf32, #tpu.memory_space<vmem_shared>>
      tpu.wait_indirect_dma semaphore(%arg27 : memref<!tpu.dma_semaphore, #tpu.memory_space<semaphore_mem>>) src(%arg14 : memref<80x128xf32, #tpu.memory_space<vmem>>) dst(%dma_wait3A_224 : memref<10112x128xf32, #tpu.memory_space<vmem_shared>>)
      %mul3A_225 = arith.constant 10000 : i32
      %mul3A_226 = arith.muli %arg1, %mul3A_225 : i32
      %add3A_227 = arith.constant 9600 : i32
      %add3A_228 = arith.addi %mul3A_226, %add3A_227 : i32
      %dma_start3A_229 = tpu.memref_slice %arg3[%add3A_228] : memref<160000xi32, #tpu.memory_space<hbm>> -> memref<80xi32, #tpu.memory_space<hbm>>
      %dma_start3A_230 = tpu.memref_slice %arg3[%add3A_228] : memref<160000xi32, #tpu.memory_space<hbm>> -> memref<80xi32, #tpu.memory_space<hbm>>
      tpu.enqueue_dma source(%dma_start3A_230 : memref<80xi32, #tpu.memory_space<hbm>>) target(%arg11 : memref<80xi32, #tpu.memory_space<vmem>>) target_semaphore(%arg21 : memref<!tpu.dma_semaphore, #tpu.memory_space<semaphore_mem>>)
      %mul3A_231 = arith.constant 10000 : i32
      %mul3A_232 = arith.muli %arg1, %mul3A_231 : i32
      %add3A_233 = arith.constant 9600 : i32
      %add3A_234 = arith.addi %mul3A_232, %add3A_233 : i32
      %dma_wait3A_235 = tpu.memref_slice %arg2[%add3A_234] : memref<160000xi32, #tpu.memory_space<hbm>> -> memref<80xi32, #tpu.memory_space<hbm>>
      %dma_wait3A_236 = tpu.memref_slice %arg2[%add3A_234] : memref<160000xi32, #tpu.memory_space<hbm>> -> memref<80xi32, #tpu.memory_space<hbm>>
      tpu.wait_dma2 semaphore(%arg18 : memref<!tpu.dma_semaphore, #tpu.memory_space<semaphore_mem>>) src(%dma_wait3A_236 : memref<80xi32, #tpu.memory_space<hbm>>) dst(%arg8 : memref<80xi32, #tpu.memory_space<vmem>>)
      %dma_start3A_237 = arith.constant 0 : i32
      %dma_start3A_238 = arith.constant 0 : i32
      %dma_start3A_239 = tpu.memref_slice %arg5[%dma_start3A_237, %dma_start3A_238] : memref<10000x128xf32, #tpu.memory_space<hbm>> -> memref<10000x128xf32, #tpu.memory_space<hbm>>
      tpu.enqueue_indirect_dma source(%dma_start3A_239 : memref<10000x128xf32, #tpu.memory_space<hbm>>) target(%arg14 : memref<80x128xf32, #tpu.memory_space<vmem>>) offsets(%arg8 : memref<80xi32, #tpu.memory_space<vmem>>) semaphore(%arg24 : memref<!tpu.dma_semaphore, #tpu.memory_space<semaphore_mem>>)
      %dma_wait3A_240 = arith.constant 0 : i32
      %dma_wait3A_241 = arith.constant 0 : i32
      %dma_wait3A_242 = tpu.memref_slice %arg5[%dma_wait3A_240, %dma_wait3A_241] : memref<10000x128xf32, #tpu.memory_space<hbm>> -> memref<10000x128xf32, #tpu.memory_space<hbm>>
      tpu.wait_indirect_dma semaphore(%arg26 : memref<!tpu.dma_semaphore, #tpu.memory_space<semaphore_mem>>) src(%dma_wait3A_242 : memref<10000x128xf32, #tpu.memory_space<hbm>>) dst(%arg16 : memref<80x128xf32, #tpu.memory_space<vmem>>)
      %mul3A_243 = arith.constant 10000 : i32
      %mul3A_244 = arith.muli %arg1, %mul3A_243 : i32
      %add3A_245 = arith.constant 9760 : i32
      %add3A_246 = arith.addi %mul3A_244, %add3A_245 : i32
      %dma_start3A_247 = tpu.memref_slice %arg2[%add3A_246] : memref<160000xi32, #tpu.memory_space<hbm>> -> memref<80xi32, #tpu.memory_space<hbm>>
      %dma_start3A_248 = tpu.memref_slice %arg2[%add3A_246] : memref<160000xi32, #tpu.memory_space<hbm>> -> memref<80xi32, #tpu.memory_space<hbm>>
      tpu.enqueue_dma source(%dma_start3A_248 : memref<80xi32, #tpu.memory_space<hbm>>) target(%arg10 : memref<80xi32, #tpu.memory_space<vmem>>) target_semaphore(%arg20 : memref<!tpu.dma_semaphore, #tpu.memory_space<semaphore_mem>>)
      %mul3A_249 = arith.constant 10000 : i32
      %mul3A_250 = arith.muli %arg1, %mul3A_249 : i32
      %add3A_251 = arith.constant 9520 : i32
      %add3A_252 = arith.addi %mul3A_250, %add3A_251 : i32
      %dma_wait3A_253 = tpu.memref_slice %arg3[%add3A_252] : memref<160000xi32, #tpu.memory_space<hbm>> -> memref<80xi32, #tpu.memory_space<hbm>>
      %dma_wait3A_254 = tpu.memref_slice %arg3[%add3A_252] : memref<160000xi32, #tpu.memory_space<hbm>> -> memref<80xi32, #tpu.memory_space<hbm>>
      tpu.wait_dma2 semaphore(%arg23 : memref<!tpu.dma_semaphore, #tpu.memory_space<semaphore_mem>>) src(%dma_wait3A_254 : memref<80xi32, #tpu.memory_space<hbm>>) dst(%arg13 : memref<80xi32, #tpu.memory_space<vmem>>)
      %dma_start3A_255 = arith.constant 0 : i32
      %dma_start3A_256 = arith.constant 0 : i32
      %dma_start3A_257 = tpu.memref_slice %arg17[%dma_start3A_255, %dma_start3A_256] : memref<10112x128xf32, #tpu.memory_space<vmem_shared>> -> memref<10112x128xf32, #tpu.memory_space<vmem_shared>>
      tpu.enqueue_indirect_dma source(%arg16 : memref<80x128xf32, #tpu.memory_space<vmem>>) target(%dma_start3A_257 : memref<10112x128xf32, #tpu.memory_space<vmem_shared>>) offsets(%arg13 : memref<80xi32, #tpu.memory_space<vmem>>) semaphore(%arg29 : memref<!tpu.dma_semaphore, #tpu.memory_space<semaphore_mem>>) {add = true}
      %dma_wait3A_258 = arith.constant 0 : i32
      %dma_wait3A_259 = arith.constant 0 : i32
      %dma_wait3A_260 = tpu.memref_slice %arg17[%dma_wait3A_258, %dma_wait3A_259] : memref<10112x128xf32, #tpu.memory_space<vmem_shared>> -> memref<10112x128xf32, #tpu.memory_space<vmem_shared>>
      tpu.wait_indirect_dma semaphore(%arg28 : memref<!tpu.dma_semaphore, #tpu.memory_space<semaphore_mem>>) src(%arg15 : memref<80x128xf32, #tpu.memory_space<vmem>>) dst(%dma_wait3A_260 : memref<10112x128xf32, #tpu.memory_space<vmem_shared>>)
      %mul3A_261 = arith.constant 10000 : i32
      %mul3A_262 = arith.muli %arg1, %mul3A_261 : i32
      %add3A_263 = arith.constant 9680 : i32
      %add3A_264 = arith.addi %mul3A_262, %add3A_263 : i32
      %dma_start3A_265 = tpu.memref_slice %arg3[%add3A_264] : memref<160000xi32, #tpu.memory_space<hbm>> -> memref<80xi32, #tpu.memory_space<hbm>>
      %dma_start3A_266 = tpu.memref_slice %arg3[%add3A_264] : memref<160000xi32, #tpu.memory_space<hbm>> -> memref<80xi32, #tpu.memory_space<hbm>>
      tpu.enqueue_dma source(%dma_start3A_266 : memref<80xi32, #tpu.memory_space<hbm>>) target(%arg12 : memref<80xi32, #tpu.memory_space<vmem>>) target_semaphore(%arg22 : memref<!tpu.dma_semaphore, #tpu.memory_space<semaphore_mem>>)
      %mul3A_267 = arith.constant 10000 : i32
      %mul3A_268 = arith.muli %arg1, %mul3A_267 : i32
      %add3A_269 = arith.constant 9680 : i32
      %add3A_270 = arith.addi %mul3A_268, %add3A_269 : i32
      %dma_wait3A_271 = tpu.memref_slice %arg2[%add3A_270] : memref<160000xi32, #tpu.memory_space<hbm>> -> memref<80xi32, #tpu.memory_space<hbm>>
      %dma_wait3A_272 = tpu.memref_slice %arg2[%add3A_270] : memref<160000xi32, #tpu.memory_space<hbm>> -> memref<80xi32, #tpu.memory_space<hbm>>
      tpu.wait_dma2 semaphore(%arg19 : memref<!tpu.dma_semaphore, #tpu.memory_space<semaphore_mem>>) src(%dma_wait3A_272 : memref<80xi32, #tpu.memory_space<hbm>>) dst(%arg9 : memref<80xi32, #tpu.memory_space<vmem>>)
      %dma_start3A_273 = arith.constant 0 : i32
      %dma_start3A_274 = arith.constant 0 : i32
      %dma_start3A_275 = tpu.memref_slice %arg5[%dma_start3A_273, %dma_start3A_274] : memref<10000x128xf32, #tpu.memory_space<hbm>> -> memref<10000x128xf32, #tpu.memory_space<hbm>>
      tpu.enqueue_indirect_dma source(%dma_start3A_275 : memref<10000x128xf32, #tpu.memory_space<hbm>>) target(%arg15 : memref<80x128xf32, #tpu.memory_space<vmem>>) offsets(%arg9 : memref<80xi32, #tpu.memory_space<vmem>>) semaphore(%arg25 : memref<!tpu.dma_semaphore, #tpu.memory_space<semaphore_mem>>)
      %dma_wait3A_276 = arith.constant 0 : i32
      %dma_wait3A_277 = arith.constant 0 : i32
      %dma_wait3A_278 = tpu.memref_slice %arg5[%dma_wait3A_276, %dma_wait3A_277] : memref<10000x128xf32, #tpu.memory_space<hbm>> -> memref<10000x128xf32, #tpu.memory_space<hbm>>
      tpu.wait_indirect_dma semaphore(%arg24 : memref<!tpu.dma_semaphore, #tpu.memory_space<semaphore_mem>>) src(%dma_wait3A_278 : memref<10000x128xf32, #tpu.memory_space<hbm>>) dst(%arg14 : memref<80x128xf32, #tpu.memory_space<vmem>>)
      %mul3A_279 = arith.constant 10000 : i32
      %mul3A_280 = arith.muli %arg1, %mul3A_279 : i32
      %add3A_281 = arith.constant 9840 : i32
      %add3A_282 = arith.addi %mul3A_280, %add3A_281 : i32
      %dma_start3A_283 = tpu.memref_slice %arg2[%add3A_282] : memref<160000xi32, #tpu.memory_space<hbm>> -> memref<80xi32, #tpu.memory_space<hbm>>
      %dma_start3A_284 = tpu.memref_slice %arg2[%add3A_282] : memref<160000xi32, #tpu.memory_space<hbm>> -> memref<80xi32, #tpu.memory_space<hbm>>
      tpu.enqueue_dma source(%dma_start3A_284 : memref<80xi32, #tpu.memory_space<hbm>>) target(%arg8 : memref<80xi32, #tpu.memory_space<vmem>>) target_semaphore(%arg18 : memref<!tpu.dma_semaphore, #tpu.memory_space<semaphore_mem>>)
      %mul3A_285 = arith.constant 10000 : i32
      %mul3A_286 = arith.muli %arg1, %mul3A_285 : i32
      %add3A_287 = arith.constant 9600 : i32
      %add3A_288 = arith.addi %mul3A_286, %add3A_287 : i32
      %dma_wait3A_289 = tpu.memref_slice %arg3[%add3A_288] : memref<160000xi32, #tpu.memory_space<hbm>> -> memref<80xi32, #tpu.memory_space<hbm>>
      %dma_wait3A_290 = tpu.memref_slice %arg3[%add3A_288] : memref<160000xi32, #tpu.memory_space<hbm>> -> memref<80xi32, #tpu.memory_space<hbm>>
      tpu.wait_dma2 semaphore(%arg21 : memref<!tpu.dma_semaphore, #tpu.memory_space<semaphore_mem>>) src(%dma_wait3A_290 : memref<80xi32, #tpu.memory_space<hbm>>) dst(%arg11 : memref<80xi32, #tpu.memory_space<vmem>>)
      %dma_start3A_291 = arith.constant 0 : i32
      %dma_start3A_292 = arith.constant 0 : i32
      %dma_start3A_293 = tpu.memref_slice %arg17[%dma_start3A_291, %dma_start3A_292] : memref<10112x128xf32, #tpu.memory_space<vmem_shared>> -> memref<10112x128xf32, #tpu.memory_space<vmem_shared>>
      tpu.enqueue_indirect_dma source(%arg14 : memref<80x128xf32, #tpu.memory_space<vmem>>) target(%dma_start3A_293 : memref<10112x128xf32, #tpu.memory_space<vmem_shared>>) offsets(%arg11 : memref<80xi32, #tpu.memory_space<vmem>>) semaphore(%arg27 : memref<!tpu.dma_semaphore, #tpu.memory_space<semaphore_mem>>) {add = true}
      %dma_wait3A_294 = arith.constant 0 : i32
      %dma_wait3A_295 = arith.constant 0 : i32
      %dma_wait3A_296 = tpu.memref_slice %arg17[%dma_wait3A_294, %dma_wait3A_295] : memref<10112x128xf32, #tpu.memory_space<vmem_shared>> -> memref<10112x128xf32, #tpu.memory_space<vmem_shared>>
      tpu.wait_indirect_dma semaphore(%arg29 : memref<!tpu.dma_semaphore, #tpu.memory_space<semaphore_mem>>) src(%arg16 : memref<80x128xf32, #tpu.memory_space<vmem>>) dst(%dma_wait3A_296 : memref<10112x128xf32, #tpu.memory_space<vmem_shared>>)
      %mul3A_297 = arith.constant 10000 : i32
      %mul3A_298 = arith.muli %arg1, %mul3A_297 : i32
      %add3A_299 = arith.constant 9760 : i32
      %add3A_300 = arith.addi %mul3A_298, %add3A_299 : i32
      %dma_start3A_301 = tpu.memref_slice %arg3[%add3A_300] : memref<160000xi32, #tpu.memory_space<hbm>> -> memref<80xi32, #tpu.memory_space<hbm>>
      %dma_start3A_302 = tpu.memref_slice %arg3[%add3A_300] : memref<160000xi32, #tpu.memory_space<hbm>> -> memref<80xi32, #tpu.memory_space<hbm>>
      tpu.enqueue_dma source(%dma_start3A_302 : memref<80xi32, #tpu.memory_space<hbm>>) target(%arg13 : memref<80xi32, #tpu.memory_space<vmem>>) target_semaphore(%arg23 : memref<!tpu.dma_semaphore, #tpu.memory_space<semaphore_mem>>)
      %mul3A_303 = arith.constant 10000 : i32
      %mul3A_304 = arith.muli %arg1, %mul3A_303 : i32
      %add3A_305 = arith.constant 9760 : i32
      %add3A_306 = arith.addi %mul3A_304, %add3A_305 : i32
      %dma_wait3A_307 = tpu.memref_slice %arg2[%add3A_306] : memref<160000xi32, #tpu.memory_space<hbm>> -> memref<80xi32, #tpu.memory_space<hbm>>
      %dma_wait3A_308 = tpu.memref_slice %arg2[%add3A_306] : memref<160000xi32, #tpu.memory_space<hbm>> -> memref<80xi32, #tpu.memory_space<hbm>>
      tpu.wait_dma2 semaphore(%arg20 : memref<!tpu.dma_semaphore, #tpu.memory_space<semaphore_mem>>) src(%dma_wait3A_308 : memref<80xi32, #tpu.memory_space<hbm>>) dst(%arg10 : memref<80xi32, #tpu.memory_space<vmem>>)
      %dma_start3A_309 = arith.constant 0 : i32
      %dma_start3A_310 = arith.constant 0 : i32
      %dma_start3A_311 = tpu.memref_slice %arg5[%dma_start3A_309, %dma_start3A_310] : memref<10000x128xf32, #tpu.memory_space<hbm>> -> memref<10000x128xf32, #tpu.memory_space<hbm>>
      tpu.enqueue_indirect_dma source(%dma_start3A_311 : memref<10000x128xf32, #tpu.memory_space<hbm>>) target(%arg16 : memref<80x128xf32, #tpu.memory_space<vmem>>) offsets(%arg10 : memref<80xi32, #tpu.memory_space<vmem>>) semaphore(%arg26 : memref<!tpu.dma_semaphore, #tpu.memory_space<semaphore_mem>>)
      %dma_wait3A_312 = arith.constant 0 : i32
      %dma_wait3A_313 = arith.constant 0 : i32
      %dma_wait3A_314 = tpu.memref_slice %arg5[%dma_wait3A_312, %dma_wait3A_313] : memref<10000x128xf32, #tpu.memory_space<hbm>> -> memref<10000x128xf32, #tpu.memory_space<hbm>>
      tpu.wait_indirect_dma semaphore(%arg25 : memref<!tpu.dma_semaphore, #tpu.memory_space<semaphore_mem>>) src(%dma_wait3A_314 : memref<10000x128xf32, #tpu.memory_space<hbm>>) dst(%arg15 : memref<80x128xf32, #tpu.memory_space<vmem>>)
      %mul3A_315 = arith.constant 10000 : i32
      %mul3A_316 = arith.muli %arg1, %mul3A_315 : i32
      %add3A_317 = arith.constant 9920 : i32
      %add3A_318 = arith.addi %mul3A_316, %add3A_317 : i32
      %dma_start3A_319 = tpu.memref_slice %arg2[%add3A_318] : memref<160000xi32, #tpu.memory_space<hbm>> -> memref<80xi32, #tpu.memory_space<hbm>>
      %dma_start3A_320 = tpu.memref_slice %arg2[%add3A_318] : memref<160000xi32, #tpu.memory_space<hbm>> -> memref<80xi32, #tpu.memory_space<hbm>>
      tpu.enqueue_dma source(%dma_start3A_320 : memref<80xi32, #tpu.memory_space<hbm>>) target(%arg9 : memref<80xi32, #tpu.memory_space<vmem>>) target_semaphore(%arg19 : memref<!tpu.dma_semaphore, #tpu.memory_space<semaphore_mem>>)
      %mul3A_321 = arith.constant 10000 : i32
      %mul3A_322 = arith.muli %arg1, %mul3A_321 : i32
      %add3A_323 = arith.constant 9680 : i32
      %add3A_324 = arith.addi %mul3A_322, %add3A_323 : i32
      %dma_wait3A_325 = tpu.memref_slice %arg3[%add3A_324] : memref<160000xi32, #tpu.memory_space<hbm>> -> memref<80xi32, #tpu.memory_space<hbm>>
      %dma_wait3A_326 = tpu.memref_slice %arg3[%add3A_324] : memref<160000xi32, #tpu.memory_space<hbm>> -> memref<80xi32, #tpu.memory_space<hbm>>
      tpu.wait_dma2 semaphore(%arg22 : memref<!tpu.dma_semaphore, #tpu.memory_space<semaphore_mem>>) src(%dma_wait3A_326 : memref<80xi32, #tpu.memory_space<hbm>>) dst(%arg12 : memref<80xi32, #tpu.memory_space<vmem>>)
      %dma_start3A_327 = arith.constant 0 : i32
      %dma_start3A_328 = arith.constant 0 : i32
      %dma_start3A_329 = tpu.memref_slice %arg17[%dma_start3A_327, %dma_start3A_328] : memref<10112x128xf32, #tpu.memory_space<vmem_shared>> -> memref<10112x128xf32, #tpu.memory_space<vmem_shared>>
      tpu.enqueue_indirect_dma source(%arg15 : memref<80x128xf32, #tpu.memory_space<vmem>>) target(%dma_start3A_329 : memref<10112x128xf32, #tpu.memory_space<vmem_shared>>) offsets(%arg12 : memref<80xi32, #tpu.memory_space<vmem>>) semaphore(%arg28 : memref<!tpu.dma_semaphore, #tpu.memory_space<semaphore_mem>>) {add = true}
      %dma_wait3A_330 = arith.constant 0 : i32
      %dma_wait3A_331 = arith.constant 0 : i32
      %dma_wait3A_332 = tpu.memref_slice %arg17[%dma_wait3A_330, %dma_wait3A_331] : memref<10112x128xf32, #tpu.memory_space<vmem_shared>> -> memref<10112x128xf32, #tpu.memory_space<vmem_shared>>
      tpu.wait_indirect_dma semaphore(%arg27 : memref<!tpu.dma_semaphore, #tpu.memory_space<semaphore_mem>>) src(%arg14 : memref<80x128xf32, #tpu.memory_space<vmem>>) dst(%dma_wait3A_332 : memref<10112x128xf32, #tpu.memory_space<vmem_shared>>)
      %mul3A_333 = arith.constant 10000 : i32
      %mul3A_334 = arith.muli %arg1, %mul3A_333 : i32
      %add3A_335 = arith.constant 9840 : i32
      %add3A_336 = arith.addi %mul3A_334, %add3A_335 : i32
      %dma_start3A_337 = tpu.memref_slice %arg3[%add3A_336] : memref<160000xi32, #tpu.memory_space<hbm>> -> memref<80xi32, #tpu.memory_space<hbm>>
      %dma_start3A_338 = tpu.memref_slice %arg3[%add3A_336] : memref<160000xi32, #tpu.memory_space<hbm>> -> memref<80xi32, #tpu.memory_space<hbm>>
      tpu.enqueue_dma source(%dma_start3A_338 : memref<80xi32, #tpu.memory_space<hbm>>) target(%arg11 : memref<80xi32, #tpu.memory_space<vmem>>) target_semaphore(%arg21 : memref<!tpu.dma_semaphore, #tpu.memory_space<semaphore_mem>>)
      %mul3A_339 = arith.constant 10000 : i32
      %mul3A_340 = arith.muli %arg1, %mul3A_339 : i32
      %add3A_341 = arith.constant 9840 : i32
      %add3A_342 = arith.addi %mul3A_340, %add3A_341 : i32
      %dma_wait3A_343 = tpu.memref_slice %arg2[%add3A_342] : memref<160000xi32, #tpu.memory_space<hbm>> -> memref<80xi32, #tpu.memory_space<hbm>>
      %dma_wait3A_344 = tpu.memref_slice %arg2[%add3A_342] : memref<160000xi32, #tpu.memory_space<hbm>> -> memref<80xi32, #tpu.memory_space<hbm>>
      tpu.wait_dma2 semaphore(%arg18 : memref<!tpu.dma_semaphore, #tpu.memory_space<semaphore_mem>>) src(%dma_wait3A_344 : memref<80xi32, #tpu.memory_space<hbm>>) dst(%arg8 : memref<80xi32, #tpu.memory_space<vmem>>)
      %dma_start3A_345 = arith.constant 0 : i32
      %dma_start3A_346 = arith.constant 0 : i32
      %dma_start3A_347 = tpu.memref_slice %arg5[%dma_start3A_345, %dma_start3A_346] : memref<10000x128xf32, #tpu.memory_space<hbm>> -> memref<10000x128xf32, #tpu.memory_space<hbm>>
      tpu.enqueue_indirect_dma source(%dma_start3A_347 : memref<10000x128xf32, #tpu.memory_space<hbm>>) target(%arg14 : memref<80x128xf32, #tpu.memory_space<vmem>>) offsets(%arg8 : memref<80xi32, #tpu.memory_space<vmem>>) semaphore(%arg24 : memref<!tpu.dma_semaphore, #tpu.memory_space<semaphore_mem>>)
      %dma_wait3A_348 = arith.constant 0 : i32
      %dma_wait3A_349 = arith.constant 0 : i32
      %dma_wait3A_350 = tpu.memref_slice %arg5[%dma_wait3A_348, %dma_wait3A_349] : memref<10000x128xf32, #tpu.memory_space<hbm>> -> memref<10000x128xf32, #tpu.memory_space<hbm>>
      tpu.wait_indirect_dma semaphore(%arg26 : memref<!tpu.dma_semaphore, #tpu.memory_space<semaphore_mem>>) src(%dma_wait3A_350 : memref<10000x128xf32, #tpu.memory_space<hbm>>) dst(%arg16 : memref<80x128xf32, #tpu.memory_space<vmem>>)
      %mul3A_351 = arith.constant 10000 : i32
      %mul3A_352 = arith.muli %arg1, %mul3A_351 : i32
      %add3A_353 = arith.constant 9760 : i32
      %add3A_354 = arith.addi %mul3A_352, %add3A_353 : i32
      %dma_wait3A_355 = tpu.memref_slice %arg3[%add3A_354] : memref<160000xi32, #tpu.memory_space<hbm>> -> memref<80xi32, #tpu.memory_space<hbm>>
      %dma_wait3A_356 = tpu.memref_slice %arg3[%add3A_354] : memref<160000xi32, #tpu.memory_space<hbm>> -> memref<80xi32, #tpu.memory_space<hbm>>
      tpu.wait_dma2 semaphore(%arg23 : memref<!tpu.dma_semaphore, #tpu.memory_space<semaphore_mem>>) src(%dma_wait3A_356 : memref<80xi32, #tpu.memory_space<hbm>>) dst(%arg13 : memref<80xi32, #tpu.memory_space<vmem>>)
      %dma_start3A_357 = arith.constant 0 : i32
      %dma_start3A_358 = arith.constant 0 : i32
      %dma_start3A_359 = tpu.memref_slice %arg17[%dma_start3A_357, %dma_start3A_358] : memref<10112x128xf32, #tpu.memory_space<vmem_shared>> -> memref<10112x128xf32, #tpu.memory_space<vmem_shared>>
      tpu.enqueue_indirect_dma source(%arg16 : memref<80x128xf32, #tpu.memory_space<vmem>>) target(%dma_start3A_359 : memref<10112x128xf32, #tpu.memory_space<vmem_shared>>) offsets(%arg13 : memref<80xi32, #tpu.memory_space<vmem>>) semaphore(%arg29 : memref<!tpu.dma_semaphore, #tpu.memory_space<semaphore_mem>>) {add = true}
      %dma_wait3A_360 = arith.constant 0 : i32
      %dma_wait3A_361 = arith.constant 0 : i32
      %dma_wait3A_362 = tpu.memref_slice %arg17[%dma_wait3A_360, %dma_wait3A_361] : memref<10112x128xf32, #tpu.memory_space<vmem_shared>> -> memref<10112x128xf32, #tpu.memory_space<vmem_shared>>
      tpu.wait_indirect_dma semaphore(%arg28 : memref<!tpu.dma_semaphore, #tpu.memory_space<semaphore_mem>>) src(%arg15 : memref<80x128xf32, #tpu.memory_space<vmem>>) dst(%dma_wait3A_362 : memref<10112x128xf32, #tpu.memory_space<vmem_shared>>)
      %mul3A_363 = arith.constant 10000 : i32
      %mul3A_364 = arith.muli %arg1, %mul3A_363 : i32
      %add3A_365 = arith.constant 9920 : i32
      %add3A_366 = arith.addi %mul3A_364, %add3A_365 : i32
      %dma_start3A_367 = tpu.memref_slice %arg3[%add3A_366] : memref<160000xi32, #tpu.memory_space<hbm>> -> memref<80xi32, #tpu.memory_space<hbm>>
      %dma_start3A_368 = tpu.memref_slice %arg3[%add3A_366] : memref<160000xi32, #tpu.memory_space<hbm>> -> memref<80xi32, #tpu.memory_space<hbm>>
      tpu.enqueue_dma source(%dma_start3A_368 : memref<80xi32, #tpu.memory_space<hbm>>) target(%arg12 : memref<80xi32, #tpu.memory_space<vmem>>) target_semaphore(%arg22 : memref<!tpu.dma_semaphore, #tpu.memory_space<semaphore_mem>>)
      %mul3A_369 = arith.constant 10000 : i32
      %mul3A_370 = arith.muli %arg1, %mul3A_369 : i32
      %add3A_371 = arith.constant 9920 : i32
      %add3A_372 = arith.addi %mul3A_370, %add3A_371 : i32
      %dma_wait3A_373 = tpu.memref_slice %arg2[%add3A_372] : memref<160000xi32, #tpu.memory_space<hbm>> -> memref<80xi32, #tpu.memory_space<hbm>>
      %dma_wait3A_374 = tpu.memref_slice %arg2[%add3A_372] : memref<160000xi32, #tpu.memory_space<hbm>> -> memref<80xi32, #tpu.memory_space<hbm>>
      tpu.wait_dma2 semaphore(%arg19 : memref<!tpu.dma_semaphore, #tpu.memory_space<semaphore_mem>>) src(%dma_wait3A_374 : memref<80xi32, #tpu.memory_space<hbm>>) dst(%arg9 : memref<80xi32, #tpu.memory_space<vmem>>)
      %dma_start3A_375 = arith.constant 0 : i32
      %dma_start3A_376 = arith.constant 0 : i32
      %dma_start3A_377 = tpu.memref_slice %arg5[%dma_start3A_375, %dma_start3A_376] : memref<10000x128xf32, #tpu.memory_space<hbm>> -> memref<10000x128xf32, #tpu.memory_space<hbm>>
      tpu.enqueue_indirect_dma source(%dma_start3A_377 : memref<10000x128xf32, #tpu.memory_space<hbm>>) target(%arg15 : memref<80x128xf32, #tpu.memory_space<vmem>>) offsets(%arg9 : memref<80xi32, #tpu.memory_space<vmem>>) semaphore(%arg25 : memref<!tpu.dma_semaphore, #tpu.memory_space<semaphore_mem>>)
      %dma_wait3A_378 = arith.constant 0 : i32
      %dma_wait3A_379 = arith.constant 0 : i32
      %dma_wait3A_380 = tpu.memref_slice %arg5[%dma_wait3A_378, %dma_wait3A_379] : memref<10000x128xf32, #tpu.memory_space<hbm>> -> memref<10000x128xf32, #tpu.memory_space<hbm>>
      tpu.wait_indirect_dma semaphore(%arg24 : memref<!tpu.dma_semaphore, #tpu.memory_space<semaphore_mem>>) src(%dma_wait3A_380 : memref<10000x128xf32, #tpu.memory_space<hbm>>) dst(%arg14 : memref<80x128xf32, #tpu.memory_space<vmem>>)
      %mul3A_381 = arith.constant 10000 : i32
      %mul3A_382 = arith.muli %arg1, %mul3A_381 : i32
      %add3A_383 = arith.constant 9840 : i32
      %add3A_384 = arith.addi %mul3A_382, %add3A_383 : i32
      %dma_wait3A_385 = tpu.memref_slice %arg3[%add3A_384] : memref<160000xi32, #tpu.memory_space<hbm>> -> memref<80xi32, #tpu.memory_space<hbm>>
      %dma_wait3A_386 = tpu.memref_slice %arg3[%add3A_384] : memref<160000xi32, #tpu.memory_space<hbm>> -> memref<80xi32, #tpu.memory_space<hbm>>
      tpu.wait_dma2 semaphore(%arg21 : memref<!tpu.dma_semaphore, #tpu.memory_space<semaphore_mem>>) src(%dma_wait3A_386 : memref<80xi32, #tpu.memory_space<hbm>>) dst(%arg11 : memref<80xi32, #tpu.memory_space<vmem>>)
      %dma_start3A_387 = arith.constant 0 : i32
      %dma_start3A_388 = arith.constant 0 : i32
      %dma_start3A_389 = tpu.memref_slice %arg17[%dma_start3A_387, %dma_start3A_388] : memref<10112x128xf32, #tpu.memory_space<vmem_shared>> -> memref<10112x128xf32, #tpu.memory_space<vmem_shared>>
      tpu.enqueue_indirect_dma source(%arg14 : memref<80x128xf32, #tpu.memory_space<vmem>>) target(%dma_start3A_389 : memref<10112x128xf32, #tpu.memory_space<vmem_shared>>) offsets(%arg11 : memref<80xi32, #tpu.memory_space<vmem>>) semaphore(%arg27 : memref<!tpu.dma_semaphore, #tpu.memory_space<semaphore_mem>>) {add = true}
      %dma_wait3A_390 = arith.constant 0 : i32
      %dma_wait3A_391 = arith.constant 0 : i32
      %dma_wait3A_392 = tpu.memref_slice %arg17[%dma_wait3A_390, %dma_wait3A_391] : memref<10112x128xf32, #tpu.memory_space<vmem_shared>> -> memref<10112x128xf32, #tpu.memory_space<vmem_shared>>
      tpu.wait_indirect_dma semaphore(%arg29 : memref<!tpu.dma_semaphore, #tpu.memory_space<semaphore_mem>>) src(%arg16 : memref<80x128xf32, #tpu.memory_space<vmem>>) dst(%dma_wait3A_392 : memref<10112x128xf32, #tpu.memory_space<vmem_shared>>)
      %dma_wait3A_393 = arith.constant 0 : i32
      %dma_wait3A_394 = arith.constant 0 : i32
      %dma_wait3A_395 = tpu.memref_slice %arg5[%dma_wait3A_393, %dma_wait3A_394] : memref<10000x128xf32, #tpu.memory_space<hbm>> -> memref<10000x128xf32, #tpu.memory_space<hbm>>
      tpu.wait_indirect_dma semaphore(%arg25 : memref<!tpu.dma_semaphore, #tpu.memory_space<semaphore_mem>>) src(%dma_wait3A_395 : memref<10000x128xf32, #tpu.memory_space<hbm>>) dst(%arg15 : memref<80x128xf32, #tpu.memory_space<vmem>>)
      %mul3A_396 = arith.constant 10000 : i32
      %mul3A_397 = arith.muli %arg1, %mul3A_396 : i32
      %add3A_398 = arith.constant 9920 : i32
      %add3A_399 = arith.addi %mul3A_397, %add3A_398 : i32
      %dma_wait3A_400 = tpu.memref_slice %arg3[%add3A_399] : memref<160000xi32, #tpu.memory_space<hbm>> -> memref<80xi32, #tpu.memory_space<hbm>>
      %dma_wait3A_401 = tpu.memref_slice %arg3[%add3A_399] : memref<160000xi32, #tpu.memory_space<hbm>> -> memref<80xi32, #tpu.memory_space<hbm>>
      tpu.wait_dma2 semaphore(%arg22 : memref<!tpu.dma_semaphore, #tpu.memory_space<semaphore_mem>>) src(%dma_wait3A_401 : memref<80xi32, #tpu.memory_space<hbm>>) dst(%arg12 : memref<80xi32, #tpu.memory_space<vmem>>)
      %dma_start3A_402 = arith.constant 0 : i32
      %dma_start3A_403 = arith.constant 0 : i32
      %dma_start3A_404 = tpu.memref_slice %arg17[%dma_start3A_402, %dma_start3A_403] : memref<10112x128xf32, #tpu.memory_space<vmem_shared>> -> memref<10112x128xf32, #tpu.memory_space<vmem_shared>>
      tpu.enqueue_indirect_dma source(%arg15 : memref<80x128xf32, #tpu.memory_space<vmem>>) target(%dma_start3A_404 : memref<10112x128xf32, #tpu.memory_space<vmem_shared>>) offsets(%arg12 : memref<80xi32, #tpu.memory_space<vmem>>) semaphore(%arg28 : memref<!tpu.dma_semaphore, #tpu.memory_space<semaphore_mem>>) {add = true}
      %dma_wait3A_405 = arith.constant 0 : i32
      %dma_wait3A_406 = arith.constant 0 : i32
      %dma_wait3A_407 = tpu.memref_slice %arg17[%dma_wait3A_405, %dma_wait3A_406] : memref<10112x128xf32, #tpu.memory_space<vmem_shared>> -> memref<10112x128xf32, #tpu.memory_space<vmem_shared>>
      tpu.wait_indirect_dma semaphore(%arg27 : memref<!tpu.dma_semaphore, #tpu.memory_space<semaphore_mem>>) src(%arg14 : memref<80x128xf32, #tpu.memory_space<vmem>>) dst(%dma_wait3A_407 : memref<10112x128xf32, #tpu.memory_space<vmem_shared>>)
      %dma_wait3A_408 = arith.constant 0 : i32
      %dma_wait3A_409 = arith.constant 0 : i32
      %dma_wait3A_410 = tpu.memref_slice %arg17[%dma_wait3A_408, %dma_wait3A_409] : memref<10112x128xf32, #tpu.memory_space<vmem_shared>> -> memref<10112x128xf32, #tpu.memory_space<vmem_shared>>
      tpu.wait_indirect_dma semaphore(%arg28 : memref<!tpu.dma_semaphore, #tpu.memory_space<semaphore_mem>>) src(%arg15 : memref<80x128xf32, #tpu.memory_space<vmem>>) dst(%dma_wait3A_410 : memref<10112x128xf32, #tpu.memory_space<vmem_shared>>)
    } else {
    }
    %barrier3A = arith.constant 0 : index
    tpu.barrier barrier_id(%barrier3A)
    %mul3A = arith.constant 632 : i32
    %mul3A_7 = arith.muli %arg1, %mul3A : i32
    %mul3A_8 = arith.constant 632 : i32
    %mul3A_9 = arith.muli %arg1, %mul3A_8 : i32
    "tpu.region"() ({
      %run_scoped3A = tpu.sem_alloc : memref<!tpu.dma_semaphore, #tpu.memory_space<semaphore_mem>>
      %dma_start3A = arith.constant 0 : i32
      %dma_start3A_10 = tpu.memref_slice %arg7[%arg0, %mul3A_9, %dma_start3A] : memref<2x10112x128xf32, #tpu.memory_space<hbm>> -> memref<1x632x128xf32, #tpu.memory_space<hbm>>
      %dma_start3A_11 = tpu.memref_squeeze %dma_start3A_10 : memref<1x632x128xf32, #tpu.memory_space<hbm>> -> memref<632x128xf32, #tpu.memory_space<hbm>>
      %dma_start3A_12 = arith.constant 0 : i32
      %dma_start3A_13 = tpu.memref_slice %arg17[%mul3A_7, %dma_start3A_12] : memref<10112x128xf32, #tpu.memory_space<vmem_shared>> -> memref<632x128xf32, #tpu.memory_space<vmem_shared>>
      tpu.enqueue_dma source(%dma_start3A_13 : memref<632x128xf32, #tpu.memory_space<vmem_shared>>) target(%dma_start3A_11 : memref<632x128xf32, #tpu.memory_space<hbm>>) target_semaphore(%run_scoped3A : memref<!tpu.dma_semaphore, #tpu.memory_space<semaphore_mem>>)
      %dma_wait3A = arith.constant 0 : i32
      %dma_wait3A_14 = tpu.memref_slice %arg7[%arg0, %mul3A_9, %dma_wait3A] : memref<2x10112x128xf32, #tpu.memory_space<hbm>> -> memref<1x632x128xf32, #tpu.memory_space<hbm>>
      %dma_wait3A_15 = tpu.memref_squeeze %dma_wait3A_14 : memref<1x632x128xf32, #tpu.memory_space<hbm>> -> memref<632x128xf32, #tpu.memory_space<hbm>>
      %dma_wait3A_16 = arith.constant 0 : i32
      %dma_wait3A_17 = tpu.memref_slice %arg17[%mul3A_7, %dma_wait3A_16] : memref<10112x128xf32, #tpu.memory_space<vmem_shared>> -> memref<632x128xf32, #tpu.memory_space<vmem_shared>>
      tpu.wait_dma2 semaphore(%run_scoped3A : memref<!tpu.dma_semaphore, #tpu.memory_space<semaphore_mem>>) src(%dma_wait3A_17 : memref<632x128xf32, #tpu.memory_space<vmem_shared>>) dst(%dma_wait3A_15 : memref<632x128xf32, #tpu.memory_space<hbm>>)
      tpu.yield
    }) : () -> ()
    return
  }
}

module attributes {stable_mosaic.version = 14 : i64} {
  func.func @_mlp_body(%arg0: i32, %arg1: memref<1x1xf32, #tpu.memory_space<smem>>, %arg2: memref<2000x256xf32, #tpu.memory_space<vmem>>, %arg3: memref<1x2000x128xf32, #tpu.memory_space<vmem>>, %arg4: memref<1x2000x128xf32, #tpu.memory_space<vmem>>, %arg5: memref<256x256xf32, #tpu.memory_space<vmem>>, %arg6: memref<1x256xf32, #tpu.memory_space<vmem>>, %arg7: memref<256x256xf32, #tpu.memory_space<vmem>>, %arg8: memref<1x256xf32, #tpu.memory_space<vmem>>, %arg9: memref<2000x256xf32, #tpu.memory_space<vmem>>) attributes {dimension_semantics = [#tpu.dimension_semantics<arbitrary>], iteration_bounds = array<i64: 5>, scalar_prefetch = 0 : i64, scratch_operands = 0 : i64, tpu.core_type = #tpu.core_type<tc>, window_params = [{transform_indices = @transform_0, window_bounds = array<i64: 1, 1>}, {transform_indices = @transform_1, window_bounds = array<i64: 2000, 256>}, {transform_indices = @transform_2, window_bounds = array<i64: 1, 2000, 128>}, {transform_indices = @transform_3, window_bounds = array<i64: 1, 2000, 128>}, {pipeline_mode = #tpu.pipeline_mode<synchronous>, transform_indices = @transform_4, window_bounds = array<i64: 256, 256>}, {pipeline_mode = #tpu.pipeline_mode<synchronous>, transform_indices = @transform_5, window_bounds = array<i64: 1, 256>}, {pipeline_mode = #tpu.pipeline_mode<synchronous>, transform_indices = @transform_6, window_bounds = array<i64: 256, 256>}, {pipeline_mode = #tpu.pipeline_mode<synchronous>, transform_indices = @transform_7, window_bounds = array<i64: 1, 256>}, {transform_indices = @transform_8, window_bounds = array<i64: 2000, 256>}]} {
    %get3A = arith.constant 0 : index
    %get3A_0 = arith.constant 0 : index
    %get3A_1 = arith.constant 0 : index
    %get3A_2 = vector.load %arg3[%get3A, %get3A_0, %get3A_1] : memref<1x2000x128xf32, #tpu.memory_space<vmem>>, vector<1x2000x128xf32>
    %get3A_3 = vector.shape_cast %get3A_2 : vector<1x2000x128xf32> to vector<2000x128xf32>
    %get3A_4 = arith.constant 0 : index
    %get3A_5 = arith.constant 0 : index
    %get3A_6 = arith.constant 0 : index
    %get3A_7 = vector.load %arg4[%get3A_4, %get3A_5, %get3A_6] : memref<1x2000x128xf32, #tpu.memory_space<vmem>>, vector<1x2000x128xf32>
    %get3A_8 = vector.shape_cast %get3A_7 : vector<1x2000x128xf32> to vector<2000x128xf32>
    %concatenate3A = tpu.concatenate %get3A_3, %get3A_8 in 1 : vector<2000x128xf32>, vector<2000x128xf32> -> vector<2000x256xf32>
    %get3A_9 = arith.constant 0 : index
    %get3A_10 = arith.constant 0 : index
    %get3A_11 = memref.load %arg1[%get3A_9, %get3A_10] : memref<1x1xf32, #tpu.memory_space<smem>>
    %add3A = arith.constant 1.000000e+00 : f32
    %add3A_12 = arith.addf %add3A, %get3A_11 : f32
    %get3A_13 = arith.constant 0 : index
    %get3A_14 = arith.constant 0 : index
    %get3A_15 = vector.load %arg2[%get3A_13, %get3A_14] : memref<2000x256xf32, #tpu.memory_space<vmem>>, vector<2000x256xf32>
    %mul3A = vector.broadcast %add3A_12 : f32 to vector<2000x256xf32>
    %mul3A_16 = arith.mulf %mul3A, %get3A_15 : vector<2000x256xf32>
    %add3A_17 = arith.addf %mul3A_16, %concatenate3A : vector<2000x256xf32>
    %get3A_18 = arith.constant 0 : index
    %get3A_19 = arith.constant 0 : index
    %get3A_20 = vector.load %arg5[%get3A_18, %get3A_19] : memref<256x256xf32, #tpu.memory_space<vmem>>, vector<256x256xf32>
    %dot_general3A = arith.constant dense<0.000000e+00> : vector<2000x256xf32>
    %dot_general3A_21 = tpu.matmul %add3A_17, %get3A_20, %dot_general3A {dimension_numbers = #tpu.dot_dimension_numbers<[1], [0], [0], [1], [0, 0, 1, 1], [], []>, transpose_lhs_hint = false} : vector<2000x256xf32>, vector<256x256xf32>, vector<2000x256xf32> -> vector<2000x256xf32>
    %get3A_22 = arith.constant 0 : index
    %get3A_23 = arith.constant 0 : index
    %get3A_24 = vector.load %arg6[%get3A_22, %get3A_23] : memref<1x256xf32, #tpu.memory_space<vmem>>, vector<1x256xf32>
    %add3A_25 = vector.broadcast %get3A_24 : vector<1x256xf32> to vector<2000x256xf32>
    %add3A_26 = arith.addf %dot_general3A_21, %add3A_25 : vector<2000x256xf32>
    %max3A = arith.constant 0.000000e+00 : f32
    %max3A_27 = vector.broadcast %max3A : f32 to vector<2000x256xf32>
    %max3A_28 = arith.maximumf %add3A_26, %max3A_27 : vector<2000x256xf32>
    %get3A_29 = arith.constant 0 : index
    %get3A_30 = arith.constant 0 : index
    %get3A_31 = vector.load %arg7[%get3A_29, %get3A_30] : memref<256x256xf32, #tpu.memory_space<vmem>>, vector<256x256xf32>
    %dot_general3A_32 = arith.constant dense<0.000000e+00> : vector<2000x256xf32>
    %dot_general3A_33 = tpu.matmul %max3A_28, %get3A_31, %dot_general3A_32 {dimension_numbers = #tpu.dot_dimension_numbers<[1], [0], [0], [1], [0, 0, 1, 1], [], []>, transpose_lhs_hint = false} : vector<2000x256xf32>, vector<256x256xf32>, vector<2000x256xf32> -> vector<2000x256xf32>
    %get3A_34 = arith.constant 0 : index
    %get3A_35 = arith.constant 0 : index
    %get3A_36 = vector.load %arg8[%get3A_34, %get3A_35] : memref<1x256xf32, #tpu.memory_space<vmem>>, vector<1x256xf32>
    %add3A_37 = vector.broadcast %get3A_36 : vector<1x256xf32> to vector<2000x256xf32>
    %add3A_38 = arith.addf %dot_general3A_33, %add3A_37 : vector<2000x256xf32>
    %max3A_39 = arith.constant 0.000000e+00 : f32
    %max3A_40 = vector.broadcast %max3A_39 : f32 to vector<2000x256xf32>
    %max3A_41 = arith.maximumf %add3A_38, %max3A_40 : vector<2000x256xf32>
    %swap3A = arith.constant 0 : index
    %swap3A_42 = arith.constant 0 : index
    %swap3A_43 = vector.load %arg9[%swap3A, %swap3A_42] : memref<2000x256xf32, #tpu.memory_space<vmem>>, vector<2000x256xf32>
    tpu.vector_store %arg9[%swap3A, %swap3A_42], %max3A_41 {strides = array<i32>} : memref<2000x256xf32, #tpu.memory_space<vmem>>, vector<2000x256xf32>,
    return
  }
  func.func @transform_0(%arg0: i32) -> (i32, i32) {
    %c0_i32 = arith.constant 0 : i32
    %c0_i32_0 = arith.constant 0 : i32
    %c0_i32_1 = arith.constant 0 : i32
    return %c0_i32, %c0_i32_0 : i32, i32
  }
  func.func @transform_1(%arg0: i32) -> (i32, i32) {
    %c0_i32 = arith.constant 0 : i32
    %c0_i32_0 = arith.constant 0 : i32
    return %arg0, %c0_i32 : i32, i32
  }
  func.func @transform_2(%arg0: i32) -> (i32, i32, i32) {
    %c0_i32 = arith.constant 0 : i32
    %c0_i32_0 = arith.constant 0 : i32
    %c0_i32_1 = arith.constant 0 : i32
    return %c0_i32, %arg0, %c0_i32_0 : i32, i32, i32
  }
  func.func @transform_3(%arg0: i32) -> (i32, i32, i32) {
    %c1_i32 = arith.constant 1 : i32
    %c0_i32 = arith.constant 0 : i32
    %c0_i32_0 = arith.constant 0 : i32
    return %c1_i32, %arg0, %c0_i32 : i32, i32, i32
  }
  func.func @transform_4(%arg0: i32) -> (i32, i32) {
    %c0_i32 = arith.constant 0 : i32
    %c0_i32_0 = arith.constant 0 : i32
    %c0_i32_1 = arith.constant 0 : i32
    return %c0_i32, %c0_i32_0 : i32, i32
  }
  func.func @transform_5(%arg0: i32) -> (i32, i32) {
    %c0_i32 = arith.constant 0 : i32
    %c0_i32_0 = arith.constant 0 : i32
    %c0_i32_1 = arith.constant 0 : i32
    return %c0_i32, %c0_i32_0 : i32, i32
  }
  func.func @transform_6(%arg0: i32) -> (i32, i32) {
    %c0_i32 = arith.constant 0 : i32
    %c0_i32_0 = arith.constant 0 : i32
    %c0_i32_1 = arith.constant 0 : i32
    return %c0_i32, %c0_i32_0 : i32, i32
  }
  func.func @transform_7(%arg0: i32) -> (i32, i32) {
    %c0_i32 = arith.constant 0 : i32
    %c0_i32_0 = arith.constant 0 : i32
    %c0_i32_1 = arith.constant 0 : i32
    return %c0_i32, %c0_i32_0 : i32, i32
  }
  func.func @transform_8(%arg0: i32) -> (i32, i32) {
    %c0_i32 = arith.constant 0 : i32
    %c0_i32_0 = arith.constant 0 : i32
    return %arg0, %c0_i32 : i32, i32
  }
}

</mosaic_0001>

<sc_bundles>
// kernel: kernel.4.cloned.1.call-start
scs
__scs_entry_jumppad:
0x0: {  	(pc) =	sbr.rel $0x88, $3  }
0x1: {  	(tag) =	ssettag $0x0;
	lr =	simm.s32 $0x1  }
0x2: {  	[smem:$0x3F9A] =	sst lr;
	_ =	strace $0xD0000000  }
0x3: {  	_ = 	snop  }
0x4: {  	_ = 	snop  }
0x5: {  	_ = 	snop  }
0x6: {  	_ = 	snop  }
0x7: {  	_ = 	snop  }
__scs_overlays_trampoline_lowered:
0x8: {  	[smem:$0x3FA9] =	sst s0  }
0x9: {  	[smem:$0x3FAA] =	sst s1  }
0xa: {  	[smem:$0x3FAB] =	sst s2  }
0xb: {  	[smem:$0x3FAC] =	sst s3  }
0xc: {  	[smem:$0x3FAD] =	sst s4  }
0xd: {  	[smem:$0x3FAE] =	sst s5  }
0xe: {  	[smem:$0x3FAF] =	sst s6  }
0xf: {  	[smem:$0x3FB0] =	sst s7  }
0x10: {  	[smem:$0x3FB1] =	sst s8  }
0x11: {  	[smem:$0x3FB2] =	sst s9;
	s0 =	simm.s32 @!p0 $0x0  }
0x12: {  	s1 =	sld [smem:$0x3F98];
	s0 =	simm.s32 @p0 $0x1  }
0x13: {  	[smem:$0x3FB3] =	sst s0;
	s0 =	simm.s32 @!p1 $0x0  }
0x14: {  	s2 =	sld [smem:$0x3F97];
	s0 =	simm.s32 @p1 $0x1  }
0x15: {  	[smem:$0x3FB4] =	sst s0;
	s0 =	simm.s32 @!p2 $0x0  }
0x16: {  	s3 =	sld [smem:$0x3FDB];
	s0 =	simm.s32 @p2 $0x1  }
0x17: {  	s4 =	simm.s32 $0x1BF5;
	[smem:$0x3FB6] =	sst s0  }
0x18: {  	s0 =	sld [smem:$0x3F99];
	_ =	swait.ge [sflag:s4], $0x0  }
0x19: {  	s7 =	sld [smem:$0x3F9A]  }
0x1a: {  	s8 =	sadd.s32 $0xFFFFE003, lr  }
0x1b: {  	s9 =	sadd.s32 $0xFFFFFEF7, lr;
	s5 =	simm.s32 $0xFFFFFFFF;
	p2 =	slt.u32 s8, $0xFFFFF086  }
0x1c: {  	p1 =	slt.u32 s9, $0xF7A;
	s5 =	simm.s32 @!p2 $0x0  }
0x1d: {  	s5 =	simm.s32 @p1 $0x1;
	p0 =	seq.s32 s7, s2  }
0x1e: {  	s7 =	smul.u32 @!p0 $0xF7A, s2;
	p2 =	seq.s32 @!p0 s5, $0x0  }
0x1f: {  	s9 =	smul.u32 $0xF7A, s1;
	s8 =	simm.s32 @!p0 $0x1BF5;
	p2 =	por !p2, p0  }
0x20: {  	[sflag:s8] =	ssyncset.s32 @!p0 $0xFFFFF086;
	s6 =	sadd.s32 @!p0 s3, s7;
	s7 =	simm.s32 @!p0 $0x108  }
0x21: {  	s3 =	sadd.s32 s3, s9;
	s6 =	sadd.s32 @!p0 $0x88, s6;
	s7 =	simm.s32 @p2 $0x1082  }
0x22: {  	[simem:s7], [sflag:s8] =	dma.local @!p0 [hbm:s6], $0xF7A  }
0x23: {  	s9 =	sor.u32 $0xD0000000, s2;
	s6 =	simm.s32 $0x108;
	_ =	swait.ge @!p0 [sflag:s8], $0x0  }
0x24: {  	s3 =	sadd.s32 $0x88, s3;
	s6 =	simm.s32 @!p1 $0x1082;
	[sflag:s4] =	ssyncset.s32 $0xFFFFF086  }
0x25: {  	[simem:s6], [sflag:s4] =	dma.local [hbm:s3], $0xF7A  }
0x26: {  	[smem:$0x3F9A] =	sst s1;
	(tag) =	ssettag s2;
	_ =	strace s9  }
0x27: {  	s1 =	sld [smem:$0x3FAA]  }
0x28: {  	s2 =	sld [smem:$0x3FAB]  }
0x29: {  	s4 =	sld [smem:$0x3FAD]  }
0x2a: {  	p0 =	seq.s32 s5, $0x0;
	s5 =	sld [smem:$0x3FAE]  }
0x2b: {  	s6 =	sld [smem:$0x3FAF]  }
0x2c: {  	s7 =	sld [smem:$0x3FB0]  }
0x2d: {  	s3 =	simm.s32 $0x108;
	s8 =	sld [smem:$0x3FB1]  }
0x2e: {  	s3 =	simm.s32 @!p0 $0x1082;
	s9 =	sld [smem:$0x3FB2]  }
0x2f: {  	lr =	sadd.s32 s0, s3;
	s0 =	sld [smem:$0x3FA9]  }
0x30: {  	s3 =	sld [smem:$0x3FAC]  }
0x31: {  	[smem:$0x3FB5] =	sst s10  }
0x32: {  	s10 =	sld [smem:$0x3FB3];
	_ =	sdelay $0x3  }
0x33: {  	p0 =	seq.s32 s10, $0x1;
	s10 =	sld [smem:$0x3FB5];
	_ =	sdelay $0x3  }
0x34: {  	[smem:$0x3FB5] =	sst s10  }
0x35: {  	s10 =	sld [smem:$0x3FB4];
	_ =	sdelay $0x3  }
0x36: {  	p1 =	seq.s32 s10, $0x1;
	s10 =	sld [smem:$0x3FB5];
	_ =	sdelay $0x3  }
0x37: {  	[smem:$0x3FB5] =	sst s10  }
0x38: {  	s10 =	sld [smem:$0x3FB6]  }
0x39: {  	_ = 	snop;
	(pc) =	sbr.ind lr, $3  }
0x3a: {  	_ = 	snop  }
0x3b: {  	_ = 	snop  }
0x3c: {  	p2 =	seq.s32 s10, $0x1;
	s10 =	sld [smem:$0x3FB5]  }
0x3d: {  	_ =	shalt  }
0x3e: {  	_ =	shalt  }
0x3f: {  	_ =	shalt  }
0x40: {  	_ =	shalt  }
0x41: {  	_ =	shalt  }
0x42: {  	_ =	shalt  }
0x43: {  	_ =	shalt  }
0x44: {  	_ =	shalt  }
0x45: {  	_ =	shalt  }
0x46: {  	_ =	shalt  }
0x47: {  	_ =	shalt  }
0x48: {  	_ =	shalt  }
0x49: {  	_ =	shalt  }
0x4a: {  	_ =	shalt  }
0x4b: {  	_ =	shalt  }
0x4c: {  	_ =	shalt  }
0x4d: {  	_ =	shalt  }
0x4e: {  	_ =	shalt  }
0x4f: {  	_ =	shalt  }
0x50: {  	_ =	shalt  }
0x51: {  	_ =	shalt  }
0x52: {  	_ =	shalt  }
0x53: {  	_ =	shalt  }
0x54: {  	_ =	shalt  }
0x55: {  	_ =	shalt  }
0x56: {  	_ =	shalt  }
0x57: {  	_ =	shalt  }
0x58: {  	_ =	shalt  }
0x59: {  	_ =	shalt  }
0x5a: {  	_ =	shalt  }
0x5b: {  	_ =	shalt  }
0x5c: {  	_ =	shalt  }
0x5d: {  	_ =	shalt  }
0x5e: {  	_ =	shalt  }
0x5f: {  	_ =	shalt  }
0x60: {  	_ =	shalt  }
0x61: {  	_ =	shalt  }
0x62: {  	_ =	shalt  }
0x63: {  	_ =	shalt  }
0x64: {  	_ =	shalt  }
0x65: {  	_ =	shalt  }
0x66: {  	_ =	shalt  }
0x67: {  	_ =	shalt  }
0x68: {  	_ =	shalt  }
0x69: {  	_ =	shalt  }
0x6a: {  	_ =	shalt  }
0x6b: {  	_ =	shalt  }
0x6c: {  	_ =	shalt  }
0x6d: {  	_ =	shalt  }
0x6e: {  	_ =	shalt  }
0x6f: {  	_ =	shalt  }
0x70: {  	_ =	shalt  }
0x71: {  	_ =	shalt  }
0x72: {  	_ =	shalt  }
0x73: {  	_ =	shalt  }
0x74: {  	_ =	shalt  }
0x75: {  	_ =	shalt  }
0x76: {  	_ =	shalt  }
0x77: {  	_ =	shalt  }
0x78: {  	_ =	shalt  }
0x79: {  	_ =	shalt  }
0x7a: {  	_ =	shalt  }
0x7b: {  	_ =	shalt  }
0x7c: {  	_ =	shalt  }
0x7d: {  	_ =	shalt  }
0x7e: {  	_ =	shalt  }
0x7f: {  	_ =	shalt  }
0x80: {  	_ =	shalt  }
0x81: {  	_ =	shalt  }
0x82: {  	_ =	shalt  }
0x83: {  	_ =	shalt  }
0x84: {  	_ =	shalt  }
0x85: {  	_ =	shalt  }
0x86: {  	_ =	shalt  }
0x87: {  	_ =	shalt  }
.Lfunc_end0:
.L_simem_size_0:
called_computation_lowered:
.L_overlay_start_0:
0x88: {  	s2 =	sld [smem:$0x3FD9]  }
0x89: {  	s3 =	sld [smem:$0x3FFE];
	_ =	sdelay $0x1  }
0x8a: {  	s1 =	srdreg.scid  }
0x8b: {  	s0 =	sand.u32 $0x1, s1  }
0x8c: {  	s17 =	sshll.u32 s0, $0xA;
	s2 =	sadd.s32 s3, s2  }
0x8d: {  	s2 =	sadd.s32 s2, s17  }
0x8e: {  	[smem:$0x3FC1] =	sst s2  }
0x8f: {  	_ = 	snop  }
0x90: {  	s2 =	sld [smem:$0x3FD0];
	(tm) =	ssettm $0x1  }
0x91: {  	s18 =	sld [smem:$0x3FFB];
	_ =	sdelay $0x3  }
0x92: {  	_ =	strace s18  }
0x93: {  	s3 =	sld [smem:$0x3FFC];
	_ =	sdelay $0x3  }
0x94: {  	_ =	strace s3  }
0x95: {  	s3 =	sld [smem:$0x3FFD];
	_ =	sdelay $0x3  }
0x96: {  	_ =	strace s3  }
0x97: {  	_ =	strace $0x8FFFFFFF  }
0x98: {  	s19 =	sld [smem:$0x3FDB];
	_ =	sdelay $0x1  }
0x99: {  	s4 =	simm.s32 $_scs_section_size  }
0x9a: {  	s5 =	simm.s32 $_size__tile_overlayer_lowered;
	s6 =	simm.s32 $_tile_overlayer_lowered  }
0x9b: {  	s22 =	simm.s32 $0x1BFF;
	s21 =	sshll.u32 s6, $0x1;
	s3 =	sadd.s32 s4, s19  }
0x9c: {  	s7 =	simm.s32 $0x0;
	s20 =	sshll.u32 s5, $0x1;
	s5 =	sadd.s32 s21, s3  }
0x9d: {  	[timem:s7], [sflag:s22] =	dma.local [hbm:s5], s20  }
0x9e: {  	_ =	swait.ge [sflag:s22], s20  }
0x9f: {  	s4 =	ssub.s32 $0x0, s20;
	[sflag:s22] =	ssyncset.done $0x0  }
0xa0: {  	[sflag:s22] =	ssyncadd.s32 s4;
	_ =	sdelay $0x1  }
0xa1: {  	s23 =	simm.s32 $0x1B8B  }
0xa2: {  	_ =	swait.ge [sflag:s23], $0x1  }
0xa3: {  	[sflag:s23] =	ssyncset.done $0x0  }
0xa4: {  	s25 =	simm.s32 $0x1B8E;
	s24 =	sld [smem:$0x3FFE];
	[sflag:s23] =	ssyncadd.s32 $0xFFFFFFFF  }
0xa5: {  	s26 =	simm.s32 $execute0_lowered;
	[smem:$0x3FD2] =	sst s25  }
0xa6: {  	s5 =	sshll.u32 s26, $0x1;
	_ =	strace $0x80000046;
	[dreg:$0x1] =	wrdreg $0xFFFFFFFF  }
0xa7: {  	s28 =	simm.s32 $_size_execute0_lowered;
	s3 =	sadd.s32 s3, s5;
	[dreg:$0x0] =	wrdreg $0x0  }
0xa8: {  	s5 =	sshll.u32 s28, $0x1;
	[dreg:$0x2] =	wrdreg s3  }
0xa9: {  	[dreg:$0x3] =	wrdreg s5  }
0xaa: {  	[dreg:$0x4] =	wrdreg $0xC0  }
0xab: {  	_ =	task [dreg:s7], $0x5FFFF  }
0xac: {  	[dreg:$0x1] =	wrdreg $0xFFFFFFFF  }
0xad: {  	[dreg:$0x0] =	wrdreg $0x60  }
0xae: {  	[dreg:$0x2] =	wrdreg s24  }
0xaf: {  	[dreg:$0x3] =	wrdreg s2  }
0xb0: {  	[dreg:$0x4] =	wrdreg $0x7B000  }
0xb1: {  	[dreg:$0x5] =	wrdreg $0x9  }
0xb2: {  	_ =	task.clear_ibuf [dreg:s7], $0x6FFFF;
	_ =	strace $0x90000046  }
0xb3: {  	s29 =	simm.s32 $0x9;
	_ =	strace $0x80000048  }
0xb4: {  	_ =	swait.ge [sflag:s29], $0x1  }
0xb5: {  	[sflag:s29] =	ssyncadd.s32 $0xFFFFFFFF  }
0xb6: {  	_ =	strace $0x90000048  }
0xb7: {  	_ =	sfence  }
0xb8: {  	s30 =	sld [smem:$0x0];
	_ =	sdelay $0x2  }
0xb9: {  	s31 =	sshll.u32 s1, $0xD;
	s1 =	sshrl.u32 s1, $0x2  }
0xba: {  	s3 =	sand.u32 $0x4000, s31;
	s1 =	sadd.s32 s1, s30  }
0xbb: {  	s0 =	sor.u32 s3, s0;
	s1 =	sshll.u32 s1, $0x11  }
0xbc: {  	s0 =	sor.u32 s1, s0  }
0xbd: {  	s0 =	sadd.s32 $0x8F2B, s0  }
0xbe: {  	[sflag:s0] =	ssyncadd.remote.s32 $0x1  }
0xbf: {  	_ =	sfence.sel $0xFFFF  }
0xc0: {  	[dreg:$0x0] =	wrdreg $0xFFFFFFFF;
	(pc) =	sbr.abs _section_cstart, $3  }
0xc1: {  	[dreg:$0x1] =	wrdreg $0xFFFFFFFF  }
0xc2: {  	_ =	task.clear_ibuf [dreg:s7], $0x2FFFF;
	_ =	strace $0x9FFFFFFF  }
0xc3: {  	(tm) =	ssettm $0x7FFFFFFF  }
tec
execute0_lowered:
.L_overlay_start_1:
0x0: {  	(tag) =	ssettag $0x1  }
0x1: {  	s0 =	srdreg.scid;
	s3 =	rddreg [dreg:$0x0]  }
0x2: {  	s11 =	stileid.u32;
	s1 =	rddreg [dreg:$0x1]  }
0x3: {  	s2 =	simm.s32 $0x0;
	s28 =	simm.s32 $0x5;
	s29 =	simm.s32 $0xA  }
0x4: {  	s30 =	simm.s32 $0x9;
	s31 =	simm.s32 $0x6;
	s5 =	smul.u32 $0x13C00, s11  }
0x5: {  	s0 =	sand.u32 $0x1, s0;
	[smem:$0x7FF] =	sst s2;
	s7 =	smul.u32 $0x2710, s11  }
0x6: {  	s6 =	sadd.s32 $0x2D800, s3;
	s8 =	sadd.s32 $0x28800, s3;
	s4 =	smul.u32 $0x13C000, s0  }
0x7: {  	s24 =	ssub.s32 $0x2, s0;
	p0 =	seq.s32 s0, $0x1;
	s7 =	sshrl.u32 s7, $0x3  }
0x8: {  	s9 =	sshrl.u32 s24, $0x1;
	s4 =	sadd.s32 s5, s4;
	s25 =	sadd.s32 $0xA, s7  }
0x9: {  	s5 =	ssub.s32 s24, s9;
	s12 =	sadd.s32 s6, s7;
	s10 =	sadd.s32 s6, s25  }
0xa: {  	s26 =	sadd.s32 $0x14, s7;
	s0 =	sadd.s32 s8, s25;
	[dreg:$0x6] =	wrdreg s10  }
0xb: {  	s13 =	sadd.s32 s8, s7;
	s14 =	sadd.s32 s6, s26;
	[dreg:$0x7] =	wrdreg s0  }
0xc: {  	s16 =	sadd.s32 $0x4A6, s7;
	s15 =	sadd.s32 s8, s26;
	[dreg:$0x8] =	wrdreg s14  }
0xd: {  	s17 =	sadd.s32 $0x4B0, s7;
	s18 =	sadd.s32 s6, s16;
	[dreg:$0x9] =	wrdreg s15  }
0xe: {  	s20 =	sadd.s32 $0x4BA, s7;
	s19 =	sadd.s32 s6, s17;
	[dreg:$0xa] =	wrdreg s18  }
0xf: {  	s22 =	sadd.s32 $0x4C4, s7;
	s21 =	sadd.s32 s6, s20;
	[dreg:$0xb] =	wrdreg s19  }
0x10: {  	s24 =	sadd.s32 $0x4CE, s7;
	s9 =	sadd.s32 s8, s17;
	[dreg:$0xd] =	wrdreg s21  }
0x11: {  	s4 =	sshrl.u32 s4, $0x3;
	s23 =	sadd.s32 s6, s22;
	[dreg:$0xe] =	wrdreg s9  }
0x12: {  	s25 =	sadd.s32 s6, s24;
	s26 =	sadd.s32 $0x4D8, s7;
	[dreg:$0xf] =	wrdreg s23  }
0x13: {  	s7 =	simm.s32 $0x80;
	s0 =	sadd.s32 s8, s16;
	[dreg:$0x11] =	wrdreg s25  }
0x14: {  	s10 =	sadd.s32 s8, s20;
	s14 =	smul.u32 $0x4E2, s11;
	[dreg:$0xc] =	wrdreg s0  }
0x15: {  	s15 =	sadd.s32 s6, s26;
	s16 =	smul.u32 $0x4F000, s11;
	[dreg:$0x10] =	wrdreg s10  }
0x16: {  	s4 =	sadd.s32 s4, s3;
	s25 =	sadd.s32 $0x1600, s3;
	[dreg:$0x14] =	wrdreg s15  }
0x17: {  	s3 =	sadd.s32 $0x32800, s3;
	s0 =	sadd.s32 s8, s22;
	s22 =	rddreg [dreg:$0x2]  }
0x18: {  	s18 =	smax.u32 s5, $0x1;
	s10 =	sadd.s32 s8, s24;
	[dreg:$0x12] =	wrdreg s0  }
0x19: {  	s19 =	sadd.s32 $0x1E, s12;
	[dreg:$0x13] =	wrdreg s10;
	s0 =	sadd.s32 s8, s26  }
0x1a: {  	s20 =	sadd.s32 $0x28, s12;
	s21 =	sadd.s32 $0x492, s13;
	[dreg:$0x15] =	wrdreg s0  }
0x1b: {  	s17 =	sadd.s32 $0x35000, s4;
	_ =	strace $0x80000047;
	[dreg:$0x16] =	wrdreg s3  }
0x1c: {  	s9 =	simm.s32 $0x100;
	s11 =	simm.s32 $0x1;
	[dreg:$0x18] =	wrdreg s17  }
0x1d: {  	s5 =	simm.s32 $0xD;
	s15 =	simm.s32 $0x2;
	[dreg:$0x19] =	wrdreg s18  }
0x1e: {  	s23 =	sadd.s32 s14, s6;
	s24 =	sadd.s32 s14, s8;
	[dreg:$0x1a] =	wrdreg s19  }
0x1f: {  	s26 =	sadd.s32 $0x49C, s13;
	s6 =	simm.s32 $0x180;
	[dreg:$0x4] =	wrdreg s12  }
0x20: {  	s8 =	simm.s32 $0x200;
	s10 =	simm.s32 $0x280;
	[dreg:$0x1b] =	wrdreg s20  }
0x21: {  	s14 =	simm.s32 $0x0;
	s0 =	sshrl.u32 s16, $0x2;
	[dreg:$0x1c] =	wrdreg s21  }
.Ltmp0:
0x22: {  	s16 =	simm.s32 $0x2B00;
	[dreg:$0x5] =	wrdreg s13;
	(pc) =	sbr.rel .LBB2_1-.Ltmp0, $4  }
0x23: {  	s0 =	sadd.s32 s0, s22;
	[dreg:$0x1d] =	wrdreg s26;
	s12 =	simm.s32 $0x50  }
0x24: {  	s13 =	simm.s32 $0x300;
	s17 =	simm.s32 $0x7;
	s19 =	simm.s32 $0x4  }
0x25: {  	s20 =	simm.s32 $0x3;
	s21 =	simm.s32 $0x5300;
	s26 =	simm.s32 $0x8  }
0x26: {  	s18 =	simm.s32 $0xB;
	[dreg:$0x17] =	wrdreg s0;
	s0 =	simm.s32 $0xC  }
.LBB2_7:
0x27: {  	[spmem:s22] =	stream.indirect.scatter.add.f32 [tilespmem:s16], [sflag:$0xB], $0x80, s8, s12, $0xb8;
	[tilespmem:$0x1B700] =	vst v63  }
0x28: {  	s3 =	smov.u32 s1;
	s5 =	simm.s32 $0xD  }
.LBB2_8:
0x29: {  	_ =	swait.ge [sflag:s29], $0x2800  }
0x2a: {  	[sflag:s29] =	ssyncset.done $0x0  }
0x2b: {  	s4 =	rddreg [dreg:$0x1c];
	[sflag:s29] =	ssyncadd.s32 $0xFFFFD800  }
0x2c: {  	[tilespmem:s6], [sflag:$0x4] =	stream.linear.gather [hbm4b:s4+s2], $0x50, $0x38;
	[tilespmem:$0x1B700] =	vst v63  }
0x2d: {  	_ =	swait.ge [sflag:s11], $0x50  }
0x2e: {  	[sflag:s11] =	ssyncset.done $0x0  }
0x2f: {  	[sflag:s11] =	ssyncadd.s32 $0xFFFFFFB0  }
0x30: {  	[tilespmem:s13], [sflag:$0x7] =	stream.indirect.gather [hbm4b:s3+s12], $0x80, s2, s12, $0xb8;
	[tilespmem:$0x1B700] =	vst v63  }
0x31: {  	_ =	swait.ge [sflag:s30], $0x2800  }
0x32: {  	[sflag:s30] =	ssyncset.done $0x0  }
0x33: {  	s14 =	rddreg [dreg:$0xa];
	[sflag:s30] =	ssyncadd.s32 $0xFFFFD800  }
0x34: {  	[tilespmem:s9], [sflag:$0x3] =	stream.linear.gather [hbm4b:s14+s2], $0x50, $0x38;
	[tilespmem:$0x1B700] =	vst v63  }
0x35: {  	_ =	swait.ge [sflag:s31], $0x50  }
0x36: {  	[sflag:s31] =	ssyncset.done $0x0  }
0x37: {  	[sflag:s31] =	ssyncadd.s32 $0xFFFFFFB0  }
0x38: {  	[spmem:s22] =	stream.indirect.scatter.add.f32 [tilespmem:s21], [sflag:$0xC], $0x80, s10, s12, $0xb8;
	[tilespmem:$0x1B700] =	vst v63  }
0x39: {  	_ =	swait.ge [sflag:s18], $0x2800  }
0x3a: {  	[sflag:s18] =	ssyncset.done $0x0  }
0x3b: {  	s14 =	rddreg [dreg:$0x1d];
	[sflag:s18] =	ssyncadd.s32 $0xFFFFD800  }
0x3c: {  	[tilespmem:s8], [sflag:$0x5] =	stream.linear.gather [hbm4b:s14+s2], $0x50, $0x38;
	[tilespmem:$0x1B700] =	vst v63  }
0x3d: {  	_ =	swait.ge [sflag:s15], $0x50  }
0x3e: {  	[sflag:s15] =	ssyncset.done $0x0  }
0x3f: {  	[sflag:s15] =	ssyncadd.s32 $0xFFFFFFB0  }
0x40: {  	[tilespmem:s16], [sflag:$0x8] =	stream.indirect.gather [hbm4b:s3+s12], $0x80, s7, s12, $0xb8;
	[tilespmem:$0x1B700] =	vst v63  }
0x41: {  	_ =	swait.ge [sflag:s17], $0x2800  }
0x42: {  	[sflag:s17] =	ssyncset.done $0x0  }
0x43: {  	s14 =	rddreg [dreg:$0xb];
	[sflag:s17] =	ssyncadd.s32 $0xFFFFD800  }
0x44: {  	[tilespmem:s2], [sflag:$0x1] =	stream.linear.gather [hbm4b:s14+s2], $0x50, $0x38;
	[tilespmem:$0x1B700] =	vst v63  }
0x45: {  	_ =	swait.ge [sflag:s19], $0x50  }
0x46: {  	[sflag:s19] =	ssyncset.done $0x0  }
0x47: {  	[sflag:s19] =	ssyncadd.s32 $0xFFFFFFB0  }
0x48: {  	[spmem:s22] =	stream.indirect.scatter.add.f32 [tilespmem:s13], [sflag:$0xA], $0x80, s6, s12, $0xb8;
	[tilespmem:$0x1B700] =	vst v63  }
0x49: {  	_ =	swait.ge [sflag:s0], $0x2800  }
0x4a: {  	[sflag:s0] =	ssyncset.done $0x0  }
0x4b: {  	s14 =	rddreg [dreg:$0xc];
	[sflag:s0] =	ssyncadd.s32 $0xFFFFD800  }
0x4c: {  	[tilespmem:s10], [sflag:$0x6] =	stream.linear.gather [hbm4b:s14+s2], $0x50, $0x38;
	[tilespmem:$0x1B700] =	vst v63  }
0x4d: {  	_ =	swait.ge [sflag:s20], $0x50  }
0x4e: {  	[sflag:s20] =	ssyncset.done $0x0  }
0x4f: {  	[sflag:s20] =	ssyncadd.s32 $0xFFFFFFB0  }
0x50: {  	[tilespmem:s21], [sflag:$0x9] =	stream.indirect.gather [hbm4b:s3+s12], $0x80, s9, s12, $0xb8;
	[tilespmem:$0x1B700] =	vst v63  }
0x51: {  	_ =	swait.ge [sflag:s26], $0x2800  }
0x52: {  	[sflag:s26] =	ssyncset.done $0x0  }
0x53: {  	s14 =	rddreg [dreg:$0xd];
	[sflag:s26] =	ssyncadd.s32 $0xFFFFD800  }
0x54: {  	[tilespmem:s7], [sflag:$0x2] =	stream.linear.gather [hbm4b:s14+s2], $0x50, $0x38;
	[tilespmem:$0x1B700] =	vst v63  }
0x55: {  	_ =	swait.ge [sflag:s28], $0x50  }
0x56: {  	[sflag:s28] =	ssyncset.done $0x0  }
0x57: {  	[sflag:s28] =	ssyncadd.s32 $0xFFFFFFB0  }
0x58: {  	[spmem:s22] =	stream.indirect.scatter.add.f32 [tilespmem:s16], [sflag:$0xB], $0x80, s8, s12, $0xb8;
	[tilespmem:$0x1B700] =	vst v63  }
0x59: {  	_ =	swait.ge [sflag:s29], $0x2800  }
0x5a: {  	[sflag:s29] =	ssyncset.done $0x0  }
0x5b: {  	s14 =	rddreg [dreg:$0xe];
	[sflag:s29] =	ssyncadd.s32 $0xFFFFD800  }
0x5c: {  	[tilespmem:s6], [sflag:$0x4] =	stream.linear.gather [hbm4b:s14+s2], $0x50, $0x38;
	[tilespmem:$0x1B700] =	vst v63  }
0x5d: {  	_ =	swait.ge [sflag:s11], $0x50  }
0x5e: {  	[sflag:s11] =	ssyncset.done $0x0  }
0x5f: {  	[sflag:s11] =	ssyncadd.s32 $0xFFFFFFB0  }
0x60: {  	[tilespmem:s13], [sflag:$0x7] =	stream.indirect.gather [hbm4b:s3+s12], $0x80, s2, s12, $0xb8;
	[tilespmem:$0x1B700] =	vst v63  }
0x61: {  	_ =	swait.ge [sflag:s30], $0x2800  }
0x62: {  	[sflag:s30] =	ssyncset.done $0x0  }
0x63: {  	s14 =	rddreg [dreg:$0xf];
	[sflag:s30] =	ssyncadd.s32 $0xFFFFD800  }
0x64: {  	[tilespmem:s9], [sflag:$0x3] =	stream.linear.gather [hbm4b:s14+s2], $0x50, $0x38;
	[tilespmem:$0x1B700] =	vst v63  }
0x65: {  	_ =	swait.ge [sflag:s31], $0x50  }
0x66: {  	[sflag:s31] =	ssyncset.done $0x0  }
0x67: {  	[sflag:s31] =	ssyncadd.s32 $0xFFFFFFB0  }
0x68: {  	[spmem:s22] =	stream.indirect.scatter.add.f32 [tilespmem:s21], [sflag:$0xC], $0x80, s10, s12, $0xb8;
	[tilespmem:$0x1B700] =	vst v63  }
0x69: {  	_ =	swait.ge [sflag:s18], $0x2800  }
0x6a: {  	[sflag:s18] =	ssyncset.done $0x0  }
0x6b: {  	s14 =	rddreg [dreg:$0x10];
	[sflag:s18] =	ssyncadd.s32 $0xFFFFD800  }
0x6c: {  	[tilespmem:s8], [sflag:$0x5] =	stream.linear.gather [hbm4b:s14+s2], $0x50, $0x38;
	[tilespmem:$0x1B700] =	vst v63  }
0x6d: {  	_ =	swait.ge [sflag:s15], $0x50  }
0x6e: {  	[sflag:s15] =	ssyncset.done $0x0  }
0x6f: {  	[sflag:s15] =	ssyncadd.s32 $0xFFFFFFB0  }
0x70: {  	[tilespmem:s16], [sflag:$0x8] =	stream.indirect.gather [hbm4b:s3+s12], $0x80, s7, s12, $0xb8;
	[tilespmem:$0x1B700] =	vst v63  }
0x71: {  	_ =	swait.ge [sflag:s17], $0x2800  }
0x72: {  	[sflag:s17] =	ssyncset.done $0x0  }
0x73: {  	s14 =	rddreg [dreg:$0x11];
	[sflag:s17] =	ssyncadd.s32 $0xFFFFD800  }
0x74: {  	[tilespmem:s2], [sflag:$0x1] =	stream.linear.gather [hbm4b:s14+s2], $0x50, $0x38;
	[tilespmem:$0x1B700] =	vst v63  }
0x75: {  	_ =	swait.ge [sflag:s19], $0x50  }
0x76: {  	[sflag:s19] =	ssyncset.done $0x0  }
0x77: {  	[sflag:s19] =	ssyncadd.s32 $0xFFFFFFB0  }
0x78: {  	[spmem:s22] =	stream.indirect.scatter.add.f32 [tilespmem:s13], [sflag:$0xA], $0x80, s6, s12, $0xb8;
	[tilespmem:$0x1B700] =	vst v63  }
0x79: {  	_ =	swait.ge [sflag:s0], $0x2800  }
0x7a: {  	[sflag:s0] =	ssyncset.done $0x0  }
0x7b: {  	s14 =	rddreg [dreg:$0x12];
	[sflag:s0] =	ssyncadd.s32 $0xFFFFD800  }
0x7c: {  	[tilespmem:s10], [sflag:$0x6] =	stream.linear.gather [hbm4b:s14+s2], $0x50, $0x38;
	[tilespmem:$0x1B700] =	vst v63  }
0x7d: {  	_ =	swait.ge [sflag:s20], $0x50  }
0x7e: {  	[sflag:s20] =	ssyncset.done $0x0  }
0x7f: {  	[sflag:s20] =	ssyncadd.s32 $0xFFFFFFB0  }
0x80: {  	[tilespmem:s21], [sflag:$0x9] =	stream.indirect.gather [hbm4b:s3+s12], $0x80, s9, s12, $0xb8;
	[tilespmem:$0x1B700] =	vst v63  }
0x81: {  	_ =	swait.ge [sflag:s26], $0x2800  }
0x82: {  	[sflag:s26] =	ssyncset.done $0x0  }
0x83: {  	s14 =	rddreg [dreg:$0x14];
	[sflag:s26] =	ssyncadd.s32 $0xFFFFD800  }
0x84: {  	[tilespmem:s7], [sflag:$0x2] =	stream.linear.gather [hbm4b:s14+s2], $0x50, $0x38;
	[tilespmem:$0x1B700] =	vst v63  }
0x85: {  	_ =	swait.ge [sflag:s28], $0x50  }
0x86: {  	[sflag:s28] =	ssyncset.done $0x0  }
0x87: {  	[sflag:s28] =	ssyncadd.s32 $0xFFFFFFB0  }
0x88: {  	[spmem:s22] =	stream.indirect.scatter.add.f32 [tilespmem:s16], [sflag:$0xB], $0x80, s8, s12, $0xb8;
	[tilespmem:$0x1B700] =	vst v63  }
0x89: {  	_ =	swait.ge [sflag:s29], $0x2800  }
0x8a: {  	[sflag:s29] =	ssyncset.done $0x0  }
0x8b: {  	s14 =	rddreg [dreg:$0x13];
	[sflag:s29] =	ssyncadd.s32 $0xFFFFD800  }
0x8c: {  	[tilespmem:s6], [sflag:$0x4] =	stream.linear.gather [hbm4b:s14+s2], $0x50, $0x38;
	[tilespmem:$0x1B700] =	vst v63  }
0x8d: {  	_ =	swait.ge [sflag:s11], $0x50  }
0x8e: {  	[sflag:s11] =	ssyncset.done $0x0  }
0x8f: {  	[sflag:s11] =	ssyncadd.s32 $0xFFFFFFB0  }
0x90: {  	[tilespmem:s13], [sflag:$0x7] =	stream.indirect.gather [hbm4b:s3+s12], $0x80, s2, s12, $0xb8;
	[tilespmem:$0x1B700] =	vst v63  }
0x91: {  	_ =	swait.ge [sflag:s30], $0x2800  }
0x92: {  	[sflag:s30] =	ssyncset.done $0x0  }
0x93: {  	[sflag:s30] =	ssyncadd.s32 $0xFFFFD800  }
0x94: {  	_ =	swait.ge [sflag:s31], $0x50  }
0x95: {  	[sflag:s31] =	ssyncset.done $0x0  }
0x96: {  	[sflag:s31] =	ssyncadd.s32 $0xFFFFFFB0  }
0x97: {  	[spmem:s22] =	stream.indirect.scatter.add.f32 [tilespmem:s21], [sflag:$0xC], $0x80, s10, s12, $0xb8;
	[tilespmem:$0x1B700] =	vst v63  }
0x98: {  	_ =	swait.ge [sflag:s18], $0x2800  }
0x99: {  	[sflag:s18] =	ssyncset.done $0x0  }
0x9a: {  	s14 =	rddreg [dreg:$0x15];
	[sflag:s18] =	ssyncadd.s32 $0xFFFFD800  }
0x9b: {  	[tilespmem:s8], [sflag:$0x5] =	stream.linear.gather [hbm4b:s14+s2], $0x50, $0x38;
	[tilespmem:$0x1B700] =	vst v63  }
0x9c: {  	_ =	swait.ge [sflag:s15], $0x50  }
0x9d: {  	[sflag:s15] =	ssyncset.done $0x0  }
0x9e: {  	[sflag:s15] =	ssyncadd.s32 $0xFFFFFFB0  }
0x9f: {  	[tilespmem:s16], [sflag:$0x8] =	stream.indirect.gather [hbm4b:s3+s12], $0x80, s7, s12, $0xb8;
	[tilespmem:$0x1B700] =	vst v63  }
0xa0: {  	_ =	swait.ge [sflag:s17], $0x2800  }
0xa1: {  	[sflag:s17] =	ssyncset.done $0x0  }
0xa2: {  	[sflag:s17] =	ssyncadd.s32 $0xFFFFD800  }
0xa3: {  	_ =	swait.ge [sflag:s19], $0x50  }
0xa4: {  	[sflag:s19] =	ssyncset.done $0x0  }
0xa5: {  	[sflag:s19] =	ssyncadd.s32 $0xFFFFFFB0  }
0xa6: {  	[spmem:s22] =	stream.indirect.scatter.add.f32 [tilespmem:s13], [sflag:$0xA], $0x80, s6, s12, $0xb8;
	[tilespmem:$0x1B700] =	vst v63  }
0xa7: {  	_ =	swait.ge [sflag:s0], $0x2800  }
0xa8: {  	[sflag:s0] =	ssyncset.done $0x0  }
0xa9: {  	[sflag:s0] =	ssyncadd.s32 $0xFFFFD800  }
0xaa: {  	_ =	swait.ge [sflag:s26], $0x2800  }
0xab: {  	[sflag:s26] =	ssyncset.done $0x0  }
0xac: {  	[sflag:s26] =	ssyncadd.s32 $0xFFFFD800  }
0xad: {  	_ =	swait.ge [sflag:s28], $0x50  }
0xae: {  	[sflag:s28] =	ssyncset.done $0x0  }
0xaf: {  	[sflag:s28] =	ssyncadd.s32 $0xFFFFFFB0  }
0xb0: {  	[spmem:s22] =	stream.indirect.scatter.add.f32 [tilespmem:s16], [sflag:$0xB], $0x80, s8, s12, $0xb8;
	[tilespmem:$0x1B700] =	vst v63  }
0xb1: {  	_ =	swait.ge [sflag:s29], $0x2800  }
0xb2: {  	[sflag:s29] =	ssyncset.done $0x0  }
0xb3: {  	[sflag:s29] =	ssyncadd.s32 $0xFFFFD800  }
0xb4: {  	_ =	swait.ge [sflag:s18], $0x2800  }
0xb5: {  	[sflag:s18] =	ssyncset.done $0x0  }
0xb6: {  	[sflag:s18] =	ssyncadd.s32 $0xFFFFD800  }
0xb7: {  	[bflag:$0x0] =	sbarrier.arrive $0xFFFF  }
0xb8: {  	s14 =	sld [smem:$0x7FD]  }
0xb9: {  	s3 =	rddreg [dreg:$0x18]  }
0xba: {  	s4 =	rddreg [dreg:$0x1f]  }
0xbb: {  	[hbm:s3], [sflag:s4] =	dma.local [spmem:s14], $0x2780  }
0xbc: {  	_ =	swait.ge [sflag:s5], $0x2780  }
0xbd: {  	s3 =	rddreg [dreg:$0x1e]  }
0xbe: {  	s4 =	rddreg [dreg:$0x19];
	s14 =	sadd.s32 $0x1, s3  }
0xbf: {  	p1 =	sne.s32 s14, s4  }
.Ltmp1:
0xc0: {  	_ = 	snop;
	(pc) =	sbr.rel @!p1 .LBB2_9-.Ltmp1, $3  }
0xc1: {  	_ =	sdelay $0x1  }
0xc2: {  	[sflag:s5] =	ssyncset.done $0x0  }
0xc3: {  	[sflag:s5] =	ssyncadd.s32 $0xFFFFD880  }
.LBB2_1:
0xc4: {  	[dreg:$0x1e] =	wrdreg s14  }
0xc5: {  	s3 =	rddreg [dreg:$0x4]  }
0xc6: {  	[tilespmem:s2], [sflag:$0x1] =	stream.linear.gather [hbm4b:s3+s2], $0x50, $0x38;
	[tilespmem:$0x1B700] =	vst v63  }
0xc7: {  	s4 =	rddreg [dreg:$0x5]  }
0xc8: {  	[tilespmem:s6], [sflag:$0x4] =	stream.linear.gather [hbm4b:s4+s2], $0x50, $0x38;
	[tilespmem:$0x1B700] =	vst v63  }
0xc9: {  	s14 =	rddreg [dreg:$0x6]  }
0xca: {  	[tilespmem:s7], [sflag:$0x2] =	stream.linear.gather [hbm4b:s14+s2], $0x50, $0x38;
	[tilespmem:$0x1B700] =	vst v63  }
0xcb: {  	s4 =	rddreg [dreg:$0x7]  }
0xcc: {  	[tilespmem:s8], [sflag:$0x5] =	stream.linear.gather [hbm4b:s4+s2], $0x50, $0x38;
	[tilespmem:$0x1B700] =	vst v63  }
0xcd: {  	s14 =	rddreg [dreg:$0x8]  }
0xce: {  	[tilespmem:s9], [sflag:$0x3] =	stream.linear.gather [hbm4b:s14+s2], $0x50, $0x38;
	[tilespmem:$0x1B700] =	vst v63  }
0xcf: {  	s4 =	rddreg [dreg:$0x9]  }
0xd0: {  	[tilespmem:s10], [sflag:$0x6] =	stream.linear.gather [hbm4b:s4+s2], $0x50, $0x38;
	[tilespmem:$0x1B700] =	vst v63  }
.Ltmp2:
0xd1: {  	s14 =	stileid.u32;
	(pc) =	sbr.rel @!p0 .LBB2_2-.Ltmp2, $4  }
0xd2: {  	s3 =	sshll.u32 s14, $0x6;
	_ =	swait.ge [sflag:s11], $0x50  }
0xd3: {  	s14 =	sor.u32 $0x1C0D, s3;
	s4 =	rddreg [dreg:$0x17]  }
0xd4: {  	[dreg:$0x1f] =	wrdreg s14;
	[sflag:s11] =	ssyncset.done $0x0;
	s3 =	sshrl.u32 s4, $0x3  }
0xd5: {  	[sflag:s11] =	ssyncadd.s32 $0xFFFFFFB0;
	s4 =	simm.s32 $0x0;
	[smem:$0x7FD] =	sst s3  }
0xd6: {  	[tilespmem:s13], [sflag:$0x7] =	stream.indirect.gather [hbm4b:s1+s12], $0x80, s4, s12, $0xb8;
	[tilespmem:$0x1B700] =	vst v63  }
0xd7: {  	s4 =	rddreg [dreg:$0x16]  }
0xd8: {  	[spmem:s3], [sflag:s14] =	dma.local [hbm:s4], $0x2780  }
0xd9: {  	_ =	swait.ge [sflag:s5], $0x2780  }
0xda: {  	[sflag:s5] =	ssyncset.done $0x0  }
0xdb: {  	[sflag:s5] =	ssyncadd.s32 $0xFFFFD880  }
0xdc: {  	[bflag:$0x0] =	sbarrier.arrive $0xFFFF  }
0xdd: {  	_ =	swait.ge [sflag:s15], $0x50  }
0xde: {  	[sflag:s15] =	ssyncset.done $0x0  }
0xdf: {  	[sflag:s15] =	ssyncadd.s32 $0xFFFFFFB0  }
0xe0: {  	[tilespmem:s16], [sflag:$0x8] =	stream.indirect.gather [hbm4b:s1+s12], $0x80, s7, s12, $0xb8;
	[tilespmem:$0x1B700] =	vst v63  }
0xe1: {  	_ =	swait.ge [sflag:s17], $0x2800  }
0xe2: {  	[sflag:s17] =	ssyncset.done $0x0  }
0xe3: {  	s5 =	simm.s32 $0x0;
	s3 =	rddreg [dreg:$0x1a];
	[sflag:s17] =	ssyncadd.s32 $0xFFFFD800  }
0xe4: {  	[tilespmem:s5], [sflag:$0x1] =	stream.linear.gather [hbm4b:s3+s5], $0x50, $0x38;
	[tilespmem:$0x1B700] =	vst v63  }
0xe5: {  	_ =	swait.ge [sflag:s19], $0x50  }
0xe6: {  	[sflag:s19] =	ssyncset.done $0x0  }
0xe7: {  	[sflag:s19] =	ssyncadd.s32 $0xFFFFFFB0  }
0xe8: {  	[spmem:s22] =	stream.indirect.scatter.add.f32 [tilespmem:s13], [sflag:$0xA], $0x80, s6, s12, $0xb8;
	[tilespmem:$0x1B700] =	vst v63  }
0xe9: {  	_ =	swait.ge [sflag:s20], $0x50  }
0xea: {  	[sflag:s20] =	ssyncset.done $0x0  }
0xeb: {  	[sflag:s20] =	ssyncadd.s32 $0xFFFFFFB0  }
0xec: {  	[tilespmem:s21], [sflag:$0x9] =	stream.indirect.gather [hbm4b:s1+s12], $0x80, s9, s12, $0xb8;
	[tilespmem:$0x1B700] =	vst v63  }
0xed: {  	_ =	swait.ge [sflag:s26], $0x2800  }
0xee: {  	[sflag:s26] =	ssyncset.done $0x0  }
0xef: {  	s14 =	rddreg [dreg:$0x1b];
	[sflag:s26] =	ssyncadd.s32 $0xFFFFD800  }
0xf0: {  	[tilespmem:s7], [sflag:$0x2] =	stream.linear.gather [hbm4b:s14+s5], $0x50, $0x38;
	[tilespmem:$0x1B700] =	vst v63  }
0xf1: {  	_ =	swait.ge [sflag:s28], $0x50  }
0xf2: {  	[sflag:s28] =	ssyncset.done $0x0  }
0xf3: {  	[sflag:s28] =	ssyncadd.s32 $0xFFFFFFB0  }
0xf4: {  	[spmem:s22] =	stream.indirect.scatter.add.f32 [tilespmem:s16], [sflag:$0xB], $0x80, s8, s12, $0xb8;
	[tilespmem:$0x1B700] =	vst v63  }
0xf5: {  	_ =	swait.ge [sflag:s29], $0x2800  }
0xf6: {  	s3 =	sadd.s32 $0x0, s24;
	[sflag:s29] =	ssyncset.done $0x0  }
0xf7: {  	s5 =	sadd.s32 $0x1E, s3;
	[sflag:s29] =	ssyncadd.s32 $0xFFFFD800  }
0xf8: {  	[tilespmem:s6], [sflag:$0x4] =	stream.linear.gather [hbm4b:s5+s2], $0x50, $0x38;
	[tilespmem:$0x1B700] =	vst v63  }
0xf9: {  	_ =	swait.ge [sflag:s11], $0x50  }
0xfa: {  	[sflag:s11] =	ssyncset.done $0x0  }
0xfb: {  	[sflag:s11] =	ssyncadd.s32 $0xFFFFFFB0  }
0xfc: {  	[tilespmem:s13], [sflag:$0x7] =	stream.indirect.gather [hbm4b:s1+s12], $0x80, s2, s12, $0xb8;
	[tilespmem:$0x1B700] =	vst v63  }
0xfd: {  	_ =	swait.ge [sflag:s30], $0x2800  }
0xfe: {  	s4 =	sadd.s32 $0x0, s23;
	[sflag:s30] =	ssyncset.done $0x0  }
0xff: {  	s14 =	sadd.s32 $0x32, s4;
	[sflag:s30] =	ssyncadd.s32 $0xFFFFD800  }
0x100: {  	[tilespmem:s9], [sflag:$0x3] =	stream.linear.gather [hbm4b:s14+s2], $0x50, $0x38;
	[tilespmem:$0x1B700] =	vst v63  }
0x101: {  	_ =	swait.ge [sflag:s31], $0x50  }
0x102: {  	[sflag:s31] =	ssyncset.done $0x0  }
0x103: {  	[sflag:s31] =	ssyncadd.s32 $0xFFFFFFB0  }
0x104: {  	[spmem:s22] =	stream.indirect.scatter.add.f32 [tilespmem:s21], [sflag:$0xC], $0x80, s10, s12, $0xb8;
	[tilespmem:$0x1B700] =	vst v63  }
0x105: {  	_ =	swait.ge [sflag:s18], $0x2800  }
0x106: {  	[sflag:s18] =	ssyncset.done $0x0  }
0x107: {  	s14 =	sadd.s32 $0x28, s3;
	[sflag:s18] =	ssyncadd.s32 $0xFFFFD800  }
0x108: {  	[tilespmem:s8], [sflag:$0x5] =	stream.linear.gather [hbm4b:s14+s2], $0x50, $0x38;
	[tilespmem:$0x1B700] =	vst v63  }
0x109: {  	_ =	swait.ge [sflag:s15], $0x50  }
0x10a: {  	[sflag:s15] =	ssyncset.done $0x0  }
0x10b: {  	[sflag:s15] =	ssyncadd.s32 $0xFFFFFFB0  }
0x10c: {  	[tilespmem:s16], [sflag:$0x8] =	stream.indirect.gather [hbm4b:s1+s12], $0x80, s7, s12, $0xb8;
	[tilespmem:$0x1B700] =	vst v63  }
0x10d: {  	_ =	swait.ge [sflag:s17], $0x2800  }
0x10e: {  	[sflag:s17] =	ssyncset.done $0x0  }
0x10f: {  	s14 =	sadd.s32 $0x3C, s4;
	[sflag:s17] =	ssyncadd.s32 $0xFFFFD800  }
0x110: {  	[tilespmem:s2], [sflag:$0x1] =	stream.linear.gather [hbm4b:s14+s2], $0x50, $0x38;
	[tilespmem:$0x1B700] =	vst v63  }
0x111: {  	_ =	swait.ge [sflag:s19], $0x50  }
0x112: {  	[sflag:s19] =	ssyncset.done $0x0  }
0x113: {  	[sflag:s19] =	ssyncadd.s32 $0xFFFFFFB0  }
0x114: {  	[spmem:s22] =	stream.indirect.scatter.add.f32 [tilespmem:s13], [sflag:$0xA], $0x80, s6, s12, $0xb8;
	[tilespmem:$0x1B700] =	vst v63  }
0x115: {  	_ =	swait.ge [sflag:s0], $0x2800  }
0x116: {  	[sflag:s0] =	ssyncset.done $0x0  }
0x117: {  	s14 =	sadd.s32 $0x32, s3;
	[sflag:s0] =	ssyncadd.s32 $0xFFFFD800  }
0x118: {  	[tilespmem:s10], [sflag:$0x6] =	stream.linear.gather [hbm4b:s14+s2], $0x50, $0x38;
	[tilespmem:$0x1B700] =	vst v63  }
0x119: {  	_ =	swait.ge [sflag:s20], $0x50  }
0x11a: {  	[sflag:s20] =	ssyncset.done $0x0  }
0x11b: {  	[sflag:s20] =	ssyncadd.s32 $0xFFFFFFB0  }
0x11c: {  	[tilespmem:s21], [sflag:$0x9] =	stream.indirect.gather [hbm4b:s1+s12], $0x80, s9, s12, $0xb8;
	[tilespmem:$0x1B700] =	vst v63  }
0x11d: {  	_ =	swait.ge [sflag:s26], $0x2800  }
0x11e: {  	[sflag:s26] =	ssyncset.done $0x0  }
0x11f: {  	s14 =	sadd.s32 $0x46, s4;
	[sflag:s26] =	ssyncadd.s32 $0xFFFFD800  }
0x120: {  	[tilespmem:s7], [sflag:$0x2] =	stream.linear.gather [hbm4b:s14+s2], $0x50, $0x38;
	[tilespmem:$0x1B700] =	vst v63  }
0x121: {  	_ =	swait.ge [sflag:s28], $0x50  }
0x122: {  	[sflag:s28] =	ssyncset.done $0x0  }
0x123: {  	[sflag:s28] =	ssyncadd.s32 $0xFFFFFFB0  }
0x124: {  	[spmem:s22] =	stream.indirect.scatter.add.f32 [tilespmem:s16], [sflag:$0xB], $0x80, s8, s12, $0xb8;
	[tilespmem:$0x1B700] =	vst v63  }
0x125: {  	_ =	swait.ge [sflag:s29], $0x2800  }
0x126: {  	[sflag:s29] =	ssyncset.done $0x0  }
0x127: {  	s14 =	sadd.s32 $0x3C, s3;
	[sflag:s29] =	ssyncadd.s32 $0xFFFFD800  }
0x128: {  	[tilespmem:s6], [sflag:$0x4] =	stream.linear.gather [hbm4b:s14+s2], $0x50, $0x38;
	[tilespmem:$0x1B700] =	vst v63  }
0x129: {  	_ =	swait.ge [sflag:s11], $0x50  }
0x12a: {  	[sflag:s11] =	ssyncset.done $0x0  }
0x12b: {  	[sflag:s11] =	ssyncadd.s32 $0xFFFFFFB0  }
0x12c: {  	[tilespmem:s13], [sflag:$0x7] =	stream.indirect.gather [hbm4b:s1+s12], $0x80, s2, s12, $0xb8;
	[tilespmem:$0x1B700] =	vst v63  }
0x12d: {  	_ =	swait.ge [sflag:s30], $0x2800  }
0x12e: {  	[sflag:s30] =	ssyncset.done $0x0  }
0x12f: {  	s14 =	sadd.s32 $0x50, s4;
	[sflag:s30] =	ssyncadd.s32 $0xFFFFD800  }
0x130: {  	[tilespmem:s9], [sflag:$0x3] =	stream.linear.gather [hbm4b:s14+s2], $0x50, $0x38;
	[tilespmem:$0x1B700] =	vst v63  }
0x131: {  	_ =	swait.ge [sflag:s31], $0x50  }
0x132: {  	[sflag:s31] =	ssyncset.done $0x0  }
0x133: {  	[sflag:s31] =	ssyncadd.s32 $0xFFFFFFB0  }
0x134: {  	[spmem:s22] =	stream.indirect.scatter.add.f32 [tilespmem:s21], [sflag:$0xC], $0x80, s10, s12, $0xb8;
	[tilespmem:$0x1B700] =	vst v63  }
0x135: {  	_ =	swait.ge [sflag:s18], $0x2800  }
0x136: {  	[sflag:s18] =	ssyncset.done $0x0  }
0x137: {  	s14 =	sadd.s32 $0x46, s3;
	[sflag:s18] =	ssyncadd.s32 $0xFFFFD800  }
0x138: {  	[tilespmem:s8], [sflag:$0x5] =	stream.linear.gather [hbm4b:s14+s2], $0x50, $0x38;
	[tilespmem:$0x1B700] =	vst v63  }
0x139: {  	_ =	swait.ge [sflag:s15], $0x50  }
0x13a: {  	[sflag:s15] =	ssyncset.done $0x0  }
0x13b: {  	[sflag:s15] =	ssyncadd.s32 $0xFFFFFFB0  }
0x13c: {  	[tilespmem:s16], [sflag:$0x8] =	stream.indirect.gather [hbm4b:s1+s12], $0x80, s7, s12, $0xb8;
	[tilespmem:$0x1B700] =	vst v63  }
0x13d: {  	_ =	swait.ge [sflag:s17], $0x2800  }
0x13e: {  	[sflag:s17] =	ssyncset.done $0x0  }
0x13f: {  	s14 =	sadd.s32 $0x5A, s4;
	[sflag:s17] =	ssyncadd.s32 $0xFFFFD800  }
0x140: {  	[tilespmem:s2], [sflag:$0x1] =	stream.linear.gather [hbm4b:s14+s2], $0x50, $0x38;
	[tilespmem:$0x1B700] =	vst v63  }
0x141: {  	_ =	swait.ge [sflag:s19], $0x50  }
0x142: {  	[sflag:s19] =	ssyncset.done $0x0  }
0x143: {  	[sflag:s19] =	ssyncadd.s32 $0xFFFFFFB0  }
0x144: {  	[spmem:s22] =	stream.indirect.scatter.add.f32 [tilespmem:s13], [sflag:$0xA], $0x80, s6, s12, $0xb8;
	[tilespmem:$0x1B700] =	vst v63  }
0x145: {  	_ =	swait.ge [sflag:s0], $0x2800  }
0x146: {  	[sflag:s0] =	ssyncset.done $0x0  }
0x147: {  	s3 =	sadd.s32 $0x50, s3;
	[sflag:s0] =	ssyncadd.s32 $0xFFFFD800  }
0x148: {  	[tilespmem:s10], [sflag:$0x6] =	stream.linear.gather [hbm4b:s3+s2], $0x50, $0x38;
	[tilespmem:$0x1B700] =	vst v63  }
0x149: {  	_ =	swait.ge [sflag:s20], $0x50  }
0x14a: {  	[sflag:s20] =	ssyncset.done $0x0  }
0x14b: {  	[sflag:s20] =	ssyncadd.s32 $0xFFFFFFB0  }
0x14c: {  	[tilespmem:s21], [sflag:$0x9] =	stream.indirect.gather [hbm4b:s1+s12], $0x80, s9, s12, $0xb8;
	[tilespmem:$0x1B700] =	vst v63  }
0x14d: {  	_ =	swait.ge [sflag:s26], $0x2800  }
0x14e: {  	[sflag:s26] =	ssyncset.done $0x0  }
0x14f: {  	s14 =	sadd.s32 $0x64, s4;
	[sflag:s26] =	ssyncadd.s32 $0xFFFFD800  }
0x150: {  	[tilespmem:s7], [sflag:$0x2] =	stream.linear.gather [hbm4b:s14+s2], $0x50, $0x38;
	[tilespmem:$0x1B700] =	vst v63  }
0x151: {  	_ =	swait.ge [sflag:s28], $0x50  }
0x152: {  	[sflag:s28] =	ssyncset.done $0x0  }
0x153: {  	s14 =	simm.s32 $0x3C;
	[sflag:s28] =	ssyncadd.s32 $0xFFFFFFB0  }
.LBB2_6:
0x154: {  	[spmem:s22] =	stream.indirect.scatter.add.f32 [tilespmem:s16], [sflag:$0xB], $0x80, s8, s12, $0xb8;
	[tilespmem:$0x1B700] =	vst v63  }
0x155: {  	s4 =	smov.u32 s14  }
0x156: {  	p1 =	sne.s32 s14, $0x438;
	s14 =	sadd.s32 $0x3C, s14;
	_ =	swait.ge [sflag:s29], $0x2800  }
0x157: {  	s3 =	sadd.s32 s4, s24;
	[sflag:s29] =	ssyncset.done $0x0  }
0x158: {  	s5 =	sadd.s32 $0x1E, s3;
	[sflag:s29] =	ssyncadd.s32 $0xFFFFD800  }
0x159: {  	[tilespmem:s6], [sflag:$0x4] =	stream.linear.gather [hbm4b:s5+s2], $0x50, $0x38;
	[tilespmem:$0x1B700] =	vst v63  }
0x15a: {  	_ =	swait.ge [sflag:s11], $0x50  }
0x15b: {  	[sflag:s11] =	ssyncset.done $0x0  }
0x15c: {  	[sflag:s11] =	ssyncadd.s32 $0xFFFFFFB0  }
0x15d: {  	[tilespmem:s13], [sflag:$0x7] =	stream.indirect.gather [hbm4b:s1+s12], $0x80, s2, s12, $0xb8;
	[tilespmem:$0x1B700] =	vst v63  }
0x15e: {  	_ =	swait.ge [sflag:s30], $0x2800  }
0x15f: {  	s4 =	sadd.s32 s4, s23;
	[sflag:s30] =	ssyncset.done $0x0  }
0x160: {  	s5 =	sadd.s32 $0x32, s4;
	[sflag:s30] =	ssyncadd.s32 $0xFFFFD800  }
0x161: {  	[tilespmem:s9], [sflag:$0x3] =	stream.linear.gather [hbm4b:s5+s2], $0x50, $0x38;
	[tilespmem:$0x1B700] =	vst v63  }
0x162: {  	_ =	swait.ge [sflag:s31], $0x50  }
0x163: {  	[sflag:s31] =	ssyncset.done $0x0  }
0x164: {  	[sflag:s31] =	ssyncadd.s32 $0xFFFFFFB0  }
0x165: {  	[spmem:s22] =	stream.indirect.scatter.add.f32 [tilespmem:s21], [sflag:$0xC], $0x80, s10, s12, $0xb8;
	[tilespmem:$0x1B700] =	vst v63  }
0x166: {  	_ =	swait.ge [sflag:s18], $0x2800  }
0x167: {  	[sflag:s18] =	ssyncset.done $0x0  }
0x168: {  	s5 =	sadd.s32 $0x28, s3;
	[sflag:s18] =	ssyncadd.s32 $0xFFFFD800  }
0x169: {  	[tilespmem:s8], [sflag:$0x5] =	stream.linear.gather [hbm4b:s5+s2], $0x50, $0x38;
	[tilespmem:$0x1B700] =	vst v63  }
0x16a: {  	_ =	swait.ge [sflag:s15], $0x50  }
0x16b: {  	[sflag:s15] =	ssyncset.done $0x0  }
0x16c: {  	[sflag:s15] =	ssyncadd.s32 $0xFFFFFFB0  }
0x16d: {  	[tilespmem:s16], [sflag:$0x8] =	stream.indirect.gather [hbm4b:s1+s12], $0x80, s7, s12, $0xb8;
	[tilespmem:$0x1B700] =	vst v63  }
0x16e: {  	_ =	swait.ge [sflag:s17], $0x2800  }
0x16f: {  	[sflag:s17] =	ssyncset.done $0x0  }
0x170: {  	s5 =	sadd.s32 $0x3C, s4;
	[sflag:s17] =	ssyncadd.s32 $0xFFFFD800  }
0x171: {  	[tilespmem:s2], [sflag:$0x1] =	stream.linear.gather [hbm4b:s5+s2], $0x50, $0x38;
	[tilespmem:$0x1B700] =	vst v63  }
0x172: {  	_ =	swait.ge [sflag:s19], $0x50  }
0x173: {  	[sflag:s19] =	ssyncset.done $0x0  }
0x174: {  	[sflag:s19] =	ssyncadd.s32 $0xFFFFFFB0  }
0x175: {  	[spmem:s22] =	stream.indirect.scatter.add.f32 [tilespmem:s13], [sflag:$0xA], $0x80, s6, s12, $0xb8;
	[tilespmem:$0x1B700] =	vst v63  }
0x176: {  	_ =	swait.ge [sflag:s0], $0x2800  }
0x177: {  	[sflag:s0] =	ssyncset.done $0x0  }
0x178: {  	s5 =	sadd.s32 $0x32, s3;
	[sflag:s0] =	ssyncadd.s32 $0xFFFFD800  }
0x179: {  	[tilespmem:s10], [sflag:$0x6] =	stream.linear.gather [hbm4b:s5+s2], $0x50, $0x38;
	[tilespmem:$0x1B700] =	vst v63  }
0x17a: {  	_ =	swait.ge [sflag:s20], $0x50  }
0x17b: {  	[sflag:s20] =	ssyncset.done $0x0  }
0x17c: {  	[sflag:s20] =	ssyncadd.s32 $0xFFFFFFB0  }
0x17d: {  	[tilespmem:s21], [sflag:$0x9] =	stream.indirect.gather [hbm4b:s1+s12], $0x80, s9, s12, $0xb8;
	[tilespmem:$0x1B700] =	vst v63  }
0x17e: {  	_ =	swait.ge [sflag:s26], $0x2800  }
0x17f: {  	[sflag:s26] =	ssyncset.done $0x0  }
0x180: {  	s5 =	sadd.s32 $0x46, s4;
	[sflag:s26] =	ssyncadd.s32 $0xFFFFD800  }
0x181: {  	[tilespmem:s7], [sflag:$0x2] =	stream.linear.gather [hbm4b:s5+s2], $0x50, $0x38;
	[tilespmem:$0x1B700] =	vst v63  }
0x182: {  	_ =	swait.ge [sflag:s28], $0x50  }
0x183: {  	[sflag:s28] =	ssyncset.done $0x0  }
0x184: {  	[sflag:s28] =	ssyncadd.s32 $0xFFFFFFB0  }
0x185: {  	[spmem:s22] =	stream.indirect.scatter.add.f32 [tilespmem:s16], [sflag:$0xB], $0x80, s8, s12, $0xb8;
	[tilespmem:$0x1B700] =	vst v63  }
0x186: {  	_ =	swait.ge [sflag:s29], $0x2800  }
0x187: {  	[sflag:s29] =	ssyncset.done $0x0  }
0x188: {  	s5 =	sadd.s32 $0x3C, s3;
	[sflag:s29] =	ssyncadd.s32 $0xFFFFD800  }
0x189: {  	[tilespmem:s6], [sflag:$0x4] =	stream.linear.gather [hbm4b:s5+s2], $0x50, $0x38;
	[tilespmem:$0x1B700] =	vst v63  }
0x18a: {  	_ =	swait.ge [sflag:s11], $0x50  }
0x18b: {  	[sflag:s11] =	ssyncset.done $0x0  }
0x18c: {  	[sflag:s11] =	ssyncadd.s32 $0xFFFFFFB0  }
0x18d: {  	[tilespmem:s13], [sflag:$0x7] =	stream.indirect.gather [hbm4b:s1+s12], $0x80, s2, s12, $0xb8;
	[tilespmem:$0x1B700] =	vst v63  }
0x18e: {  	_ =	swait.ge [sflag:s30], $0x2800  }
0x18f: {  	[sflag:s30] =	ssyncset.done $0x0  }
0x190: {  	s5 =	sadd.s32 $0x50, s4;
	[sflag:s30] =	ssyncadd.s32 $0xFFFFD800  }
0x191: {  	[tilespmem:s9], [sflag:$0x3] =	stream.linear.gather [hbm4b:s5+s2], $0x50, $0x38;
	[tilespmem:$0x1B700] =	vst v63  }
0x192: {  	_ =	swait.ge [sflag:s31], $0x50  }
0x193: {  	[sflag:s31] =	ssyncset.done $0x0  }
0x194: {  	[sflag:s31] =	ssyncadd.s32 $0xFFFFFFB0  }
0x195: {  	[spmem:s22] =	stream.indirect.scatter.add.f32 [tilespmem:s21], [sflag:$0xC], $0x80, s10, s12, $0xb8;
	[tilespmem:$0x1B700] =	vst v63  }
0x196: {  	_ =	swait.ge [sflag:s18], $0x2800  }
0x197: {  	[sflag:s18] =	ssyncset.done $0x0  }
0x198: {  	s5 =	sadd.s32 $0x46, s3;
	[sflag:s18] =	ssyncadd.s32 $0xFFFFD800  }
0x199: {  	[tilespmem:s8], [sflag:$0x5] =	stream.linear.gather [hbm4b:s5+s2], $0x50, $0x38;
	[tilespmem:$0x1B700] =	vst v63  }
0x19a: {  	_ =	swait.ge [sflag:s15], $0x50  }
0x19b: {  	[sflag:s15] =	ssyncset.done $0x0  }
0x19c: {  	[sflag:s15] =	ssyncadd.s32 $0xFFFFFFB0  }
0x19d: {  	[tilespmem:s16], [sflag:$0x8] =	stream.indirect.gather [hbm4b:s1+s12], $0x80, s7, s12, $0xb8;
	[tilespmem:$0x1B700] =	vst v63  }
0x19e: {  	_ =	swait.ge [sflag:s17], $0x2800  }
0x19f: {  	[sflag:s17] =	ssyncset.done $0x0  }
0x1a0: {  	s5 =	sadd.s32 $0x5A, s4;
	[sflag:s17] =	ssyncadd.s32 $0xFFFFD800  }
0x1a1: {  	[tilespmem:s2], [sflag:$0x1] =	stream.linear.gather [hbm4b:s5+s2], $0x50, $0x38;
	[tilespmem:$0x1B700] =	vst v63  }
0x1a2: {  	_ =	swait.ge [sflag:s19], $0x50  }
0x1a3: {  	[sflag:s19] =	ssyncset.done $0x0  }
0x1a4: {  	[sflag:s19] =	ssyncadd.s32 $0xFFFFFFB0  }
0x1a5: {  	[spmem:s22] =	stream.indirect.scatter.add.f32 [tilespmem:s13], [sflag:$0xA], $0x80, s6, s12, $0xb8;
	[tilespmem:$0x1B700] =	vst v63  }
0x1a6: {  	_ =	swait.ge [sflag:s0], $0x2800  }
0x1a7: {  	[sflag:s0] =	ssyncset.done $0x0  }
0x1a8: {  	s3 =	sadd.s32 $0x50, s3;
	[sflag:s0] =	ssyncadd.s32 $0xFFFFD800  }
0x1a9: {  	[tilespmem:s10], [sflag:$0x6] =	stream.linear.gather [hbm4b:s3+s2], $0x50, $0x38;
	[tilespmem:$0x1B700] =	vst v63  }
0x1aa: {  	_ =	swait.ge [sflag:s20], $0x50  }
0x1ab: {  	[sflag:s20] =	ssyncset.done $0x0  }
0x1ac: {  	[sflag:s20] =	ssyncadd.s32 $0xFFFFFFB0  }
0x1ad: {  	[tilespmem:s21], [sflag:$0x9] =	stream.indirect.gather [hbm4b:s1+s12], $0x80, s9, s12, $0xb8;
	[tilespmem:$0x1B700] =	vst v63  }
0x1ae: {  	_ =	swait.ge [sflag:s26], $0x2800  }
0x1af: {  	[sflag:s26] =	ssyncset.done $0x0  }
.Ltmp3:
0x1b0: {  	s3 =	sadd.s32 $0x64, s4;
	[sflag:s26] =	ssyncadd.s32 $0xFFFFD800;
	(pc) =	sbr.rel @p1 .LBB2_6-.Ltmp3, $4  }
0x1b1: {  	[tilespmem:s7], [sflag:$0x2] =	stream.linear.gather [hbm4b:s3+s2], $0x50, $0x38;
	[tilespmem:$0x1B700] =	vst v63  }
0x1b2: {  	_ =	swait.ge [sflag:s28], $0x50  }
0x1b3: {  	[sflag:s28] =	ssyncset.done $0x0  }
0x1b4: {  	[sflag:s28] =	ssyncadd.s32 $0xFFFFFFB0  }
.Ltmp4:
0x1b5: {  	_ = 	snop;
	(pc) =	sbr.rel .LBB2_7-.Ltmp4, $1  }
0x1b6: {  	_ =	sdelay $0x3  }
.LBB2_2:
0x1b7: {  	[tilespmem:s13], [sflag:$0x7] =	stream.indirect.gather [hbm4b:s25+s12], $0x80, s4, s12, $0xb8;
	[tilespmem:$0x1B700] =	vst v63  }
0x1b8: {  	s4 =	rddreg [dreg:$0x16]  }
0x1b9: {  	[spmem:s3], [sflag:s14] =	dma.local [hbm:s4], $0x2780  }
0x1ba: {  	_ =	swait.ge [sflag:s5], $0x2780  }
0x1bb: {  	[sflag:s5] =	ssyncset.done $0x0  }
0x1bc: {  	[sflag:s5] =	ssyncadd.s32 $0xFFFFD880  }
0x1bd: {  	[bflag:$0x0] =	sbarrier.arrive $0xFFFF  }
0x1be: {  	_ =	swait.ge [sflag:s15], $0x50  }
0x1bf: {  	[sflag:s15] =	ssyncset.done $0x0  }
0x1c0: {  	[sflag:s15] =	ssyncadd.s32 $0xFFFFFFB0  }
0x1c1: {  	[tilespmem:s16], [sflag:$0x8] =	stream.indirect.gather [hbm4b:s25+s12], $0x80, s7, s12, $0xb8;
	[tilespmem:$0x1B700] =	vst v63  }
0x1c2: {  	_ =	swait.ge [sflag:s17], $0x2800  }
0x1c3: {  	[sflag:s17] =	ssyncset.done $0x0  }
0x1c4: {  	s14 =	simm.s32 $0x0;
	s5 =	rddreg [dreg:$0x1a];
	[sflag:s17] =	ssyncadd.s32 $0xFFFFD800  }
0x1c5: {  	[tilespmem:s14], [sflag:$0x1] =	stream.linear.gather [hbm4b:s5+s14], $0x50, $0x38;
	[tilespmem:$0x1B700] =	vst v63  }
0x1c6: {  	_ =	swait.ge [sflag:s19], $0x50  }
0x1c7: {  	[sflag:s19] =	ssyncset.done $0x0  }
0x1c8: {  	[sflag:s19] =	ssyncadd.s32 $0xFFFFFFB0  }
0x1c9: {  	[spmem:s22] =	stream.indirect.scatter.add.f32 [tilespmem:s13], [sflag:$0xA], $0x80, s6, s12, $0xb8;
	[tilespmem:$0x1B700] =	vst v63  }
0x1ca: {  	_ =	swait.ge [sflag:s20], $0x50  }
0x1cb: {  	[sflag:s20] =	ssyncset.done $0x0  }
0x1cc: {  	[sflag:s20] =	ssyncadd.s32 $0xFFFFFFB0  }
0x1cd: {  	[tilespmem:s21], [sflag:$0x9] =	stream.indirect.gather [hbm4b:s25+s12], $0x80, s9, s12, $0xb8;
	[tilespmem:$0x1B700] =	vst v63  }
0x1ce: {  	_ =	swait.ge [sflag:s26], $0x2800  }
0x1cf: {  	[sflag:s26] =	ssyncset.done $0x0  }
0x1d0: {  	s5 =	rddreg [dreg:$0x1b];
	[sflag:s26] =	ssyncadd.s32 $0xFFFFD800  }
0x1d1: {  	[tilespmem:s7], [sflag:$0x2] =	stream.linear.gather [hbm4b:s5+s14], $0x50, $0x38;
	[tilespmem:$0x1B700] =	vst v63  }
0x1d2: {  	_ =	swait.ge [sflag:s28], $0x50  }
0x1d3: {  	[sflag:s28] =	ssyncset.done $0x0  }
0x1d4: {  	[sflag:s28] =	ssyncadd.s32 $0xFFFFFFB0  }
0x1d5: {  	[spmem:s22] =	stream.indirect.scatter.add.f32 [tilespmem:s16], [sflag:$0xB], $0x80, s8, s12, $0xb8;
	[tilespmem:$0x1B700] =	vst v63  }
0x1d6: {  	_ =	swait.ge [sflag:s29], $0x2800  }
0x1d7: {  	s3 =	sadd.s32 $0x0, s24;
	[sflag:s29] =	ssyncset.done $0x0  }
0x1d8: {  	s14 =	sadd.s32 $0x1E, s3;
	[sflag:s29] =	ssyncadd.s32 $0xFFFFD800  }
0x1d9: {  	[tilespmem:s6], [sflag:$0x4] =	stream.linear.gather [hbm4b:s14+s2], $0x50, $0x38;
	[tilespmem:$0x1B700] =	vst v63  }
0x1da: {  	_ =	swait.ge [sflag:s11], $0x50  }
0x1db: {  	[sflag:s11] =	ssyncset.done $0x0  }
0x1dc: {  	[sflag:s11] =	ssyncadd.s32 $0xFFFFFFB0  }
0x1dd: {  	[tilespmem:s13], [sflag:$0x7] =	stream.indirect.gather [hbm4b:s25+s12], $0x80, s2, s12, $0xb8;
	[tilespmem:$0x1B700] =	vst v63  }
0x1de: {  	_ =	swait.ge [sflag:s30], $0x2800  }
0x1df: {  	s4 =	sadd.s32 $0x0, s23;
	[sflag:s30] =	ssyncset.done $0x0  }
0x1e0: {  	s5 =	sadd.s32 $0x32, s4;
	[sflag:s30] =	ssyncadd.s32 $0xFFFFD800  }
0x1e1: {  	[tilespmem:s9], [sflag:$0x3] =	stream.linear.gather [hbm4b:s5+s2], $0x50, $0x38;
	[tilespmem:$0x1B700] =	vst v63  }
0x1e2: {  	_ =	swait.ge [sflag:s31], $0x50  }
0x1e3: {  	[sflag:s31] =	ssyncset.done $0x0  }
0x1e4: {  	[sflag:s31] =	ssyncadd.s32 $0xFFFFFFB0  }
0x1e5: {  	[spmem:s22] =	stream.indirect.scatter.add.f32 [tilespmem:s21], [sflag:$0xC], $0x80, s10, s12, $0xb8;
	[tilespmem:$0x1B700] =	vst v63  }
0x1e6: {  	_ =	swait.ge [sflag:s18], $0x2800  }
0x1e7: {  	[sflag:s18] =	ssyncset.done $0x0  }
0x1e8: {  	s5 =	sadd.s32 $0x28, s3;
	[sflag:s18] =	ssyncadd.s32 $0xFFFFD800  }
0x1e9: {  	[tilespmem:s8], [sflag:$0x5] =	stream.linear.gather [hbm4b:s5+s2], $0x50, $0x38;
	[tilespmem:$0x1B700] =	vst v63  }
0x1ea: {  	_ =	swait.ge [sflag:s15], $0x50  }
0x1eb: {  	[sflag:s15] =	ssyncset.done $0x0  }
0x1ec: {  	[sflag:s15] =	ssyncadd.s32 $0xFFFFFFB0  }
0x1ed: {  	[tilespmem:s16], [sflag:$0x8] =	stream.indirect.gather [hbm4b:s25+s12], $0x80, s7, s12, $0xb8;
	[tilespmem:$0x1B700] =	vst v63  }
0x1ee: {  	_ =	swait.ge [sflag:s17], $0x2800  }
0x1ef: {  	[sflag:s17] =	ssyncset.done $0x0  }
0x1f0: {  	s5 =	sadd.s32 $0x3C, s4;
	[sflag:s17] =	ssyncadd.s32 $0xFFFFD800  }
0x1f1: {  	[tilespmem:s2], [sflag:$0x1] =	stream.linear.gather [hbm4b:s5+s2], $0x50, $0x38;
	[tilespmem:$0x1B700] =	vst v63  }
0x1f2: {  	_ =	swait.ge [sflag:s19], $0x50  }
0x1f3: {  	[sflag:s19] =	ssyncset.done $0x0  }
0x1f4: {  	[sflag:s19] =	ssyncadd.s32 $0xFFFFFFB0  }
0x1f5: {  	[spmem:s22] =	stream.indirect.scatter.add.f32 [tilespmem:s13], [sflag:$0xA], $0x80, s6, s12, $0xb8;
	[tilespmem:$0x1B700] =	vst v63  }
0x1f6: {  	_ =	swait.ge [sflag:s0], $0x2800  }
0x1f7: {  	[sflag:s0] =	ssyncset.done $0x0  }
0x1f8: {  	s5 =	sadd.s32 $0x32, s3;
	[sflag:s0] =	ssyncadd.s32 $0xFFFFD800  }
0x1f9: {  	[tilespmem:s10], [sflag:$0x6] =	stream.linear.gather [hbm4b:s5+s2], $0x50, $0x38;
	[tilespmem:$0x1B700] =	vst v63  }
0x1fa: {  	_ =	swait.ge [sflag:s20], $0x50  }
0x1fb: {  	[sflag:s20] =	ssyncset.done $0x0  }
0x1fc: {  	[sflag:s20] =	ssyncadd.s32 $0xFFFFFFB0  }
0x1fd: {  	[tilespmem:s21], [sflag:$0x9] =	stream.indirect.gather [hbm4b:s25+s12], $0x80, s9, s12, $0xb8;
	[tilespmem:$0x1B700] =	vst v63  }
0x1fe: {  	_ =	swait.ge [sflag:s26], $0x2800  }
0x1ff: {  	[sflag:s26] =	ssyncset.done $0x0  }
0x200: {  	s5 =	sadd.s32 $0x46, s4;
	[sflag:s26] =	ssyncadd.s32 $0xFFFFD800  }
0x201: {  	[tilespmem:s7], [sflag:$0x2] =	stream.linear.gather [hbm4b:s5+s2], $0x50, $0x38;
	[tilespmem:$0x1B700] =	vst v63  }
0x202: {  	_ =	swait.ge [sflag:s28], $0x50  }
0x203: {  	[sflag:s28] =	ssyncset.done $0x0  }
0x204: {  	[sflag:s28] =	ssyncadd.s32 $0xFFFFFFB0  }
0x205: {  	[spmem:s22] =	stream.indirect.scatter.add.f32 [tilespmem:s16], [sflag:$0xB], $0x80, s8, s12, $0xb8;
	[tilespmem:$0x1B700] =	vst v63  }
0x206: {  	_ =	swait.ge [sflag:s29], $0x2800  }
0x207: {  	[sflag:s29] =	ssyncset.done $0x0  }
0x208: {  	s5 =	sadd.s32 $0x3C, s3;
	[sflag:s29] =	ssyncadd.s32 $0xFFFFD800  }
0x209: {  	[tilespmem:s6], [sflag:$0x4] =	stream.linear.gather [hbm4b:s5+s2], $0x50, $0x38;
	[tilespmem:$0x1B700] =	vst v63  }
0x20a: {  	_ =	swait.ge [sflag:s11], $0x50  }
0x20b: {  	[sflag:s11] =	ssyncset.done $0x0  }
0x20c: {  	[sflag:s11] =	ssyncadd.s32 $0xFFFFFFB0  }
0x20d: {  	[tilespmem:s13], [sflag:$0x7] =	stream.indirect.gather [hbm4b:s25+s12], $0x80, s2, s12, $0xb8;
	[tilespmem:$0x1B700] =	vst v63  }
0x20e: {  	_ =	swait.ge [sflag:s30], $0x2800  }
0x20f: {  	[sflag:s30] =	ssyncset.done $0x0  }
0x210: {  	s5 =	sadd.s32 $0x50, s4;
	[sflag:s30] =	ssyncadd.s32 $0xFFFFD800  }
0x211: {  	[tilespmem:s9], [sflag:$0x3] =	stream.linear.gather [hbm4b:s5+s2], $0x50, $0x38;
	[tilespmem:$0x1B700] =	vst v63  }
0x212: {  	_ =	swait.ge [sflag:s31], $0x50  }
0x213: {  	[sflag:s31] =	ssyncset.done $0x0  }
0x214: {  	[sflag:s31] =	ssyncadd.s32 $0xFFFFFFB0  }
0x215: {  	[spmem:s22] =	stream.indirect.scatter.add.f32 [tilespmem:s21], [sflag:$0xC], $0x80, s10, s12, $0xb8;
	[tilespmem:$0x1B700] =	vst v63  }
0x216: {  	_ =	swait.ge [sflag:s18], $0x2800  }
0x217: {  	[sflag:s18] =	ssyncset.done $0x0  }
0x218: {  	s5 =	sadd.s32 $0x46, s3;
	[sflag:s18] =	ssyncadd.s32 $0xFFFFD800  }
0x219: {  	[tilespmem:s8], [sflag:$0x5] =	stream.linear.gather [hbm4b:s5+s2], $0x50, $0x38;
	[tilespmem:$0x1B700] =	vst v63  }
0x21a: {  	_ =	swait.ge [sflag:s15], $0x50  }
0x21b: {  	[sflag:s15] =	ssyncset.done $0x0  }
0x21c: {  	[sflag:s15] =	ssyncadd.s32 $0xFFFFFFB0  }
0x21d: {  	[tilespmem:s16], [sflag:$0x8] =	stream.indirect.gather [hbm4b:s25+s12], $0x80, s7, s12, $0xb8;
	[tilespmem:$0x1B700] =	vst v63  }
0x21e: {  	_ =	swait.ge [sflag:s17], $0x2800  }
0x21f: {  	[sflag:s17] =	ssyncset.done $0x0  }
0x220: {  	s5 =	sadd.s32 $0x5A, s4;
	[sflag:s17] =	ssyncadd.s32 $0xFFFFD800  }
0x221: {  	[tilespmem:s2], [sflag:$0x1] =	stream.linear.gather [hbm4b:s5+s2], $0x50, $0x38;
	[tilespmem:$0x1B700] =	vst v63  }
0x222: {  	_ =	swait.ge [sflag:s19], $0x50  }
0x223: {  	[sflag:s19] =	ssyncset.done $0x0  }
0x224: {  	[sflag:s19] =	ssyncadd.s32 $0xFFFFFFB0  }
0x225: {  	[spmem:s22] =	stream.indirect.scatter.add.f32 [tilespmem:s13], [sflag:$0xA], $0x80, s6, s12, $0xb8;
	[tilespmem:$0x1B700] =	vst v63  }
0x226: {  	_ =	swait.ge [sflag:s0], $0x2800  }
0x227: {  	[sflag:s0] =	ssyncset.done $0x0  }
0x228: {  	s3 =	sadd.s32 $0x50, s3;
	[sflag:s0] =	ssyncadd.s32 $0xFFFFD800  }
0x229: {  	[tilespmem:s10], [sflag:$0x6] =	stream.linear.gather [hbm4b:s3+s2], $0x50, $0x38;
	[tilespmem:$0x1B700] =	vst v63  }
0x22a: {  	_ =	swait.ge [sflag:s20], $0x50  }
0x22b: {  	[sflag:s20] =	ssyncset.done $0x0  }
0x22c: {  	[sflag:s20] =	ssyncadd.s32 $0xFFFFFFB0  }
0x22d: {  	[tilespmem:s21], [sflag:$0x9] =	stream.indirect.gather [hbm4b:s25+s12], $0x80, s9, s12, $0xb8;
	[tilespmem:$0x1B700] =	vst v63  }
0x22e: {  	_ =	swait.ge [sflag:s26], $0x2800  }
0x22f: {  	[sflag:s26] =	ssyncset.done $0x0  }
0x230: {  	s14 =	sadd.s32 $0x64, s4;
	[sflag:s26] =	ssyncadd.s32 $0xFFFFD800  }
0x231: {  	[tilespmem:s7], [sflag:$0x2] =	stream.linear.gather [hbm4b:s14+s2], $0x50, $0x38;
	[tilespmem:$0x1B700] =	vst v63  }
0x232: {  	_ =	swait.ge [sflag:s28], $0x50  }
0x233: {  	[sflag:s28] =	ssyncset.done $0x0  }
0x234: {  	s14 =	simm.s32 $0x3C;
	[sflag:s28] =	ssyncadd.s32 $0xFFFFFFB0  }
.LBB2_3:
0x235: {  	[spmem:s22] =	stream.indirect.scatter.add.f32 [tilespmem:s16], [sflag:$0xB], $0x80, s8, s12, $0xb8;
	[tilespmem:$0x1B700] =	vst v63  }
0x236: {  	s4 =	smov.u32 s14  }
0x237: {  	p1 =	seq.s32 s14, $0x438;
	s14 =	sadd.s32 $0x3C, s14;
	_ =	swait.ge [sflag:s29], $0x2800  }
0x238: {  	s3 =	sadd.s32 s4, s24;
	[sflag:s29] =	ssyncset.done $0x0  }
0x239: {  	s5 =	sadd.s32 $0x1E, s3;
	[sflag:s29] =	ssyncadd.s32 $0xFFFFD800  }
0x23a: {  	[tilespmem:s6], [sflag:$0x4] =	stream.linear.gather [hbm4b:s5+s2], $0x50, $0x38;
	[tilespmem:$0x1B700] =	vst v63  }
0x23b: {  	_ =	swait.ge [sflag:s11], $0x50  }
0x23c: {  	[sflag:s11] =	ssyncset.done $0x0  }
0x23d: {  	[sflag:s11] =	ssyncadd.s32 $0xFFFFFFB0  }
0x23e: {  	[tilespmem:s13], [sflag:$0x7] =	stream.indirect.gather [hbm4b:s25+s12], $0x80, s2, s12, $0xb8;
	[tilespmem:$0x1B700] =	vst v63  }
0x23f: {  	_ =	swait.ge [sflag:s30], $0x2800  }
0x240: {  	s4 =	sadd.s32 s4, s23;
	[sflag:s30] =	ssyncset.done $0x0  }
0x241: {  	s5 =	sadd.s32 $0x32, s4;
	[sflag:s30] =	ssyncadd.s32 $0xFFFFD800  }
0x242: {  	[tilespmem:s9], [sflag:$0x3] =	stream.linear.gather [hbm4b:s5+s2], $0x50, $0x38;
	[tilespmem:$0x1B700] =	vst v63  }
0x243: {  	_ =	swait.ge [sflag:s31], $0x50  }
0x244: {  	[sflag:s31] =	ssyncset.done $0x0  }
0x245: {  	[sflag:s31] =	ssyncadd.s32 $0xFFFFFFB0  }
0x246: {  	[spmem:s22] =	stream.indirect.scatter.add.f32 [tilespmem:s21], [sflag:$0xC], $0x80, s10, s12, $0xb8;
	[tilespmem:$0x1B700] =	vst v63  }
0x247: {  	_ =	swait.ge [sflag:s18], $0x2800  }
0x248: {  	[sflag:s18] =	ssyncset.done $0x0  }
0x249: {  	s5 =	sadd.s32 $0x28, s3;
	[sflag:s18] =	ssyncadd.s32 $0xFFFFD800  }
0x24a: {  	[tilespmem:s8], [sflag:$0x5] =	stream.linear.gather [hbm4b:s5+s2], $0x50, $0x38;
	[tilespmem:$0x1B700] =	vst v63  }
0x24b: {  	_ =	swait.ge [sflag:s15], $0x50  }
0x24c: {  	[sflag:s15] =	ssyncset.done $0x0  }
0x24d: {  	[sflag:s15] =	ssyncadd.s32 $0xFFFFFFB0  }
0x24e: {  	[tilespmem:s16], [sflag:$0x8] =	stream.indirect.gather [hbm4b:s25+s12], $0x80, s7, s12, $0xb8;
	[tilespmem:$0x1B700] =	vst v63  }
0x24f: {  	_ =	swait.ge [sflag:s17], $0x2800  }
0x250: {  	[sflag:s17] =	ssyncset.done $0x0  }
0x251: {  	s5 =	sadd.s32 $0x3C, s4;
	[sflag:s17] =	ssyncadd.s32 $0xFFFFD800  }
0x252: {  	[tilespmem:s2], [sflag:$0x1] =	stream.linear.gather [hbm4b:s5+s2], $0x50, $0x38;
	[tilespmem:$0x1B700] =	vst v63  }
0x253: {  	_ =	swait.ge [sflag:s19], $0x50  }
0x254: {  	[sflag:s19] =	ssyncset.done $0x0  }
0x255: {  	[sflag:s19] =	ssyncadd.s32 $0xFFFFFFB0  }
0x256: {  	[spmem:s22] =	stream.indirect.scatter.add.f32 [tilespmem:s13], [sflag:$0xA], $0x80, s6, s12, $0xb8;
	[tilespmem:$0x1B700] =	vst v63  }
0x257: {  	_ =	swait.ge [sflag:s0], $0x2800  }
0x258: {  	[sflag:s0] =	ssyncset.done $0x0  }
0x259: {  	s5 =	sadd.s32 $0x32, s3;
	[sflag:s0] =	ssyncadd.s32 $0xFFFFD800  }
0x25a: {  	[tilespmem:s10], [sflag:$0x6] =	stream.linear.gather [hbm4b:s5+s2], $0x50, $0x38;
	[tilespmem:$0x1B700] =	vst v63  }
0x25b: {  	_ =	swait.ge [sflag:s20], $0x50  }
0x25c: {  	[sflag:s20] =	ssyncset.done $0x0  }
0x25d: {  	[sflag:s20] =	ssyncadd.s32 $0xFFFFFFB0  }
0x25e: {  	[tilespmem:s21], [sflag:$0x9] =	stream.indirect.gather [hbm4b:s25+s12], $0x80, s9, s12, $0xb8;
	[tilespmem:$0x1B700] =	vst v63  }
0x25f: {  	_ =	swait.ge [sflag:s26], $0x2800  }
0x260: {  	[sflag:s26] =	ssyncset.done $0x0  }
0x261: {  	s5 =	sadd.s32 $0x46, s4;
	[sflag:s26] =	ssyncadd.s32 $0xFFFFD800  }
0x262: {  	[tilespmem:s7], [sflag:$0x2] =	stream.linear.gather [hbm4b:s5+s2], $0x50, $0x38;
	[tilespmem:$0x1B700] =	vst v63  }
0x263: {  	_ =	swait.ge [sflag:s28], $0x50  }
0x264: {  	[sflag:s28] =	ssyncset.done $0x0  }
0x265: {  	[sflag:s28] =	ssyncadd.s32 $0xFFFFFFB0  }
0x266: {  	[spmem:s22] =	stream.indirect.scatter.add.f32 [tilespmem:s16], [sflag:$0xB], $0x80, s8, s12, $0xb8;
	[tilespmem:$0x1B700] =	vst v63  }
0x267: {  	_ =	swait.ge [sflag:s29], $0x2800  }
0x268: {  	[sflag:s29] =	ssyncset.done $0x0  }
0x269: {  	s5 =	sadd.s32 $0x3C, s3;
	[sflag:s29] =	ssyncadd.s32 $0xFFFFD800  }
0x26a: {  	[tilespmem:s6], [sflag:$0x4] =	stream.linear.gather [hbm4b:s5+s2], $0x50, $0x38;
	[tilespmem:$0x1B700] =	vst v63  }
0x26b: {  	_ =	swait.ge [sflag:s11], $0x50  }
0x26c: {  	[sflag:s11] =	ssyncset.done $0x0  }
0x26d: {  	[sflag:s11] =	ssyncadd.s32 $0xFFFFFFB0  }
0x26e: {  	[tilespmem:s13], [sflag:$0x7] =	stream.indirect.gather [hbm4b:s25+s12], $0x80, s2, s12, $0xb8;
	[tilespmem:$0x1B700] =	vst v63  }
0x26f: {  	_ =	swait.ge [sflag:s30], $0x2800  }
0x270: {  	[sflag:s30] =	ssyncset.done $0x0  }
0x271: {  	s5 =	sadd.s32 $0x50, s4;
	[sflag:s30] =	ssyncadd.s32 $0xFFFFD800  }
0x272: {  	[tilespmem:s9], [sflag:$0x3] =	stream.linear.gather [hbm4b:s5+s2], $0x50, $0x38;
	[tilespmem:$0x1B700] =	vst v63  }
0x273: {  	_ =	swait.ge [sflag:s31], $0x50  }
0x274: {  	[sflag:s31] =	ssyncset.done $0x0  }
0x275: {  	[sflag:s31] =	ssyncadd.s32 $0xFFFFFFB0  }
0x276: {  	[spmem:s22] =	stream.indirect.scatter.add.f32 [tilespmem:s21], [sflag:$0xC], $0x80, s10, s12, $0xb8;
	[tilespmem:$0x1B700] =	vst v63  }
0x277: {  	_ =	swait.ge [sflag:s18], $0x2800  }
0x278: {  	[sflag:s18] =	ssyncset.done $0x0  }
0x279: {  	s5 =	sadd.s32 $0x46, s3;
	[sflag:s18] =	ssyncadd.s32 $0xFFFFD800  }
0x27a: {  	[tilespmem:s8], [sflag:$0x5] =	stream.linear.gather [hbm4b:s5+s2], $0x50, $0x38;
	[tilespmem:$0x1B700] =	vst v63  }
0x27b: {  	_ =	swait.ge [sflag:s15], $0x50  }
0x27c: {  	[sflag:s15] =	ssyncset.done $0x0  }
0x27d: {  	[sflag:s15] =	ssyncadd.s32 $0xFFFFFFB0  }
0x27e: {  	[tilespmem:s16], [sflag:$0x8] =	stream.indirect.gather [hbm4b:s25+s12], $0x80, s7, s12, $0xb8;
	[tilespmem:$0x1B700] =	vst v63  }
0x27f: {  	_ =	swait.ge [sflag:s17], $0x2800  }
0x280: {  	[sflag:s17] =	ssyncset.done $0x0  }
0x281: {  	s5 =	sadd.s32 $0x5A, s4;
	[sflag:s17] =	ssyncadd.s32 $0xFFFFD800  }
0x282: {  	[tilespmem:s2], [sflag:$0x1] =	stream.linear.gather [hbm4b:s5+s2], $0x50, $0x38;
	[tilespmem:$0x1B700] =	vst v63  }
0x283: {  	_ =	swait.ge [sflag:s19], $0x50  }
0x284: {  	[sflag:s19] =	ssyncset.done $0x0  }
0x285: {  	[sflag:s19] =	ssyncadd.s32 $0xFFFFFFB0  }
0x286: {  	[spmem:s22] =	stream.indirect.scatter.add.f32 [tilespmem:s13], [sflag:$0xA], $0x80, s6, s12, $0xb8;
	[tilespmem:$0x1B700] =	vst v63  }
0x287: {  	_ =	swait.ge [sflag:s0], $0x2800  }
0x288: {  	[sflag:s0] =	ssyncset.done $0x0  }
0x289: {  	s3 =	sadd.s32 $0x50, s3;
	[sflag:s0] =	ssyncadd.s32 $0xFFFFD800  }
0x28a: {  	[tilespmem:s10], [sflag:$0x6] =	stream.linear.gather [hbm4b:s3+s2], $0x50, $0x38;
	[tilespmem:$0x1B700] =	vst v63  }
0x28b: {  	_ =	swait.ge [sflag:s20], $0x50  }
0x28c: {  	[sflag:s20] =	ssyncset.done $0x0  }
0x28d: {  	[sflag:s20] =	ssyncadd.s32 $0xFFFFFFB0  }
0x28e: {  	[tilespmem:s21], [sflag:$0x9] =	stream.indirect.gather [hbm4b:s25+s12], $0x80, s9, s12, $0xb8;
	[tilespmem:$0x1B700] =	vst v63  }
0x28f: {  	_ =	swait.ge [sflag:s26], $0x2800  }
0x290: {  	[sflag:s26] =	ssyncset.done $0x0  }
.Ltmp5:
0x291: {  	s3 =	sadd.s32 $0x64, s4;
	[sflag:s26] =	ssyncadd.s32 $0xFFFFD800;
	(pc) =	sbr.rel @!p1 .LBB2_3-.Ltmp5, $4  }
0x292: {  	[tilespmem:s7], [sflag:$0x2] =	stream.linear.gather [hbm4b:s3+s2], $0x50, $0x38;
	[tilespmem:$0x1B700] =	vst v63  }
0x293: {  	_ =	swait.ge [sflag:s28], $0x50  }
0x294: {  	[sflag:s28] =	ssyncset.done $0x0  }
0x295: {  	[sflag:s28] =	ssyncadd.s32 $0xFFFFFFB0  }
.Ltmp6:
0x296: {  	(pc) =	sbr.rel .LBB2_8-.Ltmp6, $3  }
0x297: {  	_ =	sdelay $0x1  }
0x298: {  	[spmem:s22] =	stream.indirect.scatter.add.f32 [tilespmem:s16], [sflag:$0xB], $0x80, s8, s12, $0xb8;
	[tilespmem:$0x1B700] =	vst v63  }
0x299: {  	s3 =	smov.u32 s25;
	s5 =	simm.s32 $0xD  }
.LBB2_9:
0x29a: {  	_ =	sfence.sel $0x180000  }
0x29b: {  	[bflag:$0x0] =	sbarrier.arrive $0xFFFF  }
0x29c: {  	_ =	strace $0x90000047  }
0x29d: {  	s0 =	stileid.u32;
	[bflag:$0x2] =	sbarrier.arrive $0xFFFF  }
0x29e: {  	p0 =	sne.s32 s0, $0x0;
	s0 =	rddreg [dreg:$0x3]  }
0x29f: {  	s0 =	sadd.s32 @!p0 $0x100000, s0  }
0x2a0: {  	[sflag:s0] =	ssyncadd.tile.s32 @!p0 $0x1;
	_ =	shalt  }
.Lfunc_end2:
_tile_overlayer_lowered:
.L_overlay_start_2:
0x2a1: {  	(tag) =	ssettag $0x2  }
0x2a2: {  	s0 =	rddreg [dreg:$0x0];
	s2 =	stileid.u32  }
0x2a3: {  	s1 =	rddreg [dreg:$0x1];
	p0 =	sne.s32 s2, $0x0  }
0x2a4: {  	s3 =	rddreg [dreg:$0x2];
	[bflag:$0x3] =	sbarrier.arrive $0xFFFF;
	s2 =	simm.s32 @!p0 $0x1C0D  }
0x2a5: {  	[timem:s3], [sflag:s2] =	dma.local @!p0 [hbm:s0], s1  }
0x2a6: {  	s0 =	simm.s32 @!p0 $0xD  }
0x2a7: {  	_ =	swait.ge @!p0 [sflag:s0], s1  }
0x2a8: {  	s1 =	ssub.s32 @!p0 $0x0, s1;
	[sflag:s0] =	ssyncset.done @!p0 $0x0  }
0x2a9: {  	[sflag:s0] =	ssyncadd.s32 @!p0 s1  }
0x2aa: {  	[bflag:$0x3] =	sbarrier.arrive $0xFFFF  }
0x2ab: {  	_ =	shalt  }

</sc_bundles>
